<compile_context>
chip_gen: v7x
topology: tpu7x:2x2x1
jax: 0.10.2.dev20260603
libtpu: 0.0.44.dev20260713+nightly
codegen_flags: <defaults>
</compile_context>

<pallas_src>
import functools

import jax
import jax.numpy as jnp
from jax import lax
from jax.experimental import pallas as pl
from jax.experimental.pallas import tpu as pltpu
from jax.experimental.pallas import tpu_sc as plsc

_N = 10000
_E = 160000
_DIN = 128
_DE = 16
_NF = 32
_NH = 8
_CW = 16

_CH = 1000
_NCH = _E // _CH
_NW = 32
_GT = _NCH // _NW
_RPT = _N // 16
_CPS = (_E // 2) // _CH
_ST = _CPS // 16

_mesh = plsc.VectorSubcoreMesh(core_axis_name="c", subcore_axis_name="s")
_SC_PARAMS = pltpu.CompilerParams(use_tc_tiling_on_sc=False)

def _dot(a, b):
    return jnp.dot(a, b, preferred_element_type=jnp.float32)



def _node_proj_body(h_ref, w0_ref, b0_ref, o_ref):
    o_ref[...] = jnp.maximum(_dot(h_ref[...], w0_ref[...]) + b0_ref[...], 0.0)


def _node_proj(h, w0, b0r):
    bn = 2000
    return pl.pallas_call(
        _node_proj_body,
        grid=(_N // bn,),
        in_specs=[
            pl.BlockSpec((bn, _DIN), lambda i: (i, 0)),
            pl.BlockSpec((_DIN, _NF), lambda i: (0, 0)),
            pl.BlockSpec((1, _NF), lambda i: (0, 0)),
        ],
        out_specs=pl.BlockSpec((bn, _NF), lambda i: (i, 0)),
        out_shape=jax.ShapeDtypeStruct((_N, _NF), jnp.float32),
    )(h, w0, b0r)


def _msg_body(xjp_ref, ea4_ref, ws_ref, bs_ref, w1_ref, b1_ref,
              w2a_ref, w2b_ref, r4_ref, s4_ref, msgp_ref):
    t4 = jnp.maximum(_dot(ea4_ref[...], ws_ref[...]) + bs_ref[...], 0.0)
    hid4 = jnp.maximum(_dot(t4, w1_ref[...]) + b1_ref[...], 0.0)
    xjp = xjp_ref[...]
    ya = _dot(xjp, w2a_ref[...])
    yb = _dot(xjp, w2b_ref[...])
    hidx = _dot(hid4, r4_ref[...])
    msgp_ref[...] = _dot(hidx * ya, s4_ref[...]) + yb


def _msg(xjp, ea4, wsbd, bs4, w1bd, b14, w2a, w2b, r4, s4):
    bt4 = 2000
    e4 = _E // 4
    return pl.pallas_call(
        _msg_body,
        grid=(e4 // bt4,),
        in_specs=[
            pl.BlockSpec((bt4, 128), lambda i: (i, 0)),
            pl.BlockSpec((bt4, 4 * _DE), lambda i: (i, 0)),
            pl.BlockSpec((4 * _DE, 4 * _NF), lambda i: (0, 0)),
            pl.BlockSpec((1, 4 * _NF), lambda i: (0, 0)),
            pl.BlockSpec((4 * _NF, 4 * _NH), lambda i: (0, 0)),
            pl.BlockSpec((1, 4 * _NH), lambda i: (0, 0)),
            pl.BlockSpec((128, 4 * _NH * _NF), lambda i: (0, 0)),
            pl.BlockSpec((128, 128), lambda i: (0, 0)),
            pl.BlockSpec((4 * _NH, 4 * _NH * _NF), lambda i: (0, 0)),
            pl.BlockSpec((4 * _NH * _NF, 128), lambda i: (0, 0)),
        ],
        out_specs=pl.BlockSpec((bt4, 128), lambda i: (i, 0)),
        out_shape=jax.ShapeDtypeStruct((e4, 128), jnp.float32),
    )(xjp, ea4, wsbd, bs4, w1bd, b14, w2a, w2b, r4, s4)


def _update_body(agg2_ref, cnt2_ref, out_ref, root_ref, bias_ref,
                 wih_ref, bih_ref, whh_ref, bhh_ref, new_ref):
    cnt = jnp.maximum(cnt2_ref[0, :, 0:1] + cnt2_ref[1, :, 0:1], 1.0)
    agg = (agg2_ref[0] + agg2_ref[1]) / cnt
    out = out_ref[...]
    m = jnp.maximum(agg + _dot(out, root_ref[...]) + bias_ref[...], 0.0)
    gi = _dot(m, wih_ref[...]) + bih_ref[...]
    gh = _dot(out, whh_ref[...]) + bhh_ref[...]
    r = jax.nn.sigmoid(gi[:, :_NF] + gh[:, :_NF])
    z = jax.nn.sigmoid(gi[:, _NF:2 * _NF] + gh[:, _NF:2 * _NF])
    n = jnp.tanh(gi[:, 2 * _NF:] + r * gh[:, 2 * _NF:])
    new_ref[...] = (1.0 - z) * n + z * out


def _update(agg2, cnt2, out, root, biasr, wih_t, bihr, whh_t, bhhr):
    bn = 2000
    return pl.pallas_call(
        _update_body,
        grid=(_N // bn,),
        in_specs=[
            pl.BlockSpec((2, bn, _NF), lambda i: (0, i, 0)),
            pl.BlockSpec((2, bn, _CW), lambda i: (0, i, 0)),
            pl.BlockSpec((bn, _NF), lambda i: (i, 0)),
            pl.BlockSpec((_NF, _NF), lambda i: (0, 0)),
            pl.BlockSpec((1, _NF), lambda i: (0, 0)),
            pl.BlockSpec((_NF, 3 * _NF), lambda i: (0, 0)),
            pl.BlockSpec((1, 3 * _NF), lambda i: (0, 0)),
            pl.BlockSpec((_NF, 3 * _NF), lambda i: (0, 0)),
            pl.BlockSpec((1, 3 * _NF), lambda i: (0, 0)),
        ],
        out_specs=pl.BlockSpec((bn, _NF), lambda i: (i, 0)),
        out_shape=jax.ShapeDtypeStruct((_N, _NF), jnp.float32),
    )(agg2, cnt2, out, root, biasr, wih_t, bihr, whh_t, bhhr)



def _sc_gather(table, src):

    @functools.partial(
        pl.kernel,
        mesh=_mesh,
        compiler_params=_SC_PARAMS,
        out_type=jax.ShapeDtypeStruct((_E, _NF), jnp.float32),
        scratch_types=[
            pltpu.VMEM((_CH,), jnp.int32),
            pltpu.VMEM((_CH,), jnp.int32),
            pltpu.VMEM((_CH, _NF), jnp.float32),
            pltpu.VMEM((_CH, _NF), jnp.float32),
            pltpu.SemaphoreType.DMA,
            pltpu.SemaphoreType.DMA,
            pltpu.SemaphoreType.DMA,
            pltpu.SemaphoreType.DMA,
            pltpu.SemaphoreType.DMA,
            pltpu.SemaphoreType.DMA,
        ],
    )
    def k(table_hbm, src_hbm, xj_hbm, i0, i1, r0, r1,
          si0, si1, sg0, sg1, ss0, ss1):
        wid = lax.axis_index("s") * 2 + lax.axis_index("c")
        idx = [i0, i1]
        rows = [r0, r1]
        sis = [si0, si1]
        sgs = [sg0, sg1]
        sss = [ss0, ss1]

        def base(j):
            return (wid + j * _NW) * _CH

        hi = [None] * _GT
        hs = [None] * _GT
        hi[0] = pltpu.async_copy(src_hbm.at[pl.ds(base(0), _CH)], idx[0],
                                 sis[0])
        for j in range(_GT):
            if j + 1 < _GT:
                b = (j + 1) % 2
                hi[j + 1] = pltpu.async_copy(
                    src_hbm.at[pl.ds(base(j + 1), _CH)], idx[b], sis[b])
            hi[j].wait()
            if j >= 2:
                hs[j - 2].wait()
            pltpu.async_copy(table_hbm.at[idx[j % 2]], rows[j % 2],
                             sgs[j % 2]).wait()
            hs[j] = pltpu.async_copy(rows[j % 2],
                                     xj_hbm.at[pl.ds(base(j), _CH)],
                                     sss[j % 2])
        hs[_GT - 2].wait()
        hs[_GT - 1].wait()

    return k(table, src)


def _make_sc_scatter(with_counts):
    outs = [jax.ShapeDtypeStruct((2, _N, _NF), jnp.float32)]
    scratch = [
        pltpu.VMEM((_CH,), jnp.int32),
        pltpu.VMEM((_CH,), jnp.int32),
        pltpu.VMEM((_CH, _NF), jnp.float32),
        pltpu.VMEM((_CH, _NF), jnp.float32),
        pltpu.VMEM_SHARED((_N, _NF), jnp.float32),
        pltpu.SemaphoreType.DMA,
        pltpu.SemaphoreType.DMA,
        pltpu.SemaphoreType.DMA,
        pltpu.SemaphoreType.DMA,
    ]
    if with_counts:
        outs.append(jax.ShapeDtypeStruct((2, _N, _CW), jnp.float32))
        scratch.append(pltpu.VMEM((_CH, _CW), jnp.float32))
        scratch.append(pltpu.VMEM_SHARED((_N, _CW), jnp.float32))

    def body(*refs):
        if with_counts:
            (msg_hbm, dst_hbm, z32_hbm, z16_hbm, ones_hbm, agg2_hbm,
             cnt2_hbm, i0, i1, v0, v1, agg_s, si0, si1, sv0, sv1,
             ones_v, cnt_s) = refs
        else:
            (msg_hbm, dst_hbm, z32_hbm, z16_hbm, ones_hbm, agg2_hbm,
             i0, i1, v0, v1, agg_s, si0, si1, sv0, sv1) = refs
        cid = lax.axis_index("c")
        sid = lax.axis_index("s")
        row0 = sid * _RPT
        idx = [i0, i1]
        val = [v0, v1]
        sis = [si0, si1]
        svs = [sv0, sv1]

        def base(j):
            return (cid * _CPS + sid + j * 16) * _CH

        def msg_slice(j):
            return msg_hbm.at[pl.ds(base(j), _CH)]

        pltpu.sync_copy(z32_hbm, agg_s.at[pl.ds(row0, _RPT)])
        if with_counts:
            pltpu.sync_copy(z16_hbm, cnt_s.at[pl.ds(row0, _RPT)])
            pltpu.sync_copy(ones_hbm, ones_v)
        plsc.subcore_barrier()

        hi = [None] * _ST
        hv = [None] * _ST
        hi[0] = pltpu.async_copy(dst_hbm.at[pl.ds(base(0), _CH)], idx[0],
                                 sis[0])
        hv[0] = pltpu.async_copy(msg_slice(0), val[0], svs[0])
        for j in range(_ST):
            if j + 1 < _ST:
                b = (j + 1) % 2
                hi[j + 1] = pltpu.async_copy(
                    dst_hbm.at[pl.ds(base(j + 1), _CH)], idx[b], sis[b])
                hv[j + 1] = pltpu.async_copy(msg_slice(j + 1), val[b], svs[b])
            hi[j].wait()
            hv[j].wait()
            pltpu.sync_copy(val[j % 2], agg_s.at[idx[j % 2]], add=True)
            if with_counts:
                pltpu.sync_copy(ones_v, cnt_s.at[idx[j % 2]], add=True)

        plsc.subcore_barrier()
        pltpu.sync_copy(agg_s.at[pl.ds(row0, _RPT)],
                        agg2_hbm.at[cid, pl.ds(row0, _RPT)])
        if with_counts:
            pltpu.sync_copy(cnt_s.at[pl.ds(row0, _RPT)],
                            cnt2_hbm.at[cid, pl.ds(row0, _RPT)])

    return functools.partial(
        pl.kernel, mesh=_mesh,
        compiler_params=_SC_PARAMS,
        out_type=tuple(outs) if with_counts else outs[0],
        scratch_types=scratch,
    )(body)


_sc_scatter_counts = _make_sc_scatter(True)
_sc_scatter = _make_sc_scatter(False)



def kernel(h, edge_index, edge_weight, edge_attr, W0, b0, Ws, bs,
           W1, b1, W2, b2, root, bias, W_ih, W_hh, b_ih, b_hh):
    src = edge_index[0]
    dst = edge_index[1]

    eye4 = jnp.eye(4, dtype=jnp.float32)
    w2core = W2.reshape(_NH, _NF, _NF).transpose(1, 0, 2).reshape(
        _NF, _NH * _NF)
    w2a = jnp.kron(eye4, w2core)
    w2b = jnp.kron(eye4, b2.reshape(_NF, _NF))
    rmat = jnp.kron(jnp.eye(_NH, dtype=jnp.float32),
                    jnp.ones((1, _NF), jnp.float32))
    smat = jnp.kron(jnp.ones((_NH, 1), jnp.float32),
                    jnp.eye(_NF, dtype=jnp.float32))
    r4 = jnp.kron(eye4, rmat)
    s4 = jnp.kron(eye4, smat)
    wsbd = jnp.kron(eye4, Ws)
    w1bd = jnp.kron(eye4, W1)
    bs4 = jnp.tile(bs, 4).reshape(1, -1)
    b14 = jnp.tile(b1, 4).reshape(1, -1)
    ea4 = edge_attr.reshape(_E // 4, 4 * _DE)
    wih_t = W_ih.T
    whh_t = W_hh.T
    b0r = b0.reshape(1, -1)
    bsr = bs.reshape(1, -1)
    b1r = b1.reshape(1, -1)
    biasr = bias.reshape(1, -1)
    bihr = b_ih.reshape(1, -1)
    bhhr = b_hh.reshape(1, -1)
    z32 = jnp.zeros((_RPT, _NF), jnp.float32)
    z16 = jnp.zeros((_RPT, _CW), jnp.float32)
    o16 = jnp.ones((_CH, _CW), jnp.float32)

    out = _node_proj(h, W0, b0r)

    cnt2 = None
    for it in range(2):
        xjp = _sc_gather(out, src).reshape(_E // 4, 128)
        msg = _msg(xjp, ea4, wsbd, bs4, w1bd, b14,
                   w2a, w2b, r4, s4).reshape(_E, _NF)
        if it == 0:
            agg2, cnt2 = _sc_scatter_counts(msg, dst, z32, z16, o16)
        else:
            agg2 = _sc_scatter(msg, dst, z32, z16, o16)
        out = _update(agg2, cnt2, out, root, biasr, wih_t, bihr, whh_t, bhhr)
    return out

# --- scband reference (transcript-rebuilt; emitter-appended) ---
"""Pipeline reference for scband-interactions-51788715655493 (READ-ONLY COPY).

The authoritative reference and input builder live on the scoring server;
editing this copy changes nothing except your own understanding.
"""

import jax, jax.numpy as jnp
import numpy as np

N = 10000
E = 160000
DIN = 128
DE = 16
NF = 32


def setup_inputs(seed: int = 0) -> dict:
    key = jax.random.key(seed)
    ks = jax.random.split(key, 24)
    inp = {}
    inp["h"] = jax.random.normal(ks[0], (N, DIN), dtype=jnp.float32)
    inp["edge_index"] = jax.random.randint(ks[1], (2, E), 0, N, dtype=jnp.int32)
    inp["edge_weight"] = jax.random.uniform(ks[2], (E,), dtype=jnp.float32)
    inp["edge_attr"] = jax.random.normal(ks[3], (E, DE), dtype=jnp.float32)
    # lin0: Linear(DIN, NF)
    inp["W0"] = jax.random.normal(ks[4], (DIN, NF), dtype=jnp.float32) / np.sqrt(DIN)
    inp["b0"] = jnp.zeros((NF,), dtype=jnp.float32)
    # short: Linear(DE, NF)
    inp["Ws"] = jax.random.normal(ks[5], (DE, NF), dtype=jnp.float32) / np.sqrt(DE)
    inp["bs"] = jnp.zeros((NF,), dtype=jnp.float32)
    # edge nn: Linear(NF, NF//4) -> ReLU -> Linear(NF//4, NF*NF)
    inp["W1"] = jax.random.normal(ks[6], (NF, NF // 4), dtype=jnp.float32) / np.sqrt(NF)
    inp["b1"] = jnp.zeros((NF // 4,), dtype=jnp.float32)
    inp["W2"] = jax.random.normal(ks[7], (NF // 4, NF * NF), dtype=jnp.float32) / np.sqrt(NF // 4)
    inp["b2"] = jnp.zeros((NF * NF,), dtype=jnp.float32)
    # NNConv root weight + bias
    inp["root"] = jax.random.normal(ks[8], (NF, NF), dtype=jnp.float32) / np.sqrt(NF)
    inp["bias"] = jnp.zeros((NF,), dtype=jnp.float32)
    # GRU(NF, NF), single layer
    inp["W_ih"] = jax.random.normal(ks[9], (3 * NF, NF), dtype=jnp.float32) / np.sqrt(NF)
    inp["W_hh"] = jax.random.normal(ks[10], (3 * NF, NF), dtype=jnp.float32) / np.sqrt(NF)
    inp["b_ih"] = jnp.zeros((3 * NF,), dtype=jnp.float32)
    inp["b_hh"] = jnp.zeros((3 * NF,), dtype=jnp.float32)
    return inp


def reference(h, edge_index, edge_weight, edge_attr, W0, b0, Ws, bs, W1, b1, W2, b2, root, bias, W_ih, W_hh, b_ih, b_hh):
    src = edge_index[0]
    dst = edge_index[1]
    out = jax.nn.relu(h @ W0 + b0)                       # [N, NF]
    ea = jax.nn.relu(edge_attr @ Ws + bs)                # [E, NF]
    counts = jax.ops.segment_sum(jnp.ones((E,), jnp.float32), dst, num_segments=N)
    counts = jnp.maximum(counts, 1.0)[:, None]
    hstate = out
    for _ in range(2):
        # NNConv: edge-conditioned weights
        w_e = (jax.nn.relu(ea @ W1 + b1) @ W2 + b2).reshape(E, NF, NF)
        x_j = out[src]                                   # gather [E, NF]
        msg = jnp.einsum('ei,eio->eo', x_j, w_e)         # per-edge matmul
        agg = jax.ops.segment_sum(msg, dst, num_segments=N) / counts  # mean aggr
        m = jax.nn.relu(agg + out @ root + bias)
        # GRU step (seq_len = 1)
        gi = m @ W_ih.T + b_ih
        gh = hstate @ W_hh.T + b_hh
        i_r, i_z, i_n = jnp.split(gi, 3, axis=1)
        h_r, h_z, h_n = jnp.split(gh, 3, axis=1)
        r = jax.nn.sigmoid(i_r + h_r)
        z = jax.nn.sigmoid(i_z + h_z)
        n = jnp.tanh(i_n + r * h_n)
        hstate = (1.0 - z) * n + z * hstate
        out = hstate
    return out

if __name__ == "__main__":
    import jax
    _d = setup_inputs()
    print(jax.jit(kernel)(*tuple(_d.values())))

</pallas_src>

<mosaic_0001>
#map = affine_map<(d0, d1) -> (0, 0)>
#map1 = affine_map<(d0, d1) -> (0)>
module attributes {stable_mosaic.version = 14 : i64} {
  func.func @k(%arg0: i32, %arg1: i32, %arg2: memref<10000x32xf32, #tpu.memory_space<hbm>>, %arg3: memref<160000xi32, #tpu.memory_space<hbm>>, %arg4: memref<160000x32xf32, #tpu.memory_space<hbm>>, %arg5: memref<1000xi32, #tpu.memory_space<vmem>>, %arg6: memref<1000xi32, #tpu.memory_space<vmem>>, %arg7: memref<1000x32xf32, #tpu.memory_space<vmem>>, %arg8: memref<1000x32xf32, #tpu.memory_space<vmem>>, %arg9: memref<!tpu.dma_semaphore, #tpu.memory_space<semaphore_mem>>, %arg10: memref<!tpu.dma_semaphore, #tpu.memory_space<semaphore_mem>>, %arg11: memref<!tpu.dma_semaphore, #tpu.memory_space<semaphore_mem>>, %arg12: memref<!tpu.dma_semaphore, #tpu.memory_space<semaphore_mem>>, %arg13: memref<!tpu.dma_semaphore, #tpu.memory_space<semaphore_mem>>, %arg14: memref<!tpu.dma_semaphore, #tpu.memory_space<semaphore_mem>>) attributes {dimension_semantics = [#tpu.dimension_semantics<core_parallel>, #tpu.dimension_semantics<subcore_parallel>], iteration_bounds = array<i64: 2, 16>, scalar_prefetch = 0 : i64, scratch_operands = 10 : i64, tpu.core_type = #tpu.core_type<sc_vector_subcore>, window_params = [{transform_indices = #map}, {transform_indices = #map1}, {transform_indices = #map}]} {
    %mul3A = arith.constant 2 : i32
    %mul3A_0 = arith.muli %arg1, %mul3A : i32
    %add3A = arith.addi %mul3A_0, %arg0 : i32
    %add3A_1 = arith.constant 0 : i32
    %add3A_2 = arith.addi %add3A, %add3A_1 : i32
    %mul3A_3 = arith.constant 1000 : i32
    %mul3A_4 = arith.muli %add3A_2, %mul3A_3 : i32
    %dma_start3A = tpu.memref_slice %arg3[%mul3A_4] : memref<160000xi32, #tpu.memory_space<hbm>> -> memref<1000xi32, #tpu.memory_space<hbm>>
    %dma_start3A_5 = tpu.memref_slice %arg3[%mul3A_4] : memref<160000xi32, #tpu.memory_space<hbm>> -> memref<1000xi32, #tpu.memory_space<hbm>>
    tpu.enqueue_dma source(%dma_start3A_5 : memref<1000xi32, #tpu.memory_space<hbm>>) target(%arg5 : memref<1000xi32, #tpu.memory_space<vmem>>) target_semaphore(%arg9 : memref<!tpu.dma_semaphore, #tpu.memory_space<semaphore_mem>>)
    %add3A_6 = arith.constant 32 : i32
    %add3A_7 = arith.addi %add3A, %add3A_6 : i32
    %mul3A_8 = arith.constant 1000 : i32
    %mul3A_9 = arith.muli %add3A_7, %mul3A_8 : i32
    %dma_start3A_10 = tpu.memref_slice %arg3[%mul3A_9] : memref<160000xi32, #tpu.memory_space<hbm>> -> memref<1000xi32, #tpu.memory_space<hbm>>
    %dma_start3A_11 = tpu.memref_slice %arg3[%mul3A_9] : memref<160000xi32, #tpu.memory_space<hbm>> -> memref<1000xi32, #tpu.memory_space<hbm>>
    tpu.enqueue_dma source(%dma_start3A_11 : memref<1000xi32, #tpu.memory_space<hbm>>) target(%arg6 : memref<1000xi32, #tpu.memory_space<vmem>>) target_semaphore(%arg10 : memref<!tpu.dma_semaphore, #tpu.memory_space<semaphore_mem>>)
    %dma_wait3A = tpu.memref_slice %arg3[%mul3A_4] : memref<160000xi32, #tpu.memory_space<hbm>> -> memref<1000xi32, #tpu.memory_space<hbm>>
    %dma_wait3A_12 = tpu.memref_slice %arg3[%mul3A_4] : memref<160000xi32, #tpu.memory_space<hbm>> -> memref<1000xi32, #tpu.memory_space<hbm>>
    tpu.wait_dma2 semaphore(%arg9 : memref<!tpu.dma_semaphore, #tpu.memory_space<semaphore_mem>>) src(%dma_wait3A_12 : memref<1000xi32, #tpu.memory_space<hbm>>) dst(%arg5 : memref<1000xi32, #tpu.memory_space<vmem>>)
    %dma_start3A_13 = arith.constant 0 : i32
    %dma_start3A_14 = arith.constant 0 : i32
    %dma_start3A_15 = tpu.memref_slice %arg2[%dma_start3A_13, %dma_start3A_14] : memref<10000x32xf32, #tpu.memory_space<hbm>> -> memref<10000x32xf32, #tpu.memory_space<hbm>>
    tpu.enqueue_indirect_dma source(%dma_start3A_15 : memref<10000x32xf32, #tpu.memory_space<hbm>>) target(%arg7 : memref<1000x32xf32, #tpu.memory_space<vmem>>) offsets(%arg5 : memref<1000xi32, #tpu.memory_space<vmem>>) semaphore(%arg11 : memref<!tpu.dma_semaphore, #tpu.memory_space<semaphore_mem>>)
    %dma_wait3A_16 = arith.constant 0 : i32
    %dma_wait3A_17 = arith.constant 0 : i32
    %dma_wait3A_18 = tpu.memref_slice %arg2[%dma_wait3A_16, %dma_wait3A_17] : memref<10000x32xf32, #tpu.memory_space<hbm>> -> memref<10000x32xf32, #tpu.memory_space<hbm>>
    tpu.wait_indirect_dma semaphore(%arg11 : memref<!tpu.dma_semaphore, #tpu.memory_space<semaphore_mem>>) src(%dma_wait3A_18 : memref<10000x32xf32, #tpu.memory_space<hbm>>) dst(%arg7 : memref<1000x32xf32, #tpu.memory_space<vmem>>)
    %add3A_19 = arith.constant 0 : i32
    %add3A_20 = arith.addi %add3A, %add3A_19 : i32
    %mul3A_21 = arith.constant 1000 : i32
    %mul3A_22 = arith.muli %add3A_20, %mul3A_21 : i32
    %dma_start3A_23 = arith.constant 0 : i32
    %dma_start3A_24 = tpu.memref_slice %arg4[%mul3A_22, %dma_start3A_23] : memref<160000x32xf32, #tpu.memory_space<hbm>> -> memref<1000x32xf32, #tpu.memory_space<hbm>>
    %dma_start3A_25 = arith.constant 0 : i32
    %dma_start3A_26 = tpu.memref_slice %arg4[%mul3A_22, %dma_start3A_25] : memref<160000x32xf32, #tpu.memory_space<hbm>> -> memref<1000x32xf32, #tpu.memory_space<hbm>>
    tpu.enqueue_dma source(%arg7 : memref<1000x32xf32, #tpu.memory_space<vmem>>) target(%dma_start3A_26 : memref<1000x32xf32, #tpu.memory_space<hbm>>) target_semaphore(%arg13 : memref<!tpu.dma_semaphore, #tpu.memory_space<semaphore_mem>>)
    %add3A_27 = arith.constant 64 : i32
    %add3A_28 = arith.addi %add3A, %add3A_27 : i32
    %mul3A_29 = arith.constant 1000 : i32
    %mul3A_30 = arith.muli %add3A_28, %mul3A_29 : i32
    %dma_start3A_31 = tpu.memref_slice %arg3[%mul3A_30] : memref<160000xi32, #tpu.memory_space<hbm>> -> memref<1000xi32, #tpu.memory_space<hbm>>
    %dma_start3A_32 = tpu.memref_slice %arg3[%mul3A_30] : memref<160000xi32, #tpu.memory_space<hbm>> -> memref<1000xi32, #tpu.memory_space<hbm>>
    tpu.enqueue_dma source(%dma_start3A_32 : memref<1000xi32, #tpu.memory_space<hbm>>) target(%arg5 : memref<1000xi32, #tpu.memory_space<vmem>>) target_semaphore(%arg9 : memref<!tpu.dma_semaphore, #tpu.memory_space<semaphore_mem>>)
    %dma_wait3A_33 = tpu.memref_slice %arg3[%mul3A_9] : memref<160000xi32, #tpu.memory_space<hbm>> -> memref<1000xi32, #tpu.memory_space<hbm>>
    %dma_wait3A_34 = tpu.memref_slice %arg3[%mul3A_9] : memref<160000xi32, #tpu.memory_space<hbm>> -> memref<1000xi32, #tpu.memory_space<hbm>>
    tpu.wait_dma2 semaphore(%arg10 : memref<!tpu.dma_semaphore, #tpu.memory_space<semaphore_mem>>) src(%dma_wait3A_34 : memref<1000xi32, #tpu.memory_space<hbm>>) dst(%arg6 : memref<1000xi32, #tpu.memory_space<vmem>>)
    %dma_start3A_35 = arith.constant 0 : i32
    %dma_start3A_36 = arith.constant 0 : i32
    %dma_start3A_37 = tpu.memref_slice %arg2[%dma_start3A_35, %dma_start3A_36] : memref<10000x32xf32, #tpu.memory_space<hbm>> -> memref<10000x32xf32, #tpu.memory_space<hbm>>
    tpu.enqueue_indirect_dma source(%dma_start3A_37 : memref<10000x32xf32, #tpu.memory_space<hbm>>) target(%arg8 : memref<1000x32xf32, #tpu.memory_space<vmem>>) offsets(%arg6 : memref<1000xi32, #tpu.memory_space<vmem>>) semaphore(%arg12 : memref<!tpu.dma_semaphore, #tpu.memory_space<semaphore_mem>>)
    %dma_wait3A_38 = arith.constant 0 : i32
    %dma_wait3A_39 = arith.constant 0 : i32
    %dma_wait3A_40 = tpu.memref_slice %arg2[%dma_wait3A_38, %dma_wait3A_39] : memref<10000x32xf32, #tpu.memory_space<hbm>> -> memref<10000x32xf32, #tpu.memory_space<hbm>>
    tpu.wait_indirect_dma semaphore(%arg12 : memref<!tpu.dma_semaphore, #tpu.memory_space<semaphore_mem>>) src(%dma_wait3A_40 : memref<10000x32xf32, #tpu.memory_space<hbm>>) dst(%arg8 : memref<1000x32xf32, #tpu.memory_space<vmem>>)
    %add3A_41 = arith.constant 32 : i32
    %add3A_42 = arith.addi %add3A, %add3A_41 : i32
    %mul3A_43 = arith.constant 1000 : i32
    %mul3A_44 = arith.muli %add3A_42, %mul3A_43 : i32
    %dma_start3A_45 = arith.constant 0 : i32
    %dma_start3A_46 = tpu.memref_slice %arg4[%mul3A_44, %dma_start3A_45] : memref<160000x32xf32, #tpu.memory_space<hbm>> -> memref<1000x32xf32, #tpu.memory_space<hbm>>
    %dma_start3A_47 = arith.constant 0 : i32
    %dma_start3A_48 = tpu.memref_slice %arg4[%mul3A_44, %dma_start3A_47] : memref<160000x32xf32, #tpu.memory_space<hbm>> -> memref<1000x32xf32, #tpu.memory_space<hbm>>
    tpu.enqueue_dma source(%arg8 : memref<1000x32xf32, #tpu.memory_space<vmem>>) target(%dma_start3A_48 : memref<1000x32xf32, #tpu.memory_space<hbm>>) target_semaphore(%arg14 : memref<!tpu.dma_semaphore, #tpu.memory_space<semaphore_mem>>)
    %add3A_49 = arith.constant 96 : i32
    %add3A_50 = arith.addi %add3A, %add3A_49 : i32
    %mul3A_51 = arith.constant 1000 : i32
    %mul3A_52 = arith.muli %add3A_50, %mul3A_51 : i32
    %dma_start3A_53 = tpu.memref_slice %arg3[%mul3A_52] : memref<160000xi32, #tpu.memory_space<hbm>> -> memref<1000xi32, #tpu.memory_space<hbm>>
    %dma_start3A_54 = tpu.memref_slice %arg3[%mul3A_52] : memref<160000xi32, #tpu.memory_space<hbm>> -> memref<1000xi32, #tpu.memory_space<hbm>>
    tpu.enqueue_dma source(%dma_start3A_54 : memref<1000xi32, #tpu.memory_space<hbm>>) target(%arg6 : memref<1000xi32, #tpu.memory_space<vmem>>) target_semaphore(%arg10 : memref<!tpu.dma_semaphore, #tpu.memory_space<semaphore_mem>>)
    %dma_wait3A_55 = tpu.memref_slice %arg3[%mul3A_30] : memref<160000xi32, #tpu.memory_space<hbm>> -> memref<1000xi32, #tpu.memory_space<hbm>>
    %dma_wait3A_56 = tpu.memref_slice %arg3[%mul3A_30] : memref<160000xi32, #tpu.memory_space<hbm>> -> memref<1000xi32, #tpu.memory_space<hbm>>
    tpu.wait_dma2 semaphore(%arg9 : memref<!tpu.dma_semaphore, #tpu.memory_space<semaphore_mem>>) src(%dma_wait3A_56 : memref<1000xi32, #tpu.memory_space<hbm>>) dst(%arg5 : memref<1000xi32, #tpu.memory_space<vmem>>)
    %dma_wait3A_57 = arith.constant 0 : i32
    %dma_wait3A_58 = tpu.memref_slice %arg4[%mul3A_22, %dma_wait3A_57] : memref<160000x32xf32, #tpu.memory_space<hbm>> -> memref<1000x32xf32, #tpu.memory_space<hbm>>
    %dma_wait3A_59 = arith.constant 0 : i32
    %dma_wait3A_60 = tpu.memref_slice %arg4[%mul3A_22, %dma_wait3A_59] : memref<160000x32xf32, #tpu.memory_space<hbm>> -> memref<1000x32xf32, #tpu.memory_space<hbm>>
    tpu.wait_dma2 semaphore(%arg13 : memref<!tpu.dma_semaphore, #tpu.memory_space<semaphore_mem>>) src(%arg7 : memref<1000x32xf32, #tpu.memory_space<vmem>>) dst(%dma_wait3A_60 : memref<1000x32xf32, #tpu.memory_space<hbm>>)
    %dma_start3A_61 = arith.constant 0 : i32
    %dma_start3A_62 = arith.constant 0 : i32
    %dma_start3A_63 = tpu.memref_slice %arg2[%dma_start3A_61, %dma_start3A_62] : memref<10000x32xf32, #tpu.memory_space<hbm>> -> memref<10000x32xf32, #tpu.memory_space<hbm>>
    tpu.enqueue_indirect_dma source(%dma_start3A_63 : memref<10000x32xf32, #tpu.memory_space<hbm>>) target(%arg7 : memref<1000x32xf32, #tpu.memory_space<vmem>>) offsets(%arg5 : memref<1000xi32, #tpu.memory_space<vmem>>) semaphore(%arg11 : memref<!tpu.dma_semaphore, #tpu.memory_space<semaphore_mem>>)
    %dma_wait3A_64 = arith.constant 0 : i32
    %dma_wait3A_65 = arith.constant 0 : i32
    %dma_wait3A_66 = tpu.memref_slice %arg2[%dma_wait3A_64, %dma_wait3A_65] : memref<10000x32xf32, #tpu.memory_space<hbm>> -> memref<10000x32xf32, #tpu.memory_space<hbm>>
    tpu.wait_indirect_dma semaphore(%arg11 : memref<!tpu.dma_semaphore, #tpu.memory_space<semaphore_mem>>) src(%dma_wait3A_66 : memref<10000x32xf32, #tpu.memory_space<hbm>>) dst(%arg7 : memref<1000x32xf32, #tpu.memory_space<vmem>>)
    %add3A_67 = arith.constant 64 : i32
    %add3A_68 = arith.addi %add3A, %add3A_67 : i32
    %mul3A_69 = arith.constant 1000 : i32
    %mul3A_70 = arith.muli %add3A_68, %mul3A_69 : i32
    %dma_start3A_71 = arith.constant 0 : i32
    %dma_start3A_72 = tpu.memref_slice %arg4[%mul3A_70, %dma_start3A_71] : memref<160000x32xf32, #tpu.memory_space<hbm>> -> memref<1000x32xf32, #tpu.memory_space<hbm>>
    %dma_start3A_73 = arith.constant 0 : i32
    %dma_start3A_74 = tpu.memref_slice %arg4[%mul3A_70, %dma_start3A_73] : memref<160000x32xf32, #tpu.memory_space<hbm>> -> memref<1000x32xf32, #tpu.memory_space<hbm>>
    tpu.enqueue_dma source(%arg7 : memref<1000x32xf32, #tpu.memory_space<vmem>>) target(%dma_start3A_74 : memref<1000x32xf32, #tpu.memory_space<hbm>>) target_semaphore(%arg13 : memref<!tpu.dma_semaphore, #tpu.memory_space<semaphore_mem>>)
    %add3A_75 = arith.constant 128 : i32
    %add3A_76 = arith.addi %add3A, %add3A_75 : i32
    %mul3A_77 = arith.constant 1000 : i32
    %mul3A_78 = arith.muli %add3A_76, %mul3A_77 : i32
    %dma_start3A_79 = tpu.memref_slice %arg3[%mul3A_78] : memref<160000xi32, #tpu.memory_space<hbm>> -> memref<1000xi32, #tpu.memory_space<hbm>>
    %dma_start3A_80 = tpu.memref_slice %arg3[%mul3A_78] : memref<160000xi32, #tpu.memory_space<hbm>> -> memref<1000xi32, #tpu.memory_space<hbm>>
    tpu.enqueue_dma source(%dma_start3A_80 : memref<1000xi32, #tpu.memory_space<hbm>>) target(%arg5 : memref<1000xi32, #tpu.memory_space<vmem>>) target_semaphore(%arg9 : memref<!tpu.dma_semaphore, #tpu.memory_space<semaphore_mem>>)
    %dma_wait3A_81 = tpu.memref_slice %arg3[%mul3A_52] : memref<160000xi32, #tpu.memory_space<hbm>> -> memref<1000xi32, #tpu.memory_space<hbm>>
    %dma_wait3A_82 = tpu.memref_slice %arg3[%mul3A_52] : memref<160000xi32, #tpu.memory_space<hbm>> -> memref<1000xi32, #tpu.memory_space<hbm>>
    tpu.wait_dma2 semaphore(%arg10 : memref<!tpu.dma_semaphore, #tpu.memory_space<semaphore_mem>>) src(%dma_wait3A_82 : memref<1000xi32, #tpu.memory_space<hbm>>) dst(%arg6 : memref<1000xi32, #tpu.memory_space<vmem>>)
    %dma_wait3A_83 = arith.constant 0 : i32
    %dma_wait3A_84 = tpu.memref_slice %arg4[%mul3A_44, %dma_wait3A_83] : memref<160000x32xf32, #tpu.memory_space<hbm>> -> memref<1000x32xf32, #tpu.memory_space<hbm>>
    %dma_wait3A_85 = arith.constant 0 : i32
    %dma_wait3A_86 = tpu.memref_slice %arg4[%mul3A_44, %dma_wait3A_85] : memref<160000x32xf32, #tpu.memory_space<hbm>> -> memref<1000x32xf32, #tpu.memory_space<hbm>>
    tpu.wait_dma2 semaphore(%arg14 : memref<!tpu.dma_semaphore, #tpu.memory_space<semaphore_mem>>) src(%arg8 : memref<1000x32xf32, #tpu.memory_space<vmem>>) dst(%dma_wait3A_86 : memref<1000x32xf32, #tpu.memory_space<hbm>>)
    %dma_start3A_87 = arith.constant 0 : i32
    %dma_start3A_88 = arith.constant 0 : i32
    %dma_start3A_89 = tpu.memref_slice %arg2[%dma_start3A_87, %dma_start3A_88] : memref<10000x32xf32, #tpu.memory_space<hbm>> -> memref<10000x32xf32, #tpu.memory_space<hbm>>
    tpu.enqueue_indirect_dma source(%dma_start3A_89 : memref<10000x32xf32, #tpu.memory_space<hbm>>) target(%arg8 : memref<1000x32xf32, #tpu.memory_space<vmem>>) offsets(%arg6 : memref<1000xi32, #tpu.memory_space<vmem>>) semaphore(%arg12 : memref<!tpu.dma_semaphore, #tpu.memory_space<semaphore_mem>>)
    %dma_wait3A_90 = arith.constant 0 : i32
    %dma_wait3A_91 = arith.constant 0 : i32
    %dma_wait3A_92 = tpu.memref_slice %arg2[%dma_wait3A_90, %dma_wait3A_91] : memref<10000x32xf32, #tpu.memory_space<hbm>> -> memref<10000x32xf32, #tpu.memory_space<hbm>>
    tpu.wait_indirect_dma semaphore(%arg12 : memref<!tpu.dma_semaphore, #tpu.memory_space<semaphore_mem>>) src(%dma_wait3A_92 : memref<10000x32xf32, #tpu.memory_space<hbm>>) dst(%arg8 : memref<1000x32xf32, #tpu.memory_space<vmem>>)
    %add3A_93 = arith.constant 96 : i32
    %add3A_94 = arith.addi %add3A, %add3A_93 : i32
    %mul3A_95 = arith.constant 1000 : i32
    %mul3A_96 = arith.muli %add3A_94, %mul3A_95 : i32
    %dma_start3A_97 = arith.constant 0 : i32
    %dma_start3A_98 = tpu.memref_slice %arg4[%mul3A_96, %dma_start3A_97] : memref<160000x32xf32, #tpu.memory_space<hbm>> -> memref<1000x32xf32, #tpu.memory_space<hbm>>
    %dma_start3A_99 = arith.constant 0 : i32
    %dma_start3A_100 = tpu.memref_slice %arg4[%mul3A_96, %dma_start3A_99] : memref<160000x32xf32, #tpu.memory_space<hbm>> -> memref<1000x32xf32, #tpu.memory_space<hbm>>
    tpu.enqueue_dma source(%arg8 : memref<1000x32xf32, #tpu.memory_space<vmem>>) target(%dma_start3A_100 : memref<1000x32xf32, #tpu.memory_space<hbm>>) target_semaphore(%arg14 : memref<!tpu.dma_semaphore, #tpu.memory_space<semaphore_mem>>)
    %dma_wait3A_101 = tpu.memref_slice %arg3[%mul3A_78] : memref<160000xi32, #tpu.memory_space<hbm>> -> memref<1000xi32, #tpu.memory_space<hbm>>
    %dma_wait3A_102 = tpu.memref_slice %arg3[%mul3A_78] : memref<160000xi32, #tpu.memory_space<hbm>> -> memref<1000xi32, #tpu.memory_space<hbm>>
    tpu.wait_dma2 semaphore(%arg9 : memref<!tpu.dma_semaphore, #tpu.memory_space<semaphore_mem>>) src(%dma_wait3A_102 : memref<1000xi32, #tpu.memory_space<hbm>>) dst(%arg5 : memref<1000xi32, #tpu.memory_space<vmem>>)
    %dma_wait3A_103 = arith.constant 0 : i32
    %dma_wait3A_104 = tpu.memref_slice %arg4[%mul3A_70, %dma_wait3A_103] : memref<160000x32xf32, #tpu.memory_space<hbm>> -> memref<1000x32xf32, #tpu.memory_space<hbm>>
    %dma_wait3A_105 = arith.constant 0 : i32
    %dma_wait3A_106 = tpu.memref_slice %arg4[%mul3A_70, %dma_wait3A_105] : memref<160000x32xf32, #tpu.memory_space<hbm>> -> memref<1000x32xf32, #tpu.memory_space<hbm>>
    tpu.wait_dma2 semaphore(%arg13 : memref<!tpu.dma_semaphore, #tpu.memory_space<semaphore_mem>>) src(%arg7 : memref<1000x32xf32, #tpu.memory_space<vmem>>) dst(%dma_wait3A_106 : memref<1000x32xf32, #tpu.memory_space<hbm>>)
    %dma_start3A_107 = arith.constant 0 : i32
    %dma_start3A_108 = arith.constant 0 : i32
    %dma_start3A_109 = tpu.memref_slice %arg2[%dma_start3A_107, %dma_start3A_108] : memref<10000x32xf32, #tpu.memory_space<hbm>> -> memref<10000x32xf32, #tpu.memory_space<hbm>>
    tpu.enqueue_indirect_dma source(%dma_start3A_109 : memref<10000x32xf32, #tpu.memory_space<hbm>>) target(%arg7 : memref<1000x32xf32, #tpu.memory_space<vmem>>) offsets(%arg5 : memref<1000xi32, #tpu.memory_space<vmem>>) semaphore(%arg11 : memref<!tpu.dma_semaphore, #tpu.memory_space<semaphore_mem>>)
    %dma_wait3A_110 = arith.constant 0 : i32
    %dma_wait3A_111 = arith.constant 0 : i32
    %dma_wait3A_112 = tpu.memref_slice %arg2[%dma_wait3A_110, %dma_wait3A_111] : memref<10000x32xf32, #tpu.memory_space<hbm>> -> memref<10000x32xf32, #tpu.memory_space<hbm>>
    tpu.wait_indirect_dma semaphore(%arg11 : memref<!tpu.dma_semaphore, #tpu.memory_space<semaphore_mem>>) src(%dma_wait3A_112 : memref<10000x32xf32, #tpu.memory_space<hbm>>) dst(%arg7 : memref<1000x32xf32, #tpu.memory_space<vmem>>)
    %add3A_113 = arith.constant 128 : i32
    %add3A_114 = arith.addi %add3A, %add3A_113 : i32
    %mul3A_115 = arith.constant 1000 : i32
    %mul3A_116 = arith.muli %add3A_114, %mul3A_115 : i32
    %dma_start3A_117 = arith.constant 0 : i32
    %dma_start3A_118 = tpu.memref_slice %arg4[%mul3A_116, %dma_start3A_117] : memref<160000x32xf32, #tpu.memory_space<hbm>> -> memref<1000x32xf32, #tpu.memory_space<hbm>>
    %dma_start3A_119 = arith.constant 0 : i32
    %dma_start3A_120 = tpu.memref_slice %arg4[%mul3A_116, %dma_start3A_119] : memref<160000x32xf32, #tpu.memory_space<hbm>> -> memref<1000x32xf32, #tpu.memory_space<hbm>>
    tpu.enqueue_dma source(%arg7 : memref<1000x32xf32, #tpu.memory_space<vmem>>) target(%dma_start3A_120 : memref<1000x32xf32, #tpu.memory_space<hbm>>) target_semaphore(%arg13 : memref<!tpu.dma_semaphore, #tpu.memory_space<semaphore_mem>>)
    %dma_wait3A_121 = arith.constant 0 : i32
    %dma_wait3A_122 = tpu.memref_slice %arg4[%mul3A_96, %dma_wait3A_121] : memref<160000x32xf32, #tpu.memory_space<hbm>> -> memref<1000x32xf32, #tpu.memory_space<hbm>>
    %dma_wait3A_123 = arith.constant 0 : i32
    %dma_wait3A_124 = tpu.memref_slice %arg4[%mul3A_96, %dma_wait3A_123] : memref<160000x32xf32, #tpu.memory_space<hbm>> -> memref<1000x32xf32, #tpu.memory_space<hbm>>
    tpu.wait_dma2 semaphore(%arg14 : memref<!tpu.dma_semaphore, #tpu.memory_space<semaphore_mem>>) src(%arg8 : memref<1000x32xf32, #tpu.memory_space<vmem>>) dst(%dma_wait3A_124 : memref<1000x32xf32, #tpu.memory_space<hbm>>)
    %dma_wait3A_125 = arith.constant 0 : i32
    %dma_wait3A_126 = tpu.memref_slice %arg4[%mul3A_116, %dma_wait3A_125] : memref<160000x32xf32, #tpu.memory_space<hbm>> -> memref<1000x32xf32, #tpu.memory_space<hbm>>
    %dma_wait3A_127 = arith.constant 0 : i32
    %dma_wait3A_128 = tpu.memref_slice %arg4[%mul3A_116, %dma_wait3A_127] : memref<160000x32xf32, #tpu.memory_space<hbm>> -> memref<1000x32xf32, #tpu.memory_space<hbm>>
    tpu.wait_dma2 semaphore(%arg13 : memref<!tpu.dma_semaphore, #tpu.memory_space<semaphore_mem>>) src(%arg7 : memref<1000x32xf32, #tpu.memory_space<vmem>>) dst(%dma_wait3A_128 : memref<1000x32xf32, #tpu.memory_space<hbm>>)
    return
  }
}

#map = affine_map<(d0, d1) -> (0, 0)>
#map1 = affine_map<(d0, d1) -> (0)>
module attributes {stable_mosaic.version = 14 : i64} {
  func.func @k(%arg0: i32, %arg1: i32, %arg2: memref<10000x32xf32, #tpu.memory_space<hbm>>, %arg3: memref<160000xi32, #tpu.memory_space<hbm>>, %arg4: memref<160000x32xf32, #tpu.memory_space<hbm>>, %arg5: memref<1000xi32, #tpu.memory_space<vmem>>, %arg6: memref<1000xi32, #tpu.memory_space<vmem>>, %arg7: memref<1000x32xf32, #tpu.memory_space<vmem>>, %arg8: memref<1000x32xf32, #tpu.memory_space<vmem>>, %arg9: memref<!tpu.dma_semaphore, #tpu.memory_space<semaphore_mem>>, %arg10: memref<!tpu.dma_semaphore, #tpu.memory_space<semaphore_mem>>, %arg11: memref<!tpu.dma_semaphore, #tpu.memory_space<semaphore_mem>>, %arg12: memref<!tpu.dma_semaphore, #tpu.memory_space<semaphore_mem>>, %arg13: memref<!tpu.dma_semaphore, #tpu.memory_space<semaphore_mem>>, %arg14: memref<!tpu.dma_semaphore, #tpu.memory_space<semaphore_mem>>) attributes {dimension_semantics = [#tpu.dimension_semantics<core_parallel>, #tpu.dimension_semantics<subcore_parallel>], iteration_bounds = array<i64: 2, 16>, scalar_prefetch = 0 : i64, scratch_operands = 10 : i64, tpu.core_type = #tpu.core_type<sc_vector_subcore>, window_params = [{transform_indices = #map}, {transform_indices = #map1}, {transform_indices = #map}]} {
    %mul3A = arith.constant 2 : i32
    %mul3A_0 = arith.muli %arg1, %mul3A : i32
    %add3A = arith.addi %mul3A_0, %arg0 : i32
    %add3A_1 = arith.constant 0 : i32
    %add3A_2 = arith.addi %add3A, %add3A_1 : i32
    %mul3A_3 = arith.constant 1000 : i32
    %mul3A_4 = arith.muli %add3A_2, %mul3A_3 : i32
    %dma_start3A = tpu.memref_slice %arg3[%mul3A_4] : memref<160000xi32, #tpu.memory_space<hbm>> -> memref<1000xi32, #tpu.memory_space<hbm>>
    %dma_start3A_5 = tpu.memref_slice %arg3[%mul3A_4] : memref<160000xi32, #tpu.memory_space<hbm>> -> memref<1000xi32, #tpu.memory_space<hbm>>
    tpu.enqueue_dma source(%dma_start3A_5 : memref<1000xi32, #tpu.memory_space<hbm>>) target(%arg5 : memref<1000xi32, #tpu.memory_space<vmem>>) target_semaphore(%arg9 : memref<!tpu.dma_semaphore, #tpu.memory_space<semaphore_mem>>)
    %add3A_6 = arith.constant 32 : i32
    %add3A_7 = arith.addi %add3A, %add3A_6 : i32
    %mul3A_8 = arith.constant 1000 : i32
    %mul3A_9 = arith.muli %add3A_7, %mul3A_8 : i32
    %dma_start3A_10 = tpu.memref_slice %arg3[%mul3A_9] : memref<160000xi32, #tpu.memory_space<hbm>> -> memref<1000xi32, #tpu.memory_space<hbm>>
    %dma_start3A_11 = tpu.memref_slice %arg3[%mul3A_9] : memref<160000xi32, #tpu.memory_space<hbm>> -> memref<1000xi32, #tpu.memory_space<hbm>>
    tpu.enqueue_dma source(%dma_start3A_11 : memref<1000xi32, #tpu.memory_space<hbm>>) target(%arg6 : memref<1000xi32, #tpu.memory_space<vmem>>) target_semaphore(%arg10 : memref<!tpu.dma_semaphore, #tpu.memory_space<semaphore_mem>>)
    %dma_wait3A = tpu.memref_slice %arg3[%mul3A_4] : memref<160000xi32, #tpu.memory_space<hbm>> -> memref<1000xi32, #tpu.memory_space<hbm>>
    %dma_wait3A_12 = tpu.memref_slice %arg3[%mul3A_4] : memref<160000xi32, #tpu.memory_space<hbm>> -> memref<1000xi32, #tpu.memory_space<hbm>>
    tpu.wait_dma2 semaphore(%arg9 : memref<!tpu.dma_semaphore, #tpu.memory_space<semaphore_mem>>) src(%dma_wait3A_12 : memref<1000xi32, #tpu.memory_space<hbm>>) dst(%arg5 : memref<1000xi32, #tpu.memory_space<vmem>>)
    %dma_start3A_13 = arith.constant 0 : i32
    %dma_start3A_14 = arith.constant 0 : i32
    %dma_start3A_15 = tpu.memref_slice %arg2[%dma_start3A_13, %dma_start3A_14] : memref<10000x32xf32, #tpu.memory_space<hbm>> -> memref<10000x32xf32, #tpu.memory_space<hbm>>
    tpu.enqueue_indirect_dma source(%dma_start3A_15 : memref<10000x32xf32, #tpu.memory_space<hbm>>) target(%arg7 : memref<1000x32xf32, #tpu.memory_space<vmem>>) offsets(%arg5 : memref<1000xi32, #tpu.memory_space<vmem>>) semaphore(%arg11 : memref<!tpu.dma_semaphore, #tpu.memory_space<semaphore_mem>>)
    %dma_wait3A_16 = arith.constant 0 : i32
    %dma_wait3A_17 = arith.constant 0 : i32
    %dma_wait3A_18 = tpu.memref_slice %arg2[%dma_wait3A_16, %dma_wait3A_17] : memref<10000x32xf32, #tpu.memory_space<hbm>> -> memref<10000x32xf32, #tpu.memory_space<hbm>>
    tpu.wait_indirect_dma semaphore(%arg11 : memref<!tpu.dma_semaphore, #tpu.memory_space<semaphore_mem>>) src(%dma_wait3A_18 : memref<10000x32xf32, #tpu.memory_space<hbm>>) dst(%arg7 : memref<1000x32xf32, #tpu.memory_space<vmem>>)
    %add3A_19 = arith.constant 0 : i32
    %add3A_20 = arith.addi %add3A, %add3A_19 : i32
    %mul3A_21 = arith.constant 1000 : i32
    %mul3A_22 = arith.muli %add3A_20, %mul3A_21 : i32
    %dma_start3A_23 = arith.constant 0 : i32
    %dma_start3A_24 = tpu.memref_slice %arg4[%mul3A_22, %dma_start3A_23] : memref<160000x32xf32, #tpu.memory_space<hbm>> -> memref<1000x32xf32, #tpu.memory_space<hbm>>
    %dma_start3A_25 = arith.constant 0 : i32
    %dma_start3A_26 = tpu.memref_slice %arg4[%mul3A_22, %dma_start3A_25] : memref<160000x32xf32, #tpu.memory_space<hbm>> -> memref<1000x32xf32, #tpu.memory_space<hbm>>
    tpu.enqueue_dma source(%arg7 : memref<1000x32xf32, #tpu.memory_space<vmem>>) target(%dma_start3A_26 : memref<1000x32xf32, #tpu.memory_space<hbm>>) target_semaphore(%arg13 : memref<!tpu.dma_semaphore, #tpu.memory_space<semaphore_mem>>)
    %add3A_27 = arith.constant 64 : i32
    %add3A_28 = arith.addi %add3A, %add3A_27 : i32
    %mul3A_29 = arith.constant 1000 : i32
    %mul3A_30 = arith.muli %add3A_28, %mul3A_29 : i32
    %dma_start3A_31 = tpu.memref_slice %arg3[%mul3A_30] : memref<160000xi32, #tpu.memory_space<hbm>> -> memref<1000xi32, #tpu.memory_space<hbm>>
    %dma_start3A_32 = tpu.memref_slice %arg3[%mul3A_30] : memref<160000xi32, #tpu.memory_space<hbm>> -> memref<1000xi32, #tpu.memory_space<hbm>>
    tpu.enqueue_dma source(%dma_start3A_32 : memref<1000xi32, #tpu.memory_space<hbm>>) target(%arg5 : memref<1000xi32, #tpu.memory_space<vmem>>) target_semaphore(%arg9 : memref<!tpu.dma_semaphore, #tpu.memory_space<semaphore_mem>>)
    %dma_wait3A_33 = tpu.memref_slice %arg3[%mul3A_9] : memref<160000xi32, #tpu.memory_space<hbm>> -> memref<1000xi32, #tpu.memory_space<hbm>>
    %dma_wait3A_34 = tpu.memref_slice %arg3[%mul3A_9] : memref<160000xi32, #tpu.memory_space<hbm>> -> memref<1000xi32, #tpu.memory_space<hbm>>
    tpu.wait_dma2 semaphore(%arg10 : memref<!tpu.dma_semaphore, #tpu.memory_space<semaphore_mem>>) src(%dma_wait3A_34 : memref<1000xi32, #tpu.memory_space<hbm>>) dst(%arg6 : memref<1000xi32, #tpu.memory_space<vmem>>)
    %dma_start3A_35 = arith.constant 0 : i32
    %dma_start3A_36 = arith.constant 0 : i32
    %dma_start3A_37 = tpu.memref_slice %arg2[%dma_start3A_35, %dma_start3A_36] : memref<10000x32xf32, #tpu.memory_space<hbm>> -> memref<10000x32xf32, #tpu.memory_space<hbm>>
    tpu.enqueue_indirect_dma source(%dma_start3A_37 : memref<10000x32xf32, #tpu.memory_space<hbm>>) target(%arg8 : memref<1000x32xf32, #tpu.memory_space<vmem>>) offsets(%arg6 : memref<1000xi32, #tpu.memory_space<vmem>>) semaphore(%arg12 : memref<!tpu.dma_semaphore, #tpu.memory_space<semaphore_mem>>)
    %dma_wait3A_38 = arith.constant 0 : i32
    %dma_wait3A_39 = arith.constant 0 : i32
    %dma_wait3A_40 = tpu.memref_slice %arg2[%dma_wait3A_38, %dma_wait3A_39] : memref<10000x32xf32, #tpu.memory_space<hbm>> -> memref<10000x32xf32, #tpu.memory_space<hbm>>
    tpu.wait_indirect_dma semaphore(%arg12 : memref<!tpu.dma_semaphore, #tpu.memory_space<semaphore_mem>>) src(%dma_wait3A_40 : memref<10000x32xf32, #tpu.memory_space<hbm>>) dst(%arg8 : memref<1000x32xf32, #tpu.memory_space<vmem>>)
    %add3A_41 = arith.constant 32 : i32
    %add3A_42 = arith.addi %add3A, %add3A_41 : i32
    %mul3A_43 = arith.constant 1000 : i32
    %mul3A_44 = arith.muli %add3A_42, %mul3A_43 : i32
    %dma_start3A_45 = arith.constant 0 : i32
    %dma_start3A_46 = tpu.memref_slice %arg4[%mul3A_44, %dma_start3A_45] : memref<160000x32xf32, #tpu.memory_space<hbm>> -> memref<1000x32xf32, #tpu.memory_space<hbm>>
    %dma_start3A_47 = arith.constant 0 : i32
    %dma_start3A_48 = tpu.memref_slice %arg4[%mul3A_44, %dma_start3A_47] : memref<160000x32xf32, #tpu.memory_space<hbm>> -> memref<1000x32xf32, #tpu.memory_space<hbm>>
    tpu.enqueue_dma source(%arg8 : memref<1000x32xf32, #tpu.memory_space<vmem>>) target(%dma_start3A_48 : memref<1000x32xf32, #tpu.memory_space<hbm>>) target_semaphore(%arg14 : memref<!tpu.dma_semaphore, #tpu.memory_space<semaphore_mem>>)
    %add3A_49 = arith.constant 96 : i32
    %add3A_50 = arith.addi %add3A, %add3A_49 : i32
    %mul3A_51 = arith.constant 1000 : i32
    %mul3A_52 = arith.muli %add3A_50, %mul3A_51 : i32
    %dma_start3A_53 = tpu.memref_slice %arg3[%mul3A_52] : memref<160000xi32, #tpu.memory_space<hbm>> -> memref<1000xi32, #tpu.memory_space<hbm>>
    %dma_start3A_54 = tpu.memref_slice %arg3[%mul3A_52] : memref<160000xi32, #tpu.memory_space<hbm>> -> memref<1000xi32, #tpu.memory_space<hbm>>
    tpu.enqueue_dma source(%dma_start3A_54 : memref<1000xi32, #tpu.memory_space<hbm>>) target(%arg6 : memref<1000xi32, #tpu.memory_space<vmem>>) target_semaphore(%arg10 : memref<!tpu.dma_semaphore, #tpu.memory_space<semaphore_mem>>)
    %dma_wait3A_55 = tpu.memref_slice %arg3[%mul3A_30] : memref<160000xi32, #tpu.memory_space<hbm>> -> memref<1000xi32, #tpu.memory_space<hbm>>
    %dma_wait3A_56 = tpu.memref_slice %arg3[%mul3A_30] : memref<160000xi32, #tpu.memory_space<hbm>> -> memref<1000xi32, #tpu.memory_space<hbm>>
    tpu.wait_dma2 semaphore(%arg9 : memref<!tpu.dma_semaphore, #tpu.memory_space<semaphore_mem>>) src(%dma_wait3A_56 : memref<1000xi32, #tpu.memory_space<hbm>>) dst(%arg5 : memref<1000xi32, #tpu.memory_space<vmem>>)
    %dma_wait3A_57 = arith.constant 0 : i32
    %dma_wait3A_58 = tpu.memref_slice %arg4[%mul3A_22, %dma_wait3A_57] : memref<160000x32xf32, #tpu.memory_space<hbm>> -> memref<1000x32xf32, #tpu.memory_space<hbm>>
    %dma_wait3A_59 = arith.constant 0 : i32
    %dma_wait3A_60 = tpu.memref_slice %arg4[%mul3A_22, %dma_wait3A_59] : memref<160000x32xf32, #tpu.memory_space<hbm>> -> memref<1000x32xf32, #tpu.memory_space<hbm>>
    tpu.wait_dma2 semaphore(%arg13 : memref<!tpu.dma_semaphore, #tpu.memory_space<semaphore_mem>>) src(%arg7 : memref<1000x32xf32, #tpu.memory_space<vmem>>) dst(%dma_wait3A_60 : memref<1000x32xf32, #tpu.memory_space<hbm>>)
    %dma_start3A_61 = arith.constant 0 : i32
    %dma_start3A_62 = arith.constant 0 : i32
    %dma_start3A_63 = tpu.memref_slice %arg2[%dma_start3A_61, %dma_start3A_62] : memref<10000x32xf32, #tpu.memory_space<hbm>> -> memref<10000x32xf32, #tpu.memory_space<hbm>>
    tpu.enqueue_indirect_dma source(%dma_start3A_63 : memref<10000x32xf32, #tpu.memory_space<hbm>>) target(%arg7 : memref<1000x32xf32, #tpu.memory_space<vmem>>) offsets(%arg5 : memref<1000xi32, #tpu.memory_space<vmem>>) semaphore(%arg11 : memref<!tpu.dma_semaphore, #tpu.memory_space<semaphore_mem>>)
    %dma_wait3A_64 = arith.constant 0 : i32
    %dma_wait3A_65 = arith.constant 0 : i32
    %dma_wait3A_66 = tpu.memref_slice %arg2[%dma_wait3A_64, %dma_wait3A_65] : memref<10000x32xf32, #tpu.memory_space<hbm>> -> memref<10000x32xf32, #tpu.memory_space<hbm>>
    tpu.wait_indirect_dma semaphore(%arg11 : memref<!tpu.dma_semaphore, #tpu.memory_space<semaphore_mem>>) src(%dma_wait3A_66 : memref<10000x32xf32, #tpu.memory_space<hbm>>) dst(%arg7 : memref<1000x32xf32, #tpu.memory_space<vmem>>)
    %add3A_67 = arith.constant 64 : i32
    %add3A_68 = arith.addi %add3A, %add3A_67 : i32
    %mul3A_69 = arith.constant 1000 : i32
    %mul3A_70 = arith.muli %add3A_68, %mul3A_69 : i32
    %dma_start3A_71 = arith.constant 0 : i32
    %dma_start3A_72 = tpu.memref_slice %arg4[%mul3A_70, %dma_start3A_71] : memref<160000x32xf32, #tpu.memory_space<hbm>> -> memref<1000x32xf32, #tpu.memory_space<hbm>>
    %dma_start3A_73 = arith.constant 0 : i32
    %dma_start3A_74 = tpu.memref_slice %arg4[%mul3A_70, %dma_start3A_73] : memref<160000x32xf32, #tpu.memory_space<hbm>> -> memref<1000x32xf32, #tpu.memory_space<hbm>>
    tpu.enqueue_dma source(%arg7 : memref<1000x32xf32, #tpu.memory_space<vmem>>) target(%dma_start3A_74 : memref<1000x32xf32, #tpu.memory_space<hbm>>) target_semaphore(%arg13 : memref<!tpu.dma_semaphore, #tpu.memory_space<semaphore_mem>>)
    %add3A_75 = arith.constant 128 : i32
    %add3A_76 = arith.addi %add3A, %add3A_75 : i32
    %mul3A_77 = arith.constant 1000 : i32
    %mul3A_78 = arith.muli %add3A_76, %mul3A_77 : i32
    %dma_start3A_79 = tpu.memref_slice %arg3[%mul3A_78] : memref<160000xi32, #tpu.memory_space<hbm>> -> memref<1000xi32, #tpu.memory_space<hbm>>
    %dma_start3A_80 = tpu.memref_slice %arg3[%mul3A_78] : memref<160000xi32, #tpu.memory_space<hbm>> -> memref<1000xi32, #tpu.memory_space<hbm>>
    tpu.enqueue_dma source(%dma_start3A_80 : memref<1000xi32, #tpu.memory_space<hbm>>) target(%arg5 : memref<1000xi32, #tpu.memory_space<vmem>>) target_semaphore(%arg9 : memref<!tpu.dma_semaphore, #tpu.memory_space<semaphore_mem>>)
    %dma_wait3A_81 = tpu.memref_slice %arg3[%mul3A_52] : memref<160000xi32, #tpu.memory_space<hbm>> -> memref<1000xi32, #tpu.memory_space<hbm>>
    %dma_wait3A_82 = tpu.memref_slice %arg3[%mul3A_52] : memref<160000xi32, #tpu.memory_space<hbm>> -> memref<1000xi32, #tpu.memory_space<hbm>>
    tpu.wait_dma2 semaphore(%arg10 : memref<!tpu.dma_semaphore, #tpu.memory_space<semaphore_mem>>) src(%dma_wait3A_82 : memref<1000xi32, #tpu.memory_space<hbm>>) dst(%arg6 : memref<1000xi32, #tpu.memory_space<vmem>>)
    %dma_wait3A_83 = arith.constant 0 : i32
    %dma_wait3A_84 = tpu.memref_slice %arg4[%mul3A_44, %dma_wait3A_83] : memref<160000x32xf32, #tpu.memory_space<hbm>> -> memref<1000x32xf32, #tpu.memory_space<hbm>>
    %dma_wait3A_85 = arith.constant 0 : i32
    %dma_wait3A_86 = tpu.memref_slice %arg4[%mul3A_44, %dma_wait3A_85] : memref<160000x32xf32, #tpu.memory_space<hbm>> -> memref<1000x32xf32, #tpu.memory_space<hbm>>
    tpu.wait_dma2 semaphore(%arg14 : memref<!tpu.dma_semaphore, #tpu.memory_space<semaphore_mem>>) src(%arg8 : memref<1000x32xf32, #tpu.memory_space<vmem>>) dst(%dma_wait3A_86 : memref<1000x32xf32, #tpu.memory_space<hbm>>)
    %dma_start3A_87 = arith.constant 0 : i32
    %dma_start3A_88 = arith.constant 0 : i32
    %dma_start3A_89 = tpu.memref_slice %arg2[%dma_start3A_87, %dma_start3A_88] : memref<10000x32xf32, #tpu.memory_space<hbm>> -> memref<10000x32xf32, #tpu.memory_space<hbm>>
    tpu.enqueue_indirect_dma source(%dma_start3A_89 : memref<10000x32xf32, #tpu.memory_space<hbm>>) target(%arg8 : memref<1000x32xf32, #tpu.memory_space<vmem>>) offsets(%arg6 : memref<1000xi32, #tpu.memory_space<vmem>>) semaphore(%arg12 : memref<!tpu.dma_semaphore, #tpu.memory_space<semaphore_mem>>)
    %dma_wait3A_90 = arith.constant 0 : i32
    %dma_wait3A_91 = arith.constant 0 : i32
    %dma_wait3A_92 = tpu.memref_slice %arg2[%dma_wait3A_90, %dma_wait3A_91] : memref<10000x32xf32, #tpu.memory_space<hbm>> -> memref<10000x32xf32, #tpu.memory_space<hbm>>
    tpu.wait_indirect_dma semaphore(%arg12 : memref<!tpu.dma_semaphore, #tpu.memory_space<semaphore_mem>>) src(%dma_wait3A_92 : memref<10000x32xf32, #tpu.memory_space<hbm>>) dst(%arg8 : memref<1000x32xf32, #tpu.memory_space<vmem>>)
    %add3A_93 = arith.constant 96 : i32
    %add3A_94 = arith.addi %add3A, %add3A_93 : i32
    %mul3A_95 = arith.constant 1000 : i32
    %mul3A_96 = arith.muli %add3A_94, %mul3A_95 : i32
    %dma_start3A_97 = arith.constant 0 : i32
    %dma_start3A_98 = tpu.memref_slice %arg4[%mul3A_96, %dma_start3A_97] : memref<160000x32xf32, #tpu.memory_space<hbm>> -> memref<1000x32xf32, #tpu.memory_space<hbm>>
    %dma_start3A_99 = arith.constant 0 : i32
    %dma_start3A_100 = tpu.memref_slice %arg4[%mul3A_96, %dma_start3A_99] : memref<160000x32xf32, #tpu.memory_space<hbm>> -> memref<1000x32xf32, #tpu.memory_space<hbm>>
    tpu.enqueue_dma source(%arg8 : memref<1000x32xf32, #tpu.memory_space<vmem>>) target(%dma_start3A_100 : memref<1000x32xf32, #tpu.memory_space<hbm>>) target_semaphore(%arg14 : memref<!tpu.dma_semaphore, #tpu.memory_space<semaphore_mem>>)
    %dma_wait3A_101 = tpu.memref_slice %arg3[%mul3A_78] : memref<160000xi32, #tpu.memory_space<hbm>> -> memref<1000xi32, #tpu.memory_space<hbm>>
    %dma_wait3A_102 = tpu.memref_slice %arg3[%mul3A_78] : memref<160000xi32, #tpu.memory_space<hbm>> -> memref<1000xi32, #tpu.memory_space<hbm>>
    tpu.wait_dma2 semaphore(%arg9 : memref<!tpu.dma_semaphore, #tpu.memory_space<semaphore_mem>>) src(%dma_wait3A_102 : memref<1000xi32, #tpu.memory_space<hbm>>) dst(%arg5 : memref<1000xi32, #tpu.memory_space<vmem>>)
    %dma_wait3A_103 = arith.constant 0 : i32
    %dma_wait3A_104 = tpu.memref_slice %arg4[%mul3A_70, %dma_wait3A_103] : memref<160000x32xf32, #tpu.memory_space<hbm>> -> memref<1000x32xf32, #tpu.memory_space<hbm>>
    %dma_wait3A_105 = arith.constant 0 : i32
    %dma_wait3A_106 = tpu.memref_slice %arg4[%mul3A_70, %dma_wait3A_105] : memref<160000x32xf32, #tpu.memory_space<hbm>> -> memref<1000x32xf32, #tpu.memory_space<hbm>>
    tpu.wait_dma2 semaphore(%arg13 : memref<!tpu.dma_semaphore, #tpu.memory_space<semaphore_mem>>) src(%arg7 : memref<1000x32xf32, #tpu.memory_space<vmem>>) dst(%dma_wait3A_106 : memref<1000x32xf32, #tpu.memory_space<hbm>>)
    %dma_start3A_107 = arith.constant 0 : i32
    %dma_start3A_108 = arith.constant 0 : i32
    %dma_start3A_109 = tpu.memref_slice %arg2[%dma_start3A_107, %dma_start3A_108] : memref<10000x32xf32, #tpu.memory_space<hbm>> -> memref<10000x32xf32, #tpu.memory_space<hbm>>
    tpu.enqueue_indirect_dma source(%dma_start3A_109 : memref<10000x32xf32, #tpu.memory_space<hbm>>) target(%arg7 : memref<1000x32xf32, #tpu.memory_space<vmem>>) offsets(%arg5 : memref<1000xi32, #tpu.memory_space<vmem>>) semaphore(%arg11 : memref<!tpu.dma_semaphore, #tpu.memory_space<semaphore_mem>>)
    %dma_wait3A_110 = arith.constant 0 : i32
    %dma_wait3A_111 = arith.constant 0 : i32
    %dma_wait3A_112 = tpu.memref_slice %arg2[%dma_wait3A_110, %dma_wait3A_111] : memref<10000x32xf32, #tpu.memory_space<hbm>> -> memref<10000x32xf32, #tpu.memory_space<hbm>>
    tpu.wait_indirect_dma semaphore(%arg11 : memref<!tpu.dma_semaphore, #tpu.memory_space<semaphore_mem>>) src(%dma_wait3A_112 : memref<10000x32xf32, #tpu.memory_space<hbm>>) dst(%arg7 : memref<1000x32xf32, #tpu.memory_space<vmem>>)
    %add3A_113 = arith.constant 128 : i32
    %add3A_114 = arith.addi %add3A, %add3A_113 : i32
    %mul3A_115 = arith.constant 1000 : i32
    %mul3A_116 = arith.muli %add3A_114, %mul3A_115 : i32
    %dma_start3A_117 = arith.constant 0 : i32
    %dma_start3A_118 = tpu.memref_slice %arg4[%mul3A_116, %dma_start3A_117] : memref<160000x32xf32, #tpu.memory_space<hbm>> -> memref<1000x32xf32, #tpu.memory_space<hbm>>
    %dma_start3A_119 = arith.constant 0 : i32
    %dma_start3A_120 = tpu.memref_slice %arg4[%mul3A_116, %dma_start3A_119] : memref<160000x32xf32, #tpu.memory_space<hbm>> -> memref<1000x32xf32, #tpu.memory_space<hbm>>
    tpu.enqueue_dma source(%arg7 : memref<1000x32xf32, #tpu.memory_space<vmem>>) target(%dma_start3A_120 : memref<1000x32xf32, #tpu.memory_space<hbm>>) target_semaphore(%arg13 : memref<!tpu.dma_semaphore, #tpu.memory_space<semaphore_mem>>)
    %dma_wait3A_121 = arith.constant 0 : i32
    %dma_wait3A_122 = tpu.memref_slice %arg4[%mul3A_96, %dma_wait3A_121] : memref<160000x32xf32, #tpu.memory_space<hbm>> -> memref<1000x32xf32, #tpu.memory_space<hbm>>
    %dma_wait3A_123 = arith.constant 0 : i32
    %dma_wait3A_124 = tpu.memref_slice %arg4[%mul3A_96, %dma_wait3A_123] : memref<160000x32xf32, #tpu.memory_space<hbm>> -> memref<1000x32xf32, #tpu.memory_space<hbm>>
    tpu.wait_dma2 semaphore(%arg14 : memref<!tpu.dma_semaphore, #tpu.memory_space<semaphore_mem>>) src(%arg8 : memref<1000x32xf32, #tpu.memory_space<vmem>>) dst(%dma_wait3A_124 : memref<1000x32xf32, #tpu.memory_space<hbm>>)
    %dma_wait3A_125 = arith.constant 0 : i32
    %dma_wait3A_126 = tpu.memref_slice %arg4[%mul3A_116, %dma_wait3A_125] : memref<160000x32xf32, #tpu.memory_space<hbm>> -> memref<1000x32xf32, #tpu.memory_space<hbm>>
    %dma_wait3A_127 = arith.constant 0 : i32
    %dma_wait3A_128 = tpu.memref_slice %arg4[%mul3A_116, %dma_wait3A_127] : memref<160000x32xf32, #tpu.memory_space<hbm>> -> memref<1000x32xf32, #tpu.memory_space<hbm>>
    tpu.wait_dma2 semaphore(%arg13 : memref<!tpu.dma_semaphore, #tpu.memory_space<semaphore_mem>>) src(%arg7 : memref<1000x32xf32, #tpu.memory_space<vmem>>) dst(%dma_wait3A_128 : memref<1000x32xf32, #tpu.memory_space<hbm>>)
    return
  }
}

#map = affine_map<(d0, d1) -> (0, 0)>
#map1 = affine_map<(d0, d1) -> (0)>
#map2 = affine_map<(d0, d1) -> (0, 0, 0)>
module attributes {stable_mosaic.version = 14 : i64} {
  func.func @body(%arg0: i32, %arg1: i32, %arg2: memref<160000x32xf32, #tpu.memory_space<hbm>>, %arg3: memref<160000xi32, #tpu.memory_space<hbm>>, %arg4: memref<625x32xf32, #tpu.memory_space<hbm>>, %arg5: memref<625x16xf32, #tpu.memory_space<hbm>>, %arg6: memref<1000x16xf32, #tpu.memory_space<hbm>>, %arg7: memref<2x10000x32xf32, #tpu.memory_space<hbm>>, %arg8: memref<2x10000x16xf32, #tpu.memory_space<hbm>>, %arg9: memref<1000xi32, #tpu.memory_space<vmem>>, %arg10: memref<1000xi32, #tpu.memory_space<vmem>>, %arg11: memref<1000x32xf32, #tpu.memory_space<vmem>>, %arg12: memref<1000x32xf32, #tpu.memory_space<vmem>>, %arg13: memref<10000x32xf32, #tpu.memory_space<vmem_shared>>, %arg14: memref<!tpu.dma_semaphore, #tpu.memory_space<semaphore_mem>>, %arg15: memref<!tpu.dma_semaphore, #tpu.memory_space<semaphore_mem>>, %arg16: memref<!tpu.dma_semaphore, #tpu.memory_space<semaphore_mem>>, %arg17: memref<!tpu.dma_semaphore, #tpu.memory_space<semaphore_mem>>, %arg18: memref<1000x16xf32, #tpu.memory_space<vmem>>, %arg19: memref<10000x16xf32, #tpu.memory_space<vmem_shared>>) attributes {dimension_semantics = [#tpu.dimension_semantics<core_parallel>, #tpu.dimension_semantics<subcore_parallel>], iteration_bounds = array<i64: 2, 16>, scalar_prefetch = 0 : i64, scratch_operands = 11 : i64, tpu.core_type = #tpu.core_type<sc_vector_subcore>, window_params = [{transform_indices = #map}, {transform_indices = #map1}, {transform_indices = #map}, {transform_indices = #map}, {transform_indices = #map}, {transform_indices = #map2}, {transform_indices = #map2}]} {
    %mul3A = arith.constant 625 : i32
    %mul3A_0 = arith.muli %arg1, %mul3A : i32
    "tpu.region"() ({
      %run_scoped3A = tpu.sem_alloc : memref<!tpu.dma_semaphore, #tpu.memory_space<semaphore_mem>>
      %dma_start3A_129 = arith.constant 0 : i32
      %dma_start3A_130 = tpu.memref_slice %arg13[%mul3A_0, %dma_start3A_129] : memref<10000x32xf32, #tpu.memory_space<vmem_shared>> -> memref<625x32xf32, #tpu.memory_space<vmem_shared>>
      tpu.enqueue_dma source(%arg4 : memref<625x32xf32, #tpu.memory_space<hbm>>) target(%dma_start3A_130 : memref<625x32xf32, #tpu.memory_space<vmem_shared>>) target_semaphore(%run_scoped3A : memref<!tpu.dma_semaphore, #tpu.memory_space<semaphore_mem>>)
      %dma_wait3A_131 = arith.constant 0 : i32
      %dma_wait3A_132 = tpu.memref_slice %arg13[%mul3A_0, %dma_wait3A_131] : memref<10000x32xf32, #tpu.memory_space<vmem_shared>> -> memref<625x32xf32, #tpu.memory_space<vmem_shared>>
      tpu.wait_dma2 semaphore(%run_scoped3A : memref<!tpu.dma_semaphore, #tpu.memory_space<semaphore_mem>>) src(%arg4 : memref<625x32xf32, #tpu.memory_space<hbm>>) dst(%dma_wait3A_132 : memref<625x32xf32, #tpu.memory_space<vmem_shared>>)
      tpu.yield
    }) : () -> ()
    "tpu.region"() ({
      %run_scoped3A = tpu.sem_alloc : memref<!tpu.dma_semaphore, #tpu.memory_space<semaphore_mem>>
      %dma_start3A_129 = arith.constant 0 : i32
      %dma_start3A_130 = tpu.memref_slice %arg19[%mul3A_0, %dma_start3A_129] : memref<10000x16xf32, #tpu.memory_space<vmem_shared>> -> memref<625x16xf32, #tpu.memory_space<vmem_shared>>
      tpu.enqueue_dma source(%arg5 : memref<625x16xf32, #tpu.memory_space<hbm>>) target(%dma_start3A_130 : memref<625x16xf32, #tpu.memory_space<vmem_shared>>) target_semaphore(%run_scoped3A : memref<!tpu.dma_semaphore, #tpu.memory_space<semaphore_mem>>)
      %dma_wait3A_131 = arith.constant 0 : i32
      %dma_wait3A_132 = tpu.memref_slice %arg19[%mul3A_0, %dma_wait3A_131] : memref<10000x16xf32, #tpu.memory_space<vmem_shared>> -> memref<625x16xf32, #tpu.memory_space<vmem_shared>>
      tpu.wait_dma2 semaphore(%run_scoped3A : memref<!tpu.dma_semaphore, #tpu.memory_space<semaphore_mem>>) src(%arg5 : memref<625x16xf32, #tpu.memory_space<hbm>>) dst(%dma_wait3A_132 : memref<625x16xf32, #tpu.memory_space<vmem_shared>>)
      tpu.yield
    }) : () -> ()
    "tpu.region"() ({
      %run_scoped3A = tpu.sem_alloc : memref<!tpu.dma_semaphore, #tpu.memory_space<semaphore_mem>>
      tpu.enqueue_dma source(%arg6 : memref<1000x16xf32, #tpu.memory_space<hbm>>) target(%arg18 : memref<1000x16xf32, #tpu.memory_space<vmem>>) target_semaphore(%run_scoped3A : memref<!tpu.dma_semaphore, #tpu.memory_space<semaphore_mem>>)
      tpu.wait_dma2 semaphore(%run_scoped3A : memref<!tpu.dma_semaphore, #tpu.memory_space<semaphore_mem>>) src(%arg6 : memref<1000x16xf32, #tpu.memory_space<hbm>>) dst(%arg18 : memref<1000x16xf32, #tpu.memory_space<vmem>>)
      tpu.yield
    }) : () -> ()
    %barrier3A = arith.constant 0 : index
    tpu.barrier barrier_id(%barrier3A)
    %mul3A_1 = arith.constant 80 : i32
    %mul3A_2 = arith.muli %arg0, %mul3A_1 : i32
    %add3A = arith.addi %mul3A_2, %arg1 : i32
    %add3A_3 = arith.constant 0 : i32
    %add3A_4 = arith.addi %add3A, %add3A_3 : i32
    %mul3A_5 = arith.constant 1000 : i32
    %mul3A_6 = arith.muli %add3A_4, %mul3A_5 : i32
    %dma_start3A = tpu.memref_slice %arg3[%mul3A_6] : memref<160000xi32, #tpu.memory_space<hbm>> -> memref<1000xi32, #tpu.memory_space<hbm>>
    %dma_start3A_7 = tpu.memref_slice %arg3[%mul3A_6] : memref<160000xi32, #tpu.memory_space<hbm>> -> memref<1000xi32, #tpu.memory_space<hbm>>
    tpu.enqueue_dma source(%dma_start3A_7 : memref<1000xi32, #tpu.memory_space<hbm>>) target(%arg9 : memref<1000xi32, #tpu.memory_space<vmem>>) target_semaphore(%arg14 : memref<!tpu.dma_semaphore, #tpu.memory_space<semaphore_mem>>)
    %mul3A_8 = arith.constant 80 : i32
    %mul3A_9 = arith.muli %arg0, %mul3A_8 : i32
    %add3A_10 = arith.addi %mul3A_9, %arg1 : i32
    %add3A_11 = arith.constant 0 : i32
    %add3A_12 = arith.addi %add3A_10, %add3A_11 : i32
    %mul3A_13 = arith.constant 1000 : i32
    %mul3A_14 = arith.muli %add3A_12, %mul3A_13 : i32
    %dma_start3A_15 = arith.constant 0 : i32
    %dma_start3A_16 = tpu.memref_slice %arg2[%mul3A_14, %dma_start3A_15] : memref<160000x32xf32, #tpu.memory_space<hbm>> -> memref<1000x32xf32, #tpu.memory_space<hbm>>
    %dma_start3A_17 = arith.constant 0 : i32
    %dma_start3A_18 = tpu.memref_slice %arg2[%mul3A_14, %dma_start3A_17] : memref<160000x32xf32, #tpu.memory_space<hbm>> -> memref<1000x32xf32, #tpu.memory_space<hbm>>
    tpu.enqueue_dma source(%dma_start3A_18 : memref<1000x32xf32, #tpu.memory_space<hbm>>) target(%arg11 : memref<1000x32xf32, #tpu.memory_space<vmem>>) target_semaphore(%arg16 : memref<!tpu.dma_semaphore, #tpu.memory_space<semaphore_mem>>)
    %mul3A_19 = arith.constant 80 : i32
    %mul3A_20 = arith.muli %arg0, %mul3A_19 : i32
    %add3A_21 = arith.addi %mul3A_20, %arg1 : i32
    %add3A_22 = arith.constant 16 : i32
    %add3A_23 = arith.addi %add3A_21, %add3A_22 : i32
    %mul3A_24 = arith.constant 1000 : i32
    %mul3A_25 = arith.muli %add3A_23, %mul3A_24 : i32
    %dma_start3A_26 = tpu.memref_slice %arg3[%mul3A_25] : memref<160000xi32, #tpu.memory_space<hbm>> -> memref<1000xi32, #tpu.memory_space<hbm>>
    %dma_start3A_27 = tpu.memref_slice %arg3[%mul3A_25] : memref<160000xi32, #tpu.memory_space<hbm>> -> memref<1000xi32, #tpu.memory_space<hbm>>
    tpu.enqueue_dma source(%dma_start3A_27 : memref<1000xi32, #tpu.memory_space<hbm>>) target(%arg10 : memref<1000xi32, #tpu.memory_space<vmem>>) target_semaphore(%arg15 : memref<!tpu.dma_semaphore, #tpu.memory_space<semaphore_mem>>)
    %mul3A_28 = arith.constant 80 : i32
    %mul3A_29 = arith.muli %arg0, %mul3A_28 : i32
    %add3A_30 = arith.addi %mul3A_29, %arg1 : i32
    %add3A_31 = arith.constant 16 : i32
    %add3A_32 = arith.addi %add3A_30, %add3A_31 : i32
    %mul3A_33 = arith.constant 1000 : i32
    %mul3A_34 = arith.muli %add3A_32, %mul3A_33 : i32
    %dma_start3A_35 = arith.constant 0 : i32
    %dma_start3A_36 = tpu.memref_slice %arg2[%mul3A_34, %dma_start3A_35] : memref<160000x32xf32, #tpu.memory_space<hbm>> -> memref<1000x32xf32, #tpu.memory_space<hbm>>
    %dma_start3A_37 = arith.constant 0 : i32
    %dma_start3A_38 = tpu.memref_slice %arg2[%mul3A_34, %dma_start3A_37] : memref<160000x32xf32, #tpu.memory_space<hbm>> -> memref<1000x32xf32, #tpu.memory_space<hbm>>
    tpu.enqueue_dma source(%dma_start3A_38 : memref<1000x32xf32, #tpu.memory_space<hbm>>) target(%arg12 : memref<1000x32xf32, #tpu.memory_space<vmem>>) target_semaphore(%arg17 : memref<!tpu.dma_semaphore, #tpu.memory_space<semaphore_mem>>)
    %dma_wait3A = tpu.memref_slice %arg3[%mul3A_6] : memref<160000xi32, #tpu.memory_space<hbm>> -> memref<1000xi32, #tpu.memory_space<hbm>>
    %dma_wait3A_39 = tpu.memref_slice %arg3[%mul3A_6] : memref<160000xi32, #tpu.memory_space<hbm>> -> memref<1000xi32, #tpu.memory_space<hbm>>
    tpu.wait_dma2 semaphore(%arg14 : memref<!tpu.dma_semaphore, #tpu.memory_space<semaphore_mem>>) src(%dma_wait3A_39 : memref<1000xi32, #tpu.memory_space<hbm>>) dst(%arg9 : memref<1000xi32, #tpu.memory_space<vmem>>)
    %dma_wait3A_40 = arith.constant 0 : i32
    %dma_wait3A_41 = tpu.memref_slice %arg2[%mul3A_14, %dma_wait3A_40] : memref<160000x32xf32, #tpu.memory_space<hbm>> -> memref<1000x32xf32, #tpu.memory_space<hbm>>
    %dma_wait3A_42 = arith.constant 0 : i32
    %dma_wait3A_43 = tpu.memref_slice %arg2[%mul3A_14, %dma_wait3A_42] : memref<160000x32xf32, #tpu.memory_space<hbm>> -> memref<1000x32xf32, #tpu.memory_space<hbm>>
    tpu.wait_dma2 semaphore(%arg16 : memref<!tpu.dma_semaphore, #tpu.memory_space<semaphore_mem>>) src(%dma_wait3A_43 : memref<1000x32xf32, #tpu.memory_space<hbm>>) dst(%arg11 : memref<1000x32xf32, #tpu.memory_space<vmem>>)
    "tpu.region"() ({
      %run_scoped3A = tpu.sem_alloc : memref<!tpu.dma_semaphore, #tpu.memory_space<semaphore_mem>>
      %dma_start3A_129 = arith.constant 0 : i32
      %dma_start3A_130 = arith.constant 0 : i32
      %dma_start3A_131 = tpu.memref_slice %arg13[%dma_start3A_129, %dma_start3A_130] : memref<10000x32xf32, #tpu.memory_space<vmem_shared>> -> memref<10000x32xf32, #tpu.memory_space<vmem_shared>>
      tpu.enqueue_indirect_dma source(%arg11 : memref<1000x32xf32, #tpu.memory_space<vmem>>) target(%dma_start3A_131 : memref<10000x32xf32, #tpu.memory_space<vmem_shared>>) offsets(%arg9 : memref<1000xi32, #tpu.memory_space<vmem>>) semaphore(%run_scoped3A : memref<!tpu.dma_semaphore, #tpu.memory_space<semaphore_mem>>) {add = true}
      %dma_wait3A_132 = arith.constant 0 : i32
      %dma_wait3A_133 = arith.constant 0 : i32
      %dma_wait3A_134 = tpu.memref_slice %arg13[%dma_wait3A_132, %dma_wait3A_133] : memref<10000x32xf32, #tpu.memory_space<vmem_shared>> -> memref<10000x32xf32, #tpu.memory_space<vmem_shared>>
      tpu.wait_indirect_dma semaphore(%run_scoped3A : memref<!tpu.dma_semaphore, #tpu.memory_space<semaphore_mem>>) src(%arg11 : memref<1000x32xf32, #tpu.memory_space<vmem>>) dst(%dma_wait3A_134 : memref<10000x32xf32, #tpu.memory_space<vmem_shared>>)
      tpu.yield
    }) : () -> ()
    "tpu.region"() ({
      %run_scoped3A = tpu.sem_alloc : memref<!tpu.dma_semaphore, #tpu.memory_space<semaphore_mem>>
      %dma_start3A_129 = arith.constant 0 : i32
      %dma_start3A_130 = arith.constant 0 : i32
      %dma_start3A_131 = tpu.memref_slice %arg19[%dma_start3A_129, %dma_start3A_130] : memref<10000x16xf32, #tpu.memory_space<vmem_shared>> -> memref<10000x16xf32, #tpu.memory_space<vmem_shared>>
      tpu.enqueue_indirect_dma source(%arg18 : memref<1000x16xf32, #tpu.memory_space<vmem>>) target(%dma_start3A_131 : memref<10000x16xf32, #tpu.memory_space<vmem_shared>>) offsets(%arg9 : memref<1000xi32, #tpu.memory_space<vmem>>) semaphore(%run_scoped3A : memref<!tpu.dma_semaphore, #tpu.memory_space<semaphore_mem>>) {add = true}
      %dma_wait3A_132 = arith.constant 0 : i32
      %dma_wait3A_133 = arith.constant 0 : i32
      %dma_wait3A_134 = tpu.memref_slice %arg19[%dma_wait3A_132, %dma_wait3A_133] : memref<10000x16xf32, #tpu.memory_space<vmem_shared>> -> memref<10000x16xf32, #tpu.memory_space<vmem_shared>>
      tpu.wait_indirect_dma semaphore(%run_scoped3A : memref<!tpu.dma_semaphore, #tpu.memory_space<semaphore_mem>>) src(%arg18 : memref<1000x16xf32, #tpu.memory_space<vmem>>) dst(%dma_wait3A_134 : memref<10000x16xf32, #tpu.memory_space<vmem_shared>>)
      tpu.yield
    }) : () -> ()
    %mul3A_44 = arith.constant 80 : i32
    %mul3A_45 = arith.muli %arg0, %mul3A_44 : i32
    %add3A_46 = arith.addi %mul3A_45, %arg1 : i32
    %add3A_47 = arith.constant 32 : i32
    %add3A_48 = arith.addi %add3A_46, %add3A_47 : i32
    %mul3A_49 = arith.constant 1000 : i32
    %mul3A_50 = arith.muli %add3A_48, %mul3A_49 : i32
    %dma_start3A_51 = tpu.memref_slice %arg3[%mul3A_50] : memref<160000xi32, #tpu.memory_space<hbm>> -> memref<1000xi32, #tpu.memory_space<hbm>>
    %dma_start3A_52 = tpu.memref_slice %arg3[%mul3A_50] : memref<160000xi32, #tpu.memory_space<hbm>> -> memref<1000xi32, #tpu.memory_space<hbm>>
    tpu.enqueue_dma source(%dma_start3A_52 : memref<1000xi32, #tpu.memory_space<hbm>>) target(%arg9 : memref<1000xi32, #tpu.memory_space<vmem>>) target_semaphore(%arg14 : memref<!tpu.dma_semaphore, #tpu.memory_space<semaphore_mem>>)
    %mul3A_53 = arith.constant 80 : i32
    %mul3A_54 = arith.muli %arg0, %mul3A_53 : i32
    %add3A_55 = arith.addi %mul3A_54, %arg1 : i32
    %add3A_56 = arith.constant 32 : i32
    %add3A_57 = arith.addi %add3A_55, %add3A_56 : i32
    %mul3A_58 = arith.constant 1000 : i32
    %mul3A_59 = arith.muli %add3A_57, %mul3A_58 : i32
    %dma_start3A_60 = arith.constant 0 : i32
    %dma_start3A_61 = tpu.memref_slice %arg2[%mul3A_59, %dma_start3A_60] : memref<160000x32xf32, #tpu.memory_space<hbm>> -> memref<1000x32xf32, #tpu.memory_space<hbm>>
    %dma_start3A_62 = arith.constant 0 : i32
    %dma_start3A_63 = tpu.memref_slice %arg2[%mul3A_59, %dma_start3A_62] : memref<160000x32xf32, #tpu.memory_space<hbm>> -> memref<1000x32xf32, #tpu.memory_space<hbm>>
    tpu.enqueue_dma source(%dma_start3A_63 : memref<1000x32xf32, #tpu.memory_space<hbm>>) target(%arg11 : memref<1000x32xf32, #tpu.memory_space<vmem>>) target_semaphore(%arg16 : memref<!tpu.dma_semaphore, #tpu.memory_space<semaphore_mem>>)
    %dma_wait3A_64 = tpu.memref_slice %arg3[%mul3A_25] : memref<160000xi32, #tpu.memory_space<hbm>> -> memref<1000xi32, #tpu.memory_space<hbm>>
    %dma_wait3A_65 = tpu.memref_slice %arg3[%mul3A_25] : memref<160000xi32, #tpu.memory_space<hbm>> -> memref<1000xi32, #tpu.memory_space<hbm>>
    tpu.wait_dma2 semaphore(%arg15 : memref<!tpu.dma_semaphore, #tpu.memory_space<semaphore_mem>>) src(%dma_wait3A_65 : memref<1000xi32, #tpu.memory_space<hbm>>) dst(%arg10 : memref<1000xi32, #tpu.memory_space<vmem>>)
    %dma_wait3A_66 = arith.constant 0 : i32
    %dma_wait3A_67 = tpu.memref_slice %arg2[%mul3A_34, %dma_wait3A_66] : memref<160000x32xf32, #tpu.memory_space<hbm>> -> memref<1000x32xf32, #tpu.memory_space<hbm>>
    %dma_wait3A_68 = arith.constant 0 : i32
    %dma_wait3A_69 = tpu.memref_slice %arg2[%mul3A_34, %dma_wait3A_68] : memref<160000x32xf32, #tpu.memory_space<hbm>> -> memref<1000x32xf32, #tpu.memory_space<hbm>>
    tpu.wait_dma2 semaphore(%arg17 : memref<!tpu.dma_semaphore, #tpu.memory_space<semaphore_mem>>) src(%dma_wait3A_69 : memref<1000x32xf32, #tpu.memory_space<hbm>>) dst(%arg12 : memref<1000x32xf32, #tpu.memory_space<vmem>>)
    "tpu.region"() ({
      %run_scoped3A = tpu.sem_alloc : memref<!tpu.dma_semaphore, #tpu.memory_space<semaphore_mem>>
      %dma_start3A_129 = arith.constant 0 : i32
      %dma_start3A_130 = arith.constant 0 : i32
      %dma_start3A_131 = tpu.memref_slice %arg13[%dma_start3A_129, %dma_start3A_130] : memref<10000x32xf32, #tpu.memory_space<vmem_shared>> -> memref<10000x32xf32, #tpu.memory_space<vmem_shared>>
      tpu.enqueue_indirect_dma source(%arg12 : memref<1000x32xf32, #tpu.memory_space<vmem>>) target(%dma_start3A_131 : memref<10000x32xf32, #tpu.memory_space<vmem_shared>>) offsets(%arg10 : memref<1000xi32, #tpu.memory_space<vmem>>) semaphore(%run_scoped3A : memref<!tpu.dma_semaphore, #tpu.memory_space<semaphore_mem>>) {add = true}
      %dma_wait3A_132 = arith.constant 0 : i32
      %dma_wait3A_133 = arith.constant 0 : i32
      %dma_wait3A_134 = tpu.memref_slice %arg13[%dma_wait3A_132, %dma_wait3A_133] : memref<10000x32xf32, #tpu.memory_space<vmem_shared>> -> memref<10000x32xf32, #tpu.memory_space<vmem_shared>>
      tpu.wait_indirect_dma semaphore(%run_scoped3A : memref<!tpu.dma_semaphore, #tpu.memory_space<semaphore_mem>>) src(%arg12 : memref<1000x32xf32, #tpu.memory_space<vmem>>) dst(%dma_wait3A_134 : memref<10000x32xf32, #tpu.memory_space<vmem_shared>>)
      tpu.yield
    }) : () -> ()
    "tpu.region"() ({
      %run_scoped3A = tpu.sem_alloc : memref<!tpu.dma_semaphore, #tpu.memory_space<semaphore_mem>>
      %dma_start3A_129 = arith.constant 0 : i32
      %dma_start3A_130 = arith.constant 0 : i32
      %dma_start3A_131 = tpu.memref_slice %arg19[%dma_start3A_129, %dma_start3A_130] : memref<10000x16xf32, #tpu.memory_space<vmem_shared>> -> memref<10000x16xf32, #tpu.memory_space<vmem_shared>>
      tpu.enqueue_indirect_dma source(%arg18 : memref<1000x16xf32, #tpu.memory_space<vmem>>) target(%dma_start3A_131 : memref<10000x16xf32, #tpu.memory_space<vmem_shared>>) offsets(%arg10 : memref<1000xi32, #tpu.memory_space<vmem>>) semaphore(%run_scoped3A : memref<!tpu.dma_semaphore, #tpu.memory_space<semaphore_mem>>) {add = true}
      %dma_wait3A_132 = arith.constant 0 : i32
      %dma_wait3A_133 = arith.constant 0 : i32
      %dma_wait3A_134 = tpu.memref_slice %arg19[%dma_wait3A_132, %dma_wait3A_133] : memref<10000x16xf32, #tpu.memory_space<vmem_shared>> -> memref<10000x16xf32, #tpu.memory_space<vmem_shared>>
      tpu.wait_indirect_dma semaphore(%run_scoped3A : memref<!tpu.dma_semaphore, #tpu.memory_space<semaphore_mem>>) src(%arg18 : memref<1000x16xf32, #tpu.memory_space<vmem>>) dst(%dma_wait3A_134 : memref<10000x16xf32, #tpu.memory_space<vmem_shared>>)
      tpu.yield
    }) : () -> ()
    %mul3A_70 = arith.constant 80 : i32
    %mul3A_71 = arith.muli %arg0, %mul3A_70 : i32
    %add3A_72 = arith.addi %mul3A_71, %arg1 : i32
    %add3A_73 = arith.constant 48 : i32
    %add3A_74 = arith.addi %add3A_72, %add3A_73 : i32
    %mul3A_75 = arith.constant 1000 : i32
    %mul3A_76 = arith.muli %add3A_74, %mul3A_75 : i32
    %dma_start3A_77 = tpu.memref_slice %arg3[%mul3A_76] : memref<160000xi32, #tpu.memory_space<hbm>> -> memref<1000xi32, #tpu.memory_space<hbm>>
    %dma_start3A_78 = tpu.memref_slice %arg3[%mul3A_76] : memref<160000xi32, #tpu.memory_space<hbm>> -> memref<1000xi32, #tpu.memory_space<hbm>>
    tpu.enqueue_dma source(%dma_start3A_78 : memref<1000xi32, #tpu.memory_space<hbm>>) target(%arg10 : memref<1000xi32, #tpu.memory_space<vmem>>) target_semaphore(%arg15 : memref<!tpu.dma_semaphore, #tpu.memory_space<semaphore_mem>>)
    %mul3A_79 = arith.constant 80 : i32
    %mul3A_80 = arith.muli %arg0, %mul3A_79 : i32
    %add3A_81 = arith.addi %mul3A_80, %arg1 : i32
    %add3A_82 = arith.constant 48 : i32
    %add3A_83 = arith.addi %add3A_81, %add3A_82 : i32
    %mul3A_84 = arith.constant 1000 : i32
    %mul3A_85 = arith.muli %add3A_83, %mul3A_84 : i32
    %dma_start3A_86 = arith.constant 0 : i32
    %dma_start3A_87 = tpu.memref_slice %arg2[%mul3A_85, %dma_start3A_86] : memref<160000x32xf32, #tpu.memory_space<hbm>> -> memref<1000x32xf32, #tpu.memory_space<hbm>>
    %dma_start3A_88 = arith.constant 0 : i32
    %dma_start3A_89 = tpu.memref_slice %arg2[%mul3A_85, %dma_start3A_88] : memref<160000x32xf32, #tpu.memory_space<hbm>> -> memref<1000x32xf32, #tpu.memory_space<hbm>>
    tpu.enqueue_dma source(%dma_start3A_89 : memref<1000x32xf32, #tpu.memory_space<hbm>>) target(%arg12 : memref<1000x32xf32, #tpu.memory_space<vmem>>) target_semaphore(%arg17 : memref<!tpu.dma_semaphore, #tpu.memory_space<semaphore_mem>>)
    %dma_wait3A_90 = tpu.memref_slice %arg3[%mul3A_50] : memref<160000xi32, #tpu.memory_space<hbm>> -> memref<1000xi32, #tpu.memory_space<hbm>>
    %dma_wait3A_91 = tpu.memref_slice %arg3[%mul3A_50] : memref<160000xi32, #tpu.memory_space<hbm>> -> memref<1000xi32, #tpu.memory_space<hbm>>
    tpu.wait_dma2 semaphore(%arg14 : memref<!tpu.dma_semaphore, #tpu.memory_space<semaphore_mem>>) src(%dma_wait3A_91 : memref<1000xi32, #tpu.memory_space<hbm>>) dst(%arg9 : memref<1000xi32, #tpu.memory_space<vmem>>)
    %dma_wait3A_92 = arith.constant 0 : i32
    %dma_wait3A_93 = tpu.memref_slice %arg2[%mul3A_59, %dma_wait3A_92] : memref<160000x32xf32, #tpu.memory_space<hbm>> -> memref<1000x32xf32, #tpu.memory_space<hbm>>
    %dma_wait3A_94 = arith.constant 0 : i32
    %dma_wait3A_95 = tpu.memref_slice %arg2[%mul3A_59, %dma_wait3A_94] : memref<160000x32xf32, #tpu.memory_space<hbm>> -> memref<1000x32xf32, #tpu.memory_space<hbm>>
    tpu.wait_dma2 semaphore(%arg16 : memref<!tpu.dma_semaphore, #tpu.memory_space<semaphore_mem>>) src(%dma_wait3A_95 : memref<1000x32xf32, #tpu.memory_space<hbm>>) dst(%arg11 : memref<1000x32xf32, #tpu.memory_space<vmem>>)
    "tpu.region"() ({
      %run_scoped3A = tpu.sem_alloc : memref<!tpu.dma_semaphore, #tpu.memory_space<semaphore_mem>>
      %dma_start3A_129 = arith.constant 0 : i32
      %dma_start3A_130 = arith.constant 0 : i32
      %dma_start3A_131 = tpu.memref_slice %arg13[%dma_start3A_129, %dma_start3A_130] : memref<10000x32xf32, #tpu.memory_space<vmem_shared>> -> memref<10000x32xf32, #tpu.memory_space<vmem_shared>>
      tpu.enqueue_indirect_dma source(%arg11 : memref<1000x32xf32, #tpu.memory_space<vmem>>) target(%dma_start3A_131 : memref<10000x32xf32, #tpu.memory_space<vmem_shared>>) offsets(%arg9 : memref<1000xi32, #tpu.memory_space<vmem>>) semaphore(%run_scoped3A : memref<!tpu.dma_semaphore, #tpu.memory_space<semaphore_mem>>) {add = true}
      %dma_wait3A_132 = arith.constant 0 : i32
      %dma_wait3A_133 = arith.constant 0 : i32
      %dma_wait3A_134 = tpu.memref_slice %arg13[%dma_wait3A_132, %dma_wait3A_133] : memref<10000x32xf32, #tpu.memory_space<vmem_shared>> -> memref<10000x32xf32, #tpu.memory_space<vmem_shared>>
      tpu.wait_indirect_dma semaphore(%run_scoped3A : memref<!tpu.dma_semaphore, #tpu.memory_space<semaphore_mem>>) src(%arg11 : memref<1000x32xf32, #tpu.memory_space<vmem>>) dst(%dma_wait3A_134 : memref<10000x32xf32, #tpu.memory_space<vmem_shared>>)
      tpu.yield
    }) : () -> ()
    "tpu.region"() ({
      %run_scoped3A = tpu.sem_alloc : memref<!tpu.dma_semaphore, #tpu.memory_space<semaphore_mem>>
      %dma_start3A_129 = arith.constant 0 : i32
      %dma_start3A_130 = arith.constant 0 : i32
      %dma_start3A_131 = tpu.memref_slice %arg19[%dma_start3A_129, %dma_start3A_130] : memref<10000x16xf32, #tpu.memory_space<vmem_shared>> -> memref<10000x16xf32, #tpu.memory_space<vmem_shared>>
      tpu.enqueue_indirect_dma source(%arg18 : memref<1000x16xf32, #tpu.memory_space<vmem>>) target(%dma_start3A_131 : memref<10000x16xf32, #tpu.memory_space<vmem_shared>>) offsets(%arg9 : memref<1000xi32, #tpu.memory_space<vmem>>) semaphore(%run_scoped3A : memref<!tpu.dma_semaphore, #tpu.memory_space<semaphore_mem>>) {add = true}
      %dma_wait3A_132 = arith.constant 0 : i32
      %dma_wait3A_133 = arith.constant 0 : i32
      %dma_wait3A_134 = tpu.memref_slice %arg19[%dma_wait3A_132, %dma_wait3A_133] : memref<10000x16xf32, #tpu.memory_space<vmem_shared>> -> memref<10000x16xf32, #tpu.memory_space<vmem_shared>>
      tpu.wait_indirect_dma semaphore(%run_scoped3A : memref<!tpu.dma_semaphore, #tpu.memory_space<semaphore_mem>>) src(%arg18 : memref<1000x16xf32, #tpu.memory_space<vmem>>) dst(%dma_wait3A_134 : memref<10000x16xf32, #tpu.memory_space<vmem_shared>>)
      tpu.yield
    }) : () -> ()
    %mul3A_96 = arith.constant 80 : i32
    %mul3A_97 = arith.muli %arg0, %mul3A_96 : i32
    %add3A_98 = arith.addi %mul3A_97, %arg1 : i32
    %add3A_99 = arith.constant 64 : i32
    %add3A_100 = arith.addi %add3A_98, %add3A_99 : i32
    %mul3A_101 = arith.constant 1000 : i32
    %mul3A_102 = arith.muli %add3A_100, %mul3A_101 : i32
    %dma_start3A_103 = tpu.memref_slice %arg3[%mul3A_102] : memref<160000xi32, #tpu.memory_space<hbm>> -> memref<1000xi32, #tpu.memory_space<hbm>>
    %dma_start3A_104 = tpu.memref_slice %arg3[%mul3A_102] : memref<160000xi32, #tpu.memory_space<hbm>> -> memref<1000xi32, #tpu.memory_space<hbm>>
    tpu.enqueue_dma source(%dma_start3A_104 : memref<1000xi32, #tpu.memory_space<hbm>>) target(%arg9 : memref<1000xi32, #tpu.memory_space<vmem>>) target_semaphore(%arg14 : memref<!tpu.dma_semaphore, #tpu.memory_space<semaphore_mem>>)
    %mul3A_105 = arith.constant 80 : i32
    %mul3A_106 = arith.muli %arg0, %mul3A_105 : i32
    %add3A_107 = arith.addi %mul3A_106, %arg1 : i32
    %add3A_108 = arith.constant 64 : i32
    %add3A_109 = arith.addi %add3A_107, %add3A_108 : i32
    %mul3A_110 = arith.constant 1000 : i32
    %mul3A_111 = arith.muli %add3A_109, %mul3A_110 : i32
    %dma_start3A_112 = arith.constant 0 : i32
    %dma_start3A_113 = tpu.memref_slice %arg2[%mul3A_111, %dma_start3A_112] : memref<160000x32xf32, #tpu.memory_space<hbm>> -> memref<1000x32xf32, #tpu.memory_space<hbm>>
    %dma_start3A_114 = arith.constant 0 : i32
    %dma_start3A_115 = tpu.memref_slice %arg2[%mul3A_111, %dma_start3A_114] : memref<160000x32xf32, #tpu.memory_space<hbm>> -> memref<1000x32xf32, #tpu.memory_space<hbm>>
    tpu.enqueue_dma source(%dma_start3A_115 : memref<1000x32xf32, #tpu.memory_space<hbm>>) target(%arg11 : memref<1000x32xf32, #tpu.memory_space<vmem>>) target_semaphore(%arg16 : memref<!tpu.dma_semaphore, #tpu.memory_space<semaphore_mem>>)
    %dma_wait3A_116 = tpu.memref_slice %arg3[%mul3A_76] : memref<160000xi32, #tpu.memory_space<hbm>> -> memref<1000xi32, #tpu.memory_space<hbm>>
    %dma_wait3A_117 = tpu.memref_slice %arg3[%mul3A_76] : memref<160000xi32, #tpu.memory_space<hbm>> -> memref<1000xi32, #tpu.memory_space<hbm>>
    tpu.wait_dma2 semaphore(%arg15 : memref<!tpu.dma_semaphore, #tpu.memory_space<semaphore_mem>>) src(%dma_wait3A_117 : memref<1000xi32, #tpu.memory_space<hbm>>) dst(%arg10 : memref<1000xi32, #tpu.memory_space<vmem>>)
    %dma_wait3A_118 = arith.constant 0 : i32
    %dma_wait3A_119 = tpu.memref_slice %arg2[%mul3A_85, %dma_wait3A_118] : memref<160000x32xf32, #tpu.memory_space<hbm>> -> memref<1000x32xf32, #tpu.memory_space<hbm>>
    %dma_wait3A_120 = arith.constant 0 : i32
    %dma_wait3A_121 = tpu.memref_slice %arg2[%mul3A_85, %dma_wait3A_120] : memref<160000x32xf32, #tpu.memory_space<hbm>> -> memref<1000x32xf32, #tpu.memory_space<hbm>>
    tpu.wait_dma2 semaphore(%arg17 : memref<!tpu.dma_semaphore, #tpu.memory_space<semaphore_mem>>) src(%dma_wait3A_121 : memref<1000x32xf32, #tpu.memory_space<hbm>>) dst(%arg12 : memref<1000x32xf32, #tpu.memory_space<vmem>>)
    "tpu.region"() ({
      %run_scoped3A = tpu.sem_alloc : memref<!tpu.dma_semaphore, #tpu.memory_space<semaphore_mem>>
      %dma_start3A_129 = arith.constant 0 : i32
      %dma_start3A_130 = arith.constant 0 : i32
      %dma_start3A_131 = tpu.memref_slice %arg13[%dma_start3A_129, %dma_start3A_130] : memref<10000x32xf32, #tpu.memory_space<vmem_shared>> -> memref<10000x32xf32, #tpu.memory_space<vmem_shared>>
      tpu.enqueue_indirect_dma source(%arg12 : memref<1000x32xf32, #tpu.memory_space<vmem>>) target(%dma_start3A_131 : memref<10000x32xf32, #tpu.memory_space<vmem_shared>>) offsets(%arg10 : memref<1000xi32, #tpu.memory_space<vmem>>) semaphore(%run_scoped3A : memref<!tpu.dma_semaphore, #tpu.memory_space<semaphore_mem>>) {add = true}
      %dma_wait3A_132 = arith.constant 0 : i32
      %dma_wait3A_133 = arith.constant 0 : i32
      %dma_wait3A_134 = tpu.memref_slice %arg13[%dma_wait3A_132, %dma_wait3A_133] : memref<10000x32xf32, #tpu.memory_space<vmem_shared>> -> memref<10000x32xf32, #tpu.memory_space<vmem_shared>>
      tpu.wait_indirect_dma semaphore(%run_scoped3A : memref<!tpu.dma_semaphore, #tpu.memory_space<semaphore_mem>>) src(%arg12 : memref<1000x32xf32, #tpu.memory_space<vmem>>) dst(%dma_wait3A_134 : memref<10000x32xf32, #tpu.memory_space<vmem_shared>>)
      tpu.yield
    }) : () -> ()
    "tpu.region"() ({
      %run_scoped3A = tpu.sem_alloc : memref<!tpu.dma_semaphore, #tpu.memory_space<semaphore_mem>>
      %dma_start3A_129 = arith.constant 0 : i32
      %dma_start3A_130 = arith.constant 0 : i32
      %dma_start3A_131 = tpu.memref_slice %arg19[%dma_start3A_129, %dma_start3A_130] : memref<10000x16xf32, #tpu.memory_space<vmem_shared>> -> memref<10000x16xf32, #tpu.memory_space<vmem_shared>>
      tpu.enqueue_indirect_dma source(%arg18 : memref<1000x16xf32, #tpu.memory_space<vmem>>) target(%dma_start3A_131 : memref<10000x16xf32, #tpu.memory_space<vmem_shared>>) offsets(%arg10 : memref<1000xi32, #tpu.memory_space<vmem>>) semaphore(%run_scoped3A : memref<!tpu.dma_semaphore, #tpu.memory_space<semaphore_mem>>) {add = true}
      %dma_wait3A_132 = arith.constant 0 : i32
      %dma_wait3A_133 = arith.constant 0 : i32
      %dma_wait3A_134 = tpu.memref_slice %arg19[%dma_wait3A_132, %dma_wait3A_133] : memref<10000x16xf32, #tpu.memory_space<vmem_shared>> -> memref<10000x16xf32, #tpu.memory_space<vmem_shared>>
      tpu.wait_indirect_dma semaphore(%run_scoped3A : memref<!tpu.dma_semaphore, #tpu.memory_space<semaphore_mem>>) src(%arg18 : memref<1000x16xf32, #tpu.memory_space<vmem>>) dst(%dma_wait3A_134 : memref<10000x16xf32, #tpu.memory_space<vmem_shared>>)
      tpu.yield
    }) : () -> ()
    %dma_wait3A_122 = tpu.memref_slice %arg3[%mul3A_102] : memref<160000xi32, #tpu.memory_space<hbm>> -> memref<1000xi32, #tpu.memory_space<hbm>>
    %dma_wait3A_123 = tpu.memref_slice %arg3[%mul3A_102] : memref<160000xi32, #tpu.memory_space<hbm>> -> memref<1000xi32, #tpu.memory_space<hbm>>
    tpu.wait_dma2 semaphore(%arg14 : memref<!tpu.dma_semaphore, #tpu.memory_space<semaphore_mem>>) src(%dma_wait3A_123 : memref<1000xi32, #tpu.memory_space<hbm>>) dst(%arg9 : memref<1000xi32, #tpu.memory_space<vmem>>)
    %dma_wait3A_124 = arith.constant 0 : i32
    %dma_wait3A_125 = tpu.memref_slice %arg2[%mul3A_111, %dma_wait3A_124] : memref<160000x32xf32, #tpu.memory_space<hbm>> -> memref<1000x32xf32, #tpu.memory_space<hbm>>
    %dma_wait3A_126 = arith.constant 0 : i32
    %dma_wait3A_127 = tpu.memref_slice %arg2[%mul3A_111, %dma_wait3A_126] : memref<160000x32xf32, #tpu.memory_space<hbm>> -> memref<1000x32xf32, #tpu.memory_space<hbm>>
    tpu.wait_dma2 semaphore(%arg16 : memref<!tpu.dma_semaphore, #tpu.memory_space<semaphore_mem>>) src(%dma_wait3A_127 : memref<1000x32xf32, #tpu.memory_space<hbm>>) dst(%arg11 : memref<1000x32xf32, #tpu.memory_space<vmem>>)
    "tpu.region"() ({
      %run_scoped3A = tpu.sem_alloc : memref<!tpu.dma_semaphore, #tpu.memory_space<semaphore_mem>>
      %dma_start3A_129 = arith.constant 0 : i32
      %dma_start3A_130 = arith.constant 0 : i32
      %dma_start3A_131 = tpu.memref_slice %arg13[%dma_start3A_129, %dma_start3A_130] : memref<10000x32xf32, #tpu.memory_space<vmem_shared>> -> memref<10000x32xf32, #tpu.memory_space<vmem_shared>>
      tpu.enqueue_indirect_dma source(%arg11 : memref<1000x32xf32, #tpu.memory_space<vmem>>) target(%dma_start3A_131 : memref<10000x32xf32, #tpu.memory_space<vmem_shared>>) offsets(%arg9 : memref<1000xi32, #tpu.memory_space<vmem>>) semaphore(%run_scoped3A : memref<!tpu.dma_semaphore, #tpu.memory_space<semaphore_mem>>) {add = true}
      %dma_wait3A_132 = arith.constant 0 : i32
      %dma_wait3A_133 = arith.constant 0 : i32
      %dma_wait3A_134 = tpu.memref_slice %arg13[%dma_wait3A_132, %dma_wait3A_133] : memref<10000x32xf32, #tpu.memory_space<vmem_shared>> -> memref<10000x32xf32, #tpu.memory_space<vmem_shared>>
      tpu.wait_indirect_dma semaphore(%run_scoped3A : memref<!tpu.dma_semaphore, #tpu.memory_space<semaphore_mem>>) src(%arg11 : memref<1000x32xf32, #tpu.memory_space<vmem>>) dst(%dma_wait3A_134 : memref<10000x32xf32, #tpu.memory_space<vmem_shared>>)
      tpu.yield
    }) : () -> ()
    "tpu.region"() ({
      %run_scoped3A = tpu.sem_alloc : memref<!tpu.dma_semaphore, #tpu.memory_space<semaphore_mem>>
      %dma_start3A_129 = arith.constant 0 : i32
      %dma_start3A_130 = arith.constant 0 : i32
      %dma_start3A_131 = tpu.memref_slice %arg19[%dma_start3A_129, %dma_start3A_130] : memref<10000x16xf32, #tpu.memory_space<vmem_shared>> -> memref<10000x16xf32, #tpu.memory_space<vmem_shared>>
      tpu.enqueue_indirect_dma source(%arg18 : memref<1000x16xf32, #tpu.memory_space<vmem>>) target(%dma_start3A_131 : memref<10000x16xf32, #tpu.memory_space<vmem_shared>>) offsets(%arg9 : memref<1000xi32, #tpu.memory_space<vmem>>) semaphore(%run_scoped3A : memref<!tpu.dma_semaphore, #tpu.memory_space<semaphore_mem>>) {add = true}
      %dma_wait3A_132 = arith.constant 0 : i32
      %dma_wait3A_133 = arith.constant 0 : i32
      %dma_wait3A_134 = tpu.memref_slice %arg19[%dma_wait3A_132, %dma_wait3A_133] : memref<10000x16xf32, #tpu.memory_space<vmem_shared>> -> memref<10000x16xf32, #tpu.memory_space<vmem_shared>>
      tpu.wait_indirect_dma semaphore(%run_scoped3A : memref<!tpu.dma_semaphore, #tpu.memory_space<semaphore_mem>>) src(%arg18 : memref<1000x16xf32, #tpu.memory_space<vmem>>) dst(%dma_wait3A_134 : memref<10000x16xf32, #tpu.memory_space<vmem_shared>>)
      tpu.yield
    }) : () -> ()
    %barrier3A_128 = arith.constant 0 : index
    tpu.barrier barrier_id(%barrier3A_128)
    "tpu.region"() ({
      %run_scoped3A = tpu.sem_alloc : memref<!tpu.dma_semaphore, #tpu.memory_space<semaphore_mem>>
      %dma_start3A_129 = arith.constant 0 : i32
      %dma_start3A_130 = tpu.memref_slice %arg7[%arg0, %mul3A_0, %dma_start3A_129] : memref<2x10000x32xf32, #tpu.memory_space<hbm>> -> memref<1x625x32xf32, #tpu.memory_space<hbm>>
      %dma_start3A_131 = tpu.memref_squeeze %dma_start3A_130 : memref<1x625x32xf32, #tpu.memory_space<hbm>> -> memref<625x32xf32, #tpu.memory_space<hbm>>
      %dma_start3A_132 = arith.constant 0 : i32
      %dma_start3A_133 = tpu.memref_slice %arg13[%mul3A_0, %dma_start3A_132] : memref<10000x32xf32, #tpu.memory_space<vmem_shared>> -> memref<625x32xf32, #tpu.memory_space<vmem_shared>>
      tpu.enqueue_dma source(%dma_start3A_133 : memref<625x32xf32, #tpu.memory_space<vmem_shared>>) target(%dma_start3A_131 : memref<625x32xf32, #tpu.memory_space<hbm>>) target_semaphore(%run_scoped3A : memref<!tpu.dma_semaphore, #tpu.memory_space<semaphore_mem>>)
      %dma_wait3A_134 = arith.constant 0 : i32
      %dma_wait3A_135 = tpu.memref_slice %arg7[%arg0, %mul3A_0, %dma_wait3A_134] : memref<2x10000x32xf32, #tpu.memory_space<hbm>> -> memref<1x625x32xf32, #tpu.memory_space<hbm>>
      %dma_wait3A_136 = tpu.memref_squeeze %dma_wait3A_135 : memref<1x625x32xf32, #tpu.memory_space<hbm>> -> memref<625x32xf32, #tpu.memory_space<hbm>>
      %dma_wait3A_137 = arith.constant 0 : i32
      %dma_wait3A_138 = tpu.memref_slice %arg13[%mul3A_0, %dma_wait3A_137] : memref<10000x32xf32, #tpu.memory_space<vmem_shared>> -> memref<625x32xf32, #tpu.memory_space<vmem_shared>>
      tpu.wait_dma2 semaphore(%run_scoped3A : memref<!tpu.dma_semaphore, #tpu.memory_space<semaphore_mem>>) src(%dma_wait3A_138 : memref<625x32xf32, #tpu.memory_space<vmem_shared>>) dst(%dma_wait3A_136 : memref<625x32xf32, #tpu.memory_space<hbm>>)
      tpu.yield
    }) : () -> ()
    "tpu.region"() ({
      %run_scoped3A = tpu.sem_alloc : memref<!tpu.dma_semaphore, #tpu.memory_space<semaphore_mem>>
      %dma_start3A_129 = arith.constant 0 : i32
      %dma_start3A_130 = tpu.memref_slice %arg8[%arg0, %mul3A_0, %dma_start3A_129] : memref<2x10000x16xf32, #tpu.memory_space<hbm>> -> memref<1x625x16xf32, #tpu.memory_space<hbm>>
      %dma_start3A_131 = tpu.memref_squeeze %dma_start3A_130 : memref<1x625x16xf32, #tpu.memory_space<hbm>> -> memref<625x16xf32, #tpu.memory_space<hbm>>
      %dma_start3A_132 = arith.constant 0 : i32
      %dma_start3A_133 = tpu.memref_slice %arg19[%mul3A_0, %dma_start3A_132] : memref<10000x16xf32, #tpu.memory_space<vmem_shared>> -> memref<625x16xf32, #tpu.memory_space<vmem_shared>>
      tpu.enqueue_dma source(%dma_start3A_133 : memref<625x16xf32, #tpu.memory_space<vmem_shared>>) target(%dma_start3A_131 : memref<625x16xf32, #tpu.memory_space<hbm>>) target_semaphore(%run_scoped3A : memref<!tpu.dma_semaphore, #tpu.memory_space<semaphore_mem>>)
      %dma_wait3A_134 = arith.constant 0 : i32
      %dma_wait3A_135 = tpu.memref_slice %arg8[%arg0, %mul3A_0, %dma_wait3A_134] : memref<2x10000x16xf32, #tpu.memory_space<hbm>> -> memref<1x625x16xf32, #tpu.memory_space<hbm>>
      %dma_wait3A_136 = tpu.memref_squeeze %dma_wait3A_135 : memref<1x625x16xf32, #tpu.memory_space<hbm>> -> memref<625x16xf32, #tpu.memory_space<hbm>>
      %dma_wait3A_137 = arith.constant 0 : i32
      %dma_wait3A_138 = tpu.memref_slice %arg19[%mul3A_0, %dma_wait3A_137] : memref<10000x16xf32, #tpu.memory_space<vmem_shared>> -> memref<625x16xf32, #tpu.memory_space<vmem_shared>>
      tpu.wait_dma2 semaphore(%run_scoped3A : memref<!tpu.dma_semaphore, #tpu.memory_space<semaphore_mem>>) src(%dma_wait3A_138 : memref<625x16xf32, #tpu.memory_space<vmem_shared>>) dst(%dma_wait3A_136 : memref<625x16xf32, #tpu.memory_space<hbm>>)
      tpu.yield
    }) : () -> ()
    return
  }
}

#map = affine_map<(d0, d1) -> (0, 0)>
#map1 = affine_map<(d0, d1) -> (0)>
#map2 = affine_map<(d0, d1) -> (0, 0, 0)>
module attributes {stable_mosaic.version = 14 : i64} {
  func.func @body(%arg0: i32, %arg1: i32, %arg2: memref<160000x32xf32, #tpu.memory_space<hbm>>, %arg3: memref<160000xi32, #tpu.memory_space<hbm>>, %arg4: memref<625x32xf32, #tpu.memory_space<hbm>>, %arg5: memref<625x16xf32, #tpu.memory_space<hbm>>, %arg6: memref<1000x16xf32, #tpu.memory_space<hbm>>, %arg7: memref<2x10000x32xf32, #tpu.memory_space<hbm>>, %arg8: memref<1000xi32, #tpu.memory_space<vmem>>, %arg9: memref<1000xi32, #tpu.memory_space<vmem>>, %arg10: memref<1000x32xf32, #tpu.memory_space<vmem>>, %arg11: memref<1000x32xf32, #tpu.memory_space<vmem>>, %arg12: memref<10000x32xf32, #tpu.memory_space<vmem_shared>>, %arg13: memref<!tpu.dma_semaphore, #tpu.memory_space<semaphore_mem>>, %arg14: memref<!tpu.dma_semaphore, #tpu.memory_space<semaphore_mem>>, %arg15: memref<!tpu.dma_semaphore, #tpu.memory_space<semaphore_mem>>, %arg16: memref<!tpu.dma_semaphore, #tpu.memory_space<semaphore_mem>>) attributes {dimension_semantics = [#tpu.dimension_semantics<core_parallel>, #tpu.dimension_semantics<subcore_parallel>], iteration_bounds = array<i64: 2, 16>, scalar_prefetch = 0 : i64, scratch_operands = 9 : i64, tpu.core_type = #tpu.core_type<sc_vector_subcore>, window_params = [{transform_indices = #map}, {transform_indices = #map1}, {transform_indices = #map}, {transform_indices = #map}, {transform_indices = #map}, {transform_indices = #map2}]} {
    %mul3A = arith.constant 625 : i32
    %mul3A_0 = arith.muli %arg1, %mul3A : i32
    "tpu.region"() ({
      %run_scoped3A = tpu.sem_alloc : memref<!tpu.dma_semaphore, #tpu.memory_space<semaphore_mem>>
      %dma_start3A_129 = arith.constant 0 : i32
      %dma_start3A_130 = tpu.memref_slice %arg12[%mul3A_0, %dma_start3A_129] : memref<10000x32xf32, #tpu.memory_space<vmem_shared>> -> memref<625x32xf32, #tpu.memory_space<vmem_shared>>
      tpu.enqueue_dma source(%arg4 : memref<625x32xf32, #tpu.memory_space<hbm>>) target(%dma_start3A_130 : memref<625x32xf32, #tpu.memory_space<vmem_shared>>) target_semaphore(%run_scoped3A : memref<!tpu.dma_semaphore, #tpu.memory_space<semaphore_mem>>)
      %dma_wait3A_131 = arith.constant 0 : i32
      %dma_wait3A_132 = tpu.memref_slice %arg12[%mul3A_0, %dma_wait3A_131] : memref<10000x32xf32, #tpu.memory_space<vmem_shared>> -> memref<625x32xf32, #tpu.memory_space<vmem_shared>>
      tpu.wait_dma2 semaphore(%run_scoped3A : memref<!tpu.dma_semaphore, #tpu.memory_space<semaphore_mem>>) src(%arg4 : memref<625x32xf32, #tpu.memory_space<hbm>>) dst(%dma_wait3A_132 : memref<625x32xf32, #tpu.memory_space<vmem_shared>>)
      tpu.yield
    }) : () -> ()
    %barrier3A = arith.constant 0 : index
    tpu.barrier barrier_id(%barrier3A)
    %mul3A_1 = arith.constant 80 : i32
    %mul3A_2 = arith.muli %arg0, %mul3A_1 : i32
    %add3A = arith.addi %mul3A_2, %arg1 : i32
    %add3A_3 = arith.constant 0 : i32
    %add3A_4 = arith.addi %add3A, %add3A_3 : i32
    %mul3A_5 = arith.constant 1000 : i32
    %mul3A_6 = arith.muli %add3A_4, %mul3A_5 : i32
    %dma_start3A = tpu.memref_slice %arg3[%mul3A_6] : memref<160000xi32, #tpu.memory_space<hbm>> -> memref<1000xi32, #tpu.memory_space<hbm>>
    %dma_start3A_7 = tpu.memref_slice %arg3[%mul3A_6] : memref<160000xi32, #tpu.memory_space<hbm>> -> memref<1000xi32, #tpu.memory_space<hbm>>
    tpu.enqueue_dma source(%dma_start3A_7 : memref<1000xi32, #tpu.memory_space<hbm>>) target(%arg8 : memref<1000xi32, #tpu.memory_space<vmem>>) target_semaphore(%arg13 : memref<!tpu.dma_semaphore, #tpu.memory_space<semaphore_mem>>)
    %mul3A_8 = arith.constant 80 : i32
    %mul3A_9 = arith.muli %arg0, %mul3A_8 : i32
    %add3A_10 = arith.addi %mul3A_9, %arg1 : i32
    %add3A_11 = arith.constant 0 : i32
    %add3A_12 = arith.addi %add3A_10, %add3A_11 : i32
    %mul3A_13 = arith.constant 1000 : i32
    %mul3A_14 = arith.muli %add3A_12, %mul3A_13 : i32
    %dma_start3A_15 = arith.constant 0 : i32
    %dma_start3A_16 = tpu.memref_slice %arg2[%mul3A_14, %dma_start3A_15] : memref<160000x32xf32, #tpu.memory_space<hbm>> -> memref<1000x32xf32, #tpu.memory_space<hbm>>
    %dma_start3A_17 = arith.constant 0 : i32
    %dma_start3A_18 = tpu.memref_slice %arg2[%mul3A_14, %dma_start3A_17] : memref<160000x32xf32, #tpu.memory_space<hbm>> -> memref<1000x32xf32, #tpu.memory_space<hbm>>
    tpu.enqueue_dma source(%dma_start3A_18 : memref<1000x32xf32, #tpu.memory_space<hbm>>) target(%arg10 : memref<1000x32xf32, #tpu.memory_space<vmem>>) target_semaphore(%arg15 : memref<!tpu.dma_semaphore, #tpu.memory_space<semaphore_mem>>)
    %mul3A_19 = arith.constant 80 : i32
    %mul3A_20 = arith.muli %arg0, %mul3A_19 : i32
    %add3A_21 = arith.addi %mul3A_20, %arg1 : i32
    %add3A_22 = arith.constant 16 : i32
    %add3A_23 = arith.addi %add3A_21, %add3A_22 : i32
    %mul3A_24 = arith.constant 1000 : i32
    %mul3A_25 = arith.muli %add3A_23, %mul3A_24 : i32
    %dma_start3A_26 = tpu.memref_slice %arg3[%mul3A_25] : memref<160000xi32, #tpu.memory_space<hbm>> -> memref<1000xi32, #tpu.memory_space<hbm>>
    %dma_start3A_27 = tpu.memref_slice %arg3[%mul3A_25] : memref<160000xi32, #tpu.memory_space<hbm>> -> memref<1000xi32, #tpu.memory_space<hbm>>
    tpu.enqueue_dma source(%dma_start3A_27 : memref<1000xi32, #tpu.memory_space<hbm>>) target(%arg9 : memref<1000xi32, #tpu.memory_space<vmem>>) target_semaphore(%arg14 : memref<!tpu.dma_semaphore, #tpu.memory_space<semaphore_mem>>)
    %mul3A_28 = arith.constant 80 : i32
    %mul3A_29 = arith.muli %arg0, %mul3A_28 : i32
    %add3A_30 = arith.addi %mul3A_29, %arg1 : i32
    %add3A_31 = arith.constant 16 : i32
    %add3A_32 = arith.addi %add3A_30, %add3A_31 : i32
    %mul3A_33 = arith.constant 1000 : i32
    %mul3A_34 = arith.muli %add3A_32, %mul3A_33 : i32
    %dma_start3A_35 = arith.constant 0 : i32
    %dma_start3A_36 = tpu.memref_slice %arg2[%mul3A_34, %dma_start3A_35] : memref<160000x32xf32, #tpu.memory_space<hbm>> -> memref<1000x32xf32, #tpu.memory_space<hbm>>
    %dma_start3A_37 = arith.constant 0 : i32
    %dma_start3A_38 = tpu.memref_slice %arg2[%mul3A_34, %dma_start3A_37] : memref<160000x32xf32, #tpu.memory_space<hbm>> -> memref<1000x32xf32, #tpu.memory_space<hbm>>
    tpu.enqueue_dma source(%dma_start3A_38 : memref<1000x32xf32, #tpu.memory_space<hbm>>) target(%arg11 : memref<1000x32xf32, #tpu.memory_space<vmem>>) target_semaphore(%arg16 : memref<!tpu.dma_semaphore, #tpu.memory_space<semaphore_mem>>)
    %dma_wait3A = tpu.memref_slice %arg3[%mul3A_6] : memref<160000xi32, #tpu.memory_space<hbm>> -> memref<1000xi32, #tpu.memory_space<hbm>>
    %dma_wait3A_39 = tpu.memref_slice %arg3[%mul3A_6] : memref<160000xi32, #tpu.memory_space<hbm>> -> memref<1000xi32, #tpu.memory_space<hbm>>
    tpu.wait_dma2 semaphore(%arg13 : memref<!tpu.dma_semaphore, #tpu.memory_space<semaphore_mem>>) src(%dma_wait3A_39 : memref<1000xi32, #tpu.memory_space<hbm>>) dst(%arg8 : memref<1000xi32, #tpu.memory_space<vmem>>)
    %dma_wait3A_40 = arith.constant 0 : i32
    %dma_wait3A_41 = tpu.memref_slice %arg2[%mul3A_14, %dma_wait3A_40] : memref<160000x32xf32, #tpu.memory_space<hbm>> -> memref<1000x32xf32, #tpu.memory_space<hbm>>
    %dma_wait3A_42 = arith.constant 0 : i32
    %dma_wait3A_43 = tpu.memref_slice %arg2[%mul3A_14, %dma_wait3A_42] : memref<160000x32xf32, #tpu.memory_space<hbm>> -> memref<1000x32xf32, #tpu.memory_space<hbm>>
    tpu.wait_dma2 semaphore(%arg15 : memref<!tpu.dma_semaphore, #tpu.memory_space<semaphore_mem>>) src(%dma_wait3A_43 : memref<1000x32xf32, #tpu.memory_space<hbm>>) dst(%arg10 : memref<1000x32xf32, #tpu.memory_space<vmem>>)
    "tpu.region"() ({
      %run_scoped3A = tpu.sem_alloc : memref<!tpu.dma_semaphore, #tpu.memory_space<semaphore_mem>>
      %dma_start3A_129 = arith.constant 0 : i32
      %dma_start3A_130 = arith.constant 0 : i32
      %dma_start3A_131 = tpu.memref_slice %arg12[%dma_start3A_129, %dma_start3A_130] : memref<10000x32xf32, #tpu.memory_space<vmem_shared>> -> memref<10000x32xf32, #tpu.memory_space<vmem_shared>>
      tpu.enqueue_indirect_dma source(%arg10 : memref<1000x32xf32, #tpu.memory_space<vmem>>) target(%dma_start3A_131 : memref<10000x32xf32, #tpu.memory_space<vmem_shared>>) offsets(%arg8 : memref<1000xi32, #tpu.memory_space<vmem>>) semaphore(%run_scoped3A : memref<!tpu.dma_semaphore, #tpu.memory_space<semaphore_mem>>) {add = true}
      %dma_wait3A_132 = arith.constant 0 : i32
      %dma_wait3A_133 = arith.constant 0 : i32
      %dma_wait3A_134 = tpu.memref_slice %arg12[%dma_wait3A_132, %dma_wait3A_133] : memref<10000x32xf32, #tpu.memory_space<vmem_shared>> -> memref<10000x32xf32, #tpu.memory_space<vmem_shared>>
      tpu.wait_indirect_dma semaphore(%run_scoped3A : memref<!tpu.dma_semaphore, #tpu.memory_space<semaphore_mem>>) src(%arg10 : memref<1000x32xf32, #tpu.memory_space<vmem>>) dst(%dma_wait3A_134 : memref<10000x32xf32, #tpu.memory_space<vmem_shared>>)
      tpu.yield
    }) : () -> ()
    %mul3A_44 = arith.constant 80 : i32
    %mul3A_45 = arith.muli %arg0, %mul3A_44 : i32
    %add3A_46 = arith.addi %mul3A_45, %arg1 : i32
    %add3A_47 = arith.constant 32 : i32
    %add3A_48 = arith.addi %add3A_46, %add3A_47 : i32
    %mul3A_49 = arith.constant 1000 : i32
    %mul3A_50 = arith.muli %add3A_48, %mul3A_49 : i32
    %dma_start3A_51 = tpu.memref_slice %arg3[%mul3A_50] : memref<160000xi32, #tpu.memory_space<hbm>> -> memref<1000xi32, #tpu.memory_space<hbm>>
    %dma_start3A_52 = tpu.memref_slice %arg3[%mul3A_50] : memref<160000xi32, #tpu.memory_space<hbm>> -> memref<1000xi32, #tpu.memory_space<hbm>>
    tpu.enqueue_dma source(%dma_start3A_52 : memref<1000xi32, #tpu.memory_space<hbm>>) target(%arg8 : memref<1000xi32, #tpu.memory_space<vmem>>) target_semaphore(%arg13 : memref<!tpu.dma_semaphore, #tpu.memory_space<semaphore_mem>>)
    %mul3A_53 = arith.constant 80 : i32
    %mul3A_54 = arith.muli %arg0, %mul3A_53 : i32
    %add3A_55 = arith.addi %mul3A_54, %arg1 : i32
    %add3A_56 = arith.constant 32 : i32
    %add3A_57 = arith.addi %add3A_55, %add3A_56 : i32
    %mul3A_58 = arith.constant 1000 : i32
    %mul3A_59 = arith.muli %add3A_57, %mul3A_58 : i32
    %dma_start3A_60 = arith.constant 0 : i32
    %dma_start3A_61 = tpu.memref_slice %arg2[%mul3A_59, %dma_start3A_60] : memref<160000x32xf32, #tpu.memory_space<hbm>> -> memref<1000x32xf32, #tpu.memory_space<hbm>>
    %dma_start3A_62 = arith.constant 0 : i32
    %dma_start3A_63 = tpu.memref_slice %arg2[%mul3A_59, %dma_start3A_62] : memref<160000x32xf32, #tpu.memory_space<hbm>> -> memref<1000x32xf32, #tpu.memory_space<hbm>>
    tpu.enqueue_dma source(%dma_start3A_63 : memref<1000x32xf32, #tpu.memory_space<hbm>>) target(%arg10 : memref<1000x32xf32, #tpu.memory_space<vmem>>) target_semaphore(%arg15 : memref<!tpu.dma_semaphore, #tpu.memory_space<semaphore_mem>>)
    %dma_wait3A_64 = tpu.memref_slice %arg3[%mul3A_25] : memref<160000xi32, #tpu.memory_space<hbm>> -> memref<1000xi32, #tpu.memory_space<hbm>>
    %dma_wait3A_65 = tpu.memref_slice %arg3[%mul3A_25] : memref<160000xi32, #tpu.memory_space<hbm>> -> memref<1000xi32, #tpu.memory_space<hbm>>
    tpu.wait_dma2 semaphore(%arg14 : memref<!tpu.dma_semaphore, #tpu.memory_space<semaphore_mem>>) src(%dma_wait3A_65 : memref<1000xi32, #tpu.memory_space<hbm>>) dst(%arg9 : memref<1000xi32, #tpu.memory_space<vmem>>)
    %dma_wait3A_66 = arith.constant 0 : i32
    %dma_wait3A_67 = tpu.memref_slice %arg2[%mul3A_34, %dma_wait3A_66] : memref<160000x32xf32, #tpu.memory_space<hbm>> -> memref<1000x32xf32, #tpu.memory_space<hbm>>
    %dma_wait3A_68 = arith.constant 0 : i32
    %dma_wait3A_69 = tpu.memref_slice %arg2[%mul3A_34, %dma_wait3A_68] : memref<160000x32xf32, #tpu.memory_space<hbm>> -> memref<1000x32xf32, #tpu.memory_space<hbm>>
    tpu.wait_dma2 semaphore(%arg16 : memref<!tpu.dma_semaphore, #tpu.memory_space<semaphore_mem>>) src(%dma_wait3A_69 : memref<1000x32xf32, #tpu.memory_space<hbm>>) dst(%arg11 : memref<1000x32xf32, #tpu.memory_space<vmem>>)
    "tpu.region"() ({
      %run_scoped3A = tpu.sem_alloc : memref<!tpu.dma_semaphore, #tpu.memory_space<semaphore_mem>>
      %dma_start3A_129 = arith.constant 0 : i32
      %dma_start3A_130 = arith.constant 0 : i32
      %dma_start3A_131 = tpu.memref_slice %arg12[%dma_start3A_129, %dma_start3A_130] : memref<10000x32xf32, #tpu.memory_space<vmem_shared>> -> memref<10000x32xf32, #tpu.memory_space<vmem_shared>>
      tpu.enqueue_indirect_dma source(%arg11 : memref<1000x32xf32, #tpu.memory_space<vmem>>) target(%dma_start3A_131 : memref<10000x32xf32, #tpu.memory_space<vmem_shared>>) offsets(%arg9 : memref<1000xi32, #tpu.memory_space<vmem>>) semaphore(%run_scoped3A : memref<!tpu.dma_semaphore, #tpu.memory_space<semaphore_mem>>) {add = true}
      %dma_wait3A_132 = arith.constant 0 : i32
      %dma_wait3A_133 = arith.constant 0 : i32
      %dma_wait3A_134 = tpu.memref_slice %arg12[%dma_wait3A_132, %dma_wait3A_133] : memref<10000x32xf32, #tpu.memory_space<vmem_shared>> -> memref<10000x32xf32, #tpu.memory_space<vmem_shared>>
      tpu.wait_indirect_dma semaphore(%run_scoped3A : memref<!tpu.dma_semaphore, #tpu.memory_space<semaphore_mem>>) src(%arg11 : memref<1000x32xf32, #tpu.memory_space<vmem>>) dst(%dma_wait3A_134 : memref<10000x32xf32, #tpu.memory_space<vmem_shared>>)
      tpu.yield
    }) : () -> ()
    %mul3A_70 = arith.constant 80 : i32
    %mul3A_71 = arith.muli %arg0, %mul3A_70 : i32
    %add3A_72 = arith.addi %mul3A_71, %arg1 : i32
    %add3A_73 = arith.constant 48 : i32
    %add3A_74 = arith.addi %add3A_72, %add3A_73 : i32
    %mul3A_75 = arith.constant 1000 : i32
    %mul3A_76 = arith.muli %add3A_74, %mul3A_75 : i32
    %dma_start3A_77 = tpu.memref_slice %arg3[%mul3A_76] : memref<160000xi32, #tpu.memory_space<hbm>> -> memref<1000xi32, #tpu.memory_space<hbm>>
    %dma_start3A_78 = tpu.memref_slice %arg3[%mul3A_76] : memref<160000xi32, #tpu.memory_space<hbm>> -> memref<1000xi32, #tpu.memory_space<hbm>>
    tpu.enqueue_dma source(%dma_start3A_78 : memref<1000xi32, #tpu.memory_space<hbm>>) target(%arg9 : memref<1000xi32, #tpu.memory_space<vmem>>) target_semaphore(%arg14 : memref<!tpu.dma_semaphore, #tpu.memory_space<semaphore_mem>>)
    %mul3A_79 = arith.constant 80 : i32
    %mul3A_80 = arith.muli %arg0, %mul3A_79 : i32
    %add3A_81 = arith.addi %mul3A_80, %arg1 : i32
    %add3A_82 = arith.constant 48 : i32
    %add3A_83 = arith.addi %add3A_81, %add3A_82 : i32
    %mul3A_84 = arith.constant 1000 : i32
    %mul3A_85 = arith.muli %add3A_83, %mul3A_84 : i32
    %dma_start3A_86 = arith.constant 0 : i32
    %dma_start3A_87 = tpu.memref_slice %arg2[%mul3A_85, %dma_start3A_86] : memref<160000x32xf32, #tpu.memory_space<hbm>> -> memref<1000x32xf32, #tpu.memory_space<hbm>>
    %dma_start3A_88 = arith.constant 0 : i32
    %dma_start3A_89 = tpu.memref_slice %arg2[%mul3A_85, %dma_start3A_88] : memref<160000x32xf32, #tpu.memory_space<hbm>> -> memref<1000x32xf32, #tpu.memory_space<hbm>>
    tpu.enqueue_dma source(%dma_start3A_89 : memref<1000x32xf32, #tpu.memory_space<hbm>>) target(%arg11 : memref<1000x32xf32, #tpu.memory_space<vmem>>) target_semaphore(%arg16 : memref<!tpu.dma_semaphore, #tpu.memory_space<semaphore_mem>>)
    %dma_wait3A_90 = tpu.memref_slice %arg3[%mul3A_50] : memref<160000xi32, #tpu.memory_space<hbm>> -> memref<1000xi32, #tpu.memory_space<hbm>>
    %dma_wait3A_91 = tpu.memref_slice %arg3[%mul3A_50] : memref<160000xi32, #tpu.memory_space<hbm>> -> memref<1000xi32, #tpu.memory_space<hbm>>
    tpu.wait_dma2 semaphore(%arg13 : memref<!tpu.dma_semaphore, #tpu.memory_space<semaphore_mem>>) src(%dma_wait3A_91 : memref<1000xi32, #tpu.memory_space<hbm>>) dst(%arg8 : memref<1000xi32, #tpu.memory_space<vmem>>)
    %dma_wait3A_92 = arith.constant 0 : i32
    %dma_wait3A_93 = tpu.memref_slice %arg2[%mul3A_59, %dma_wait3A_92] : memref<160000x32xf32, #tpu.memory_space<hbm>> -> memref<1000x32xf32, #tpu.memory_space<hbm>>
    %dma_wait3A_94 = arith.constant 0 : i32
    %dma_wait3A_95 = tpu.memref_slice %arg2[%mul3A_59, %dma_wait3A_94] : memref<160000x32xf32, #tpu.memory_space<hbm>> -> memref<1000x32xf32, #tpu.memory_space<hbm>>
    tpu.wait_dma2 semaphore(%arg15 : memref<!tpu.dma_semaphore, #tpu.memory_space<semaphore_mem>>) src(%dma_wait3A_95 : memref<1000x32xf32, #tpu.memory_space<hbm>>) dst(%arg10 : memref<1000x32xf32, #tpu.memory_space<vmem>>)
    "tpu.region"() ({
      %run_scoped3A = tpu.sem_alloc : memref<!tpu.dma_semaphore, #tpu.memory_space<semaphore_mem>>
      %dma_start3A_129 = arith.constant 0 : i32
      %dma_start3A_130 = arith.constant 0 : i32
      %dma_start3A_131 = tpu.memref_slice %arg12[%dma_start3A_129, %dma_start3A_130] : memref<10000x32xf32, #tpu.memory_space<vmem_shared>> -> memref<10000x32xf32, #tpu.memory_space<vmem_shared>>
      tpu.enqueue_indirect_dma source(%arg10 : memref<1000x32xf32, #tpu.memory_space<vmem>>) target(%dma_start3A_131 : memref<10000x32xf32, #tpu.memory_space<vmem_shared>>) offsets(%arg8 : memref<1000xi32, #tpu.memory_space<vmem>>) semaphore(%run_scoped3A : memref<!tpu.dma_semaphore, #tpu.memory_space<semaphore_mem>>) {add = true}
      %dma_wait3A_132 = arith.constant 0 : i32
      %dma_wait3A_133 = arith.constant 0 : i32
      %dma_wait3A_134 = tpu.memref_slice %arg12[%dma_wait3A_132, %dma_wait3A_133] : memref<10000x32xf32, #tpu.memory_space<vmem_shared>> -> memref<10000x32xf32, #tpu.memory_space<vmem_shared>>
      tpu.wait_indirect_dma semaphore(%run_scoped3A : memref<!tpu.dma_semaphore, #tpu.memory_space<semaphore_mem>>) src(%arg10 : memref<1000x32xf32, #tpu.memory_space<vmem>>) dst(%dma_wait3A_134 : memref<10000x32xf32, #tpu.memory_space<vmem_shared>>)
      tpu.yield
    }) : () -> ()
    %mul3A_96 = arith.constant 80 : i32
    %mul3A_97 = arith.muli %arg0, %mul3A_96 : i32
    %add3A_98 = arith.addi %mul3A_97, %arg1 : i32
    %add3A_99 = arith.constant 64 : i32
    %add3A_100 = arith.addi %add3A_98, %add3A_99 : i32
    %mul3A_101 = arith.constant 1000 : i32
    %mul3A_102 = arith.muli %add3A_100, %mul3A_101 : i32
    %dma_start3A_103 = tpu.memref_slice %arg3[%mul3A_102] : memref<160000xi32, #tpu.memory_space<hbm>> -> memref<1000xi32, #tpu.memory_space<hbm>>
    %dma_start3A_104 = tpu.memref_slice %arg3[%mul3A_102] : memref<160000xi32, #tpu.memory_space<hbm>> -> memref<1000xi32, #tpu.memory_space<hbm>>
    tpu.enqueue_dma source(%dma_start3A_104 : memref<1000xi32, #tpu.memory_space<hbm>>) target(%arg8 : memref<1000xi32, #tpu.memory_space<vmem>>) target_semaphore(%arg13 : memref<!tpu.dma_semaphore, #tpu.memory_space<semaphore_mem>>)
    %mul3A_105 = arith.constant 80 : i32
    %mul3A_106 = arith.muli %arg0, %mul3A_105 : i32
    %add3A_107 = arith.addi %mul3A_106, %arg1 : i32
    %add3A_108 = arith.constant 64 : i32
    %add3A_109 = arith.addi %add3A_107, %add3A_108 : i32
    %mul3A_110 = arith.constant 1000 : i32
    %mul3A_111 = arith.muli %add3A_109, %mul3A_110 : i32
    %dma_start3A_112 = arith.constant 0 : i32
    %dma_start3A_113 = tpu.memref_slice %arg2[%mul3A_111, %dma_start3A_112] : memref<160000x32xf32, #tpu.memory_space<hbm>> -> memref<1000x32xf32, #tpu.memory_space<hbm>>
    %dma_start3A_114 = arith.constant 0 : i32
    %dma_start3A_115 = tpu.memref_slice %arg2[%mul3A_111, %dma_start3A_114] : memref<160000x32xf32, #tpu.memory_space<hbm>> -> memref<1000x32xf32, #tpu.memory_space<hbm>>
    tpu.enqueue_dma source(%dma_start3A_115 : memref<1000x32xf32, #tpu.memory_space<hbm>>) target(%arg10 : memref<1000x32xf32, #tpu.memory_space<vmem>>) target_semaphore(%arg15 : memref<!tpu.dma_semaphore, #tpu.memory_space<semaphore_mem>>)
    %dma_wait3A_116 = tpu.memref_slice %arg3[%mul3A_76] : memref<160000xi32, #tpu.memory_space<hbm>> -> memref<1000xi32, #tpu.memory_space<hbm>>
    %dma_wait3A_117 = tpu.memref_slice %arg3[%mul3A_76] : memref<160000xi32, #tpu.memory_space<hbm>> -> memref<1000xi32, #tpu.memory_space<hbm>>
    tpu.wait_dma2 semaphore(%arg14 : memref<!tpu.dma_semaphore, #tpu.memory_space<semaphore_mem>>) src(%dma_wait3A_117 : memref<1000xi32, #tpu.memory_space<hbm>>) dst(%arg9 : memref<1000xi32, #tpu.memory_space<vmem>>)
    %dma_wait3A_118 = arith.constant 0 : i32
    %dma_wait3A_119 = tpu.memref_slice %arg2[%mul3A_85, %dma_wait3A_118] : memref<160000x32xf32, #tpu.memory_space<hbm>> -> memref<1000x32xf32, #tpu.memory_space<hbm>>
    %dma_wait3A_120 = arith.constant 0 : i32
    %dma_wait3A_121 = tpu.memref_slice %arg2[%mul3A_85, %dma_wait3A_120] : memref<160000x32xf32, #tpu.memory_space<hbm>> -> memref<1000x32xf32, #tpu.memory_space<hbm>>
    tpu.wait_dma2 semaphore(%arg16 : memref<!tpu.dma_semaphore, #tpu.memory_space<semaphore_mem>>) src(%dma_wait3A_121 : memref<1000x32xf32, #tpu.memory_space<hbm>>) dst(%arg11 : memref<1000x32xf32, #tpu.memory_space<vmem>>)
    "tpu.region"() ({
      %run_scoped3A = tpu.sem_alloc : memref<!tpu.dma_semaphore, #tpu.memory_space<semaphore_mem>>
      %dma_start3A_129 = arith.constant 0 : i32
      %dma_start3A_130 = arith.constant 0 : i32
      %dma_start3A_131 = tpu.memref_slice %arg12[%dma_start3A_129, %dma_start3A_130] : memref<10000x32xf32, #tpu.memory_space<vmem_shared>> -> memref<10000x32xf32, #tpu.memory_space<vmem_shared>>
      tpu.enqueue_indirect_dma source(%arg11 : memref<1000x32xf32, #tpu.memory_space<vmem>>) target(%dma_start3A_131 : memref<10000x32xf32, #tpu.memory_space<vmem_shared>>) offsets(%arg9 : memref<1000xi32, #tpu.memory_space<vmem>>) semaphore(%run_scoped3A : memref<!tpu.dma_semaphore, #tpu.memory_space<semaphore_mem>>) {add = true}
      %dma_wait3A_132 = arith.constant 0 : i32
      %dma_wait3A_133 = arith.constant 0 : i32
      %dma_wait3A_134 = tpu.memref_slice %arg12[%dma_wait3A_132, %dma_wait3A_133] : memref<10000x32xf32, #tpu.memory_space<vmem_shared>> -> memref<10000x32xf32, #tpu.memory_space<vmem_shared>>
      tpu.wait_indirect_dma semaphore(%run_scoped3A : memref<!tpu.dma_semaphore, #tpu.memory_space<semaphore_mem>>) src(%arg11 : memref<1000x32xf32, #tpu.memory_space<vmem>>) dst(%dma_wait3A_134 : memref<10000x32xf32, #tpu.memory_space<vmem_shared>>)
      tpu.yield
    }) : () -> ()
    %dma_wait3A_122 = tpu.memref_slice %arg3[%mul3A_102] : memref<160000xi32, #tpu.memory_space<hbm>> -> memref<1000xi32, #tpu.memory_space<hbm>>
    %dma_wait3A_123 = tpu.memref_slice %arg3[%mul3A_102] : memref<160000xi32, #tpu.memory_space<hbm>> -> memref<1000xi32, #tpu.memory_space<hbm>>
    tpu.wait_dma2 semaphore(%arg13 : memref<!tpu.dma_semaphore, #tpu.memory_space<semaphore_mem>>) src(%dma_wait3A_123 : memref<1000xi32, #tpu.memory_space<hbm>>) dst(%arg8 : memref<1000xi32, #tpu.memory_space<vmem>>)
    %dma_wait3A_124 = arith.constant 0 : i32
    %dma_wait3A_125 = tpu.memref_slice %arg2[%mul3A_111, %dma_wait3A_124] : memref<160000x32xf32, #tpu.memory_space<hbm>> -> memref<1000x32xf32, #tpu.memory_space<hbm>>
    %dma_wait3A_126 = arith.constant 0 : i32
    %dma_wait3A_127 = tpu.memref_slice %arg2[%mul3A_111, %dma_wait3A_126] : memref<160000x32xf32, #tpu.memory_space<hbm>> -> memref<1000x32xf32, #tpu.memory_space<hbm>>
    tpu.wait_dma2 semaphore(%arg15 : memref<!tpu.dma_semaphore, #tpu.memory_space<semaphore_mem>>) src(%dma_wait3A_127 : memref<1000x32xf32, #tpu.memory_space<hbm>>) dst(%arg10 : memref<1000x32xf32, #tpu.memory_space<vmem>>)
    "tpu.region"() ({
      %run_scoped3A = tpu.sem_alloc : memref<!tpu.dma_semaphore, #tpu.memory_space<semaphore_mem>>
      %dma_start3A_129 = arith.constant 0 : i32
      %dma_start3A_130 = arith.constant 0 : i32
      %dma_start3A_131 = tpu.memref_slice %arg12[%dma_start3A_129, %dma_start3A_130] : memref<10000x32xf32, #tpu.memory_space<vmem_shared>> -> memref<10000x32xf32, #tpu.memory_space<vmem_shared>>
      tpu.enqueue_indirect_dma source(%arg10 : memref<1000x32xf32, #tpu.memory_space<vmem>>) target(%dma_start3A_131 : memref<10000x32xf32, #tpu.memory_space<vmem_shared>>) offsets(%arg8 : memref<1000xi32, #tpu.memory_space<vmem>>) semaphore(%run_scoped3A : memref<!tpu.dma_semaphore, #tpu.memory_space<semaphore_mem>>) {add = true}
      %dma_wait3A_132 = arith.constant 0 : i32
      %dma_wait3A_133 = arith.constant 0 : i32
      %dma_wait3A_134 = tpu.memref_slice %arg12[%dma_wait3A_132, %dma_wait3A_133] : memref<10000x32xf32, #tpu.memory_space<vmem_shared>> -> memref<10000x32xf32, #tpu.memory_space<vmem_shared>>
      tpu.wait_indirect_dma semaphore(%run_scoped3A : memref<!tpu.dma_semaphore, #tpu.memory_space<semaphore_mem>>) src(%arg10 : memref<1000x32xf32, #tpu.memory_space<vmem>>) dst(%dma_wait3A_134 : memref<10000x32xf32, #tpu.memory_space<vmem_shared>>)
      tpu.yield
    }) : () -> ()
    %barrier3A_128 = arith.constant 0 : index
    tpu.barrier barrier_id(%barrier3A_128)
    "tpu.region"() ({
      %run_scoped3A = tpu.sem_alloc : memref<!tpu.dma_semaphore, #tpu.memory_space<semaphore_mem>>
      %dma_start3A_129 = arith.constant 0 : i32
      %dma_start3A_130 = tpu.memref_slice %arg7[%arg0, %mul3A_0, %dma_start3A_129] : memref<2x10000x32xf32, #tpu.memory_space<hbm>> -> memref<1x625x32xf32, #tpu.memory_space<hbm>>
      %dma_start3A_131 = tpu.memref_squeeze %dma_start3A_130 : memref<1x625x32xf32, #tpu.memory_space<hbm>> -> memref<625x32xf32, #tpu.memory_space<hbm>>
      %dma_start3A_132 = arith.constant 0 : i32
      %dma_start3A_133 = tpu.memref_slice %arg12[%mul3A_0, %dma_start3A_132] : memref<10000x32xf32, #tpu.memory_space<vmem_shared>> -> memref<625x32xf32, #tpu.memory_space<vmem_shared>>
      tpu.enqueue_dma source(%dma_start3A_133 : memref<625x32xf32, #tpu.memory_space<vmem_shared>>) target(%dma_start3A_131 : memref<625x32xf32, #tpu.memory_space<hbm>>) target_semaphore(%run_scoped3A : memref<!tpu.dma_semaphore, #tpu.memory_space<semaphore_mem>>)
      %dma_wait3A_134 = arith.constant 0 : i32
      %dma_wait3A_135 = tpu.memref_slice %arg7[%arg0, %mul3A_0, %dma_wait3A_134] : memref<2x10000x32xf32, #tpu.memory_space<hbm>> -> memref<1x625x32xf32, #tpu.memory_space<hbm>>
      %dma_wait3A_136 = tpu.memref_squeeze %dma_wait3A_135 : memref<1x625x32xf32, #tpu.memory_space<hbm>> -> memref<625x32xf32, #tpu.memory_space<hbm>>
      %dma_wait3A_137 = arith.constant 0 : i32
      %dma_wait3A_138 = tpu.memref_slice %arg12[%mul3A_0, %dma_wait3A_137] : memref<10000x32xf32, #tpu.memory_space<vmem_shared>> -> memref<625x32xf32, #tpu.memory_space<vmem_shared>>
      tpu.wait_dma2 semaphore(%run_scoped3A : memref<!tpu.dma_semaphore, #tpu.memory_space<semaphore_mem>>) src(%dma_wait3A_138 : memref<625x32xf32, #tpu.memory_space<vmem_shared>>) dst(%dma_wait3A_136 : memref<625x32xf32, #tpu.memory_space<hbm>>)
      tpu.yield
    }) : () -> ()
    return
  }
}

module attributes {stable_mosaic.version = 14 : i64} {
  func.func @_node_proj_body(%arg0: i32, %arg1: memref<2000x128xf32, #tpu.memory_space<vmem>>, %arg2: memref<128x32xf32, #tpu.memory_space<vmem>>, %arg3: memref<1x32xf32, #tpu.memory_space<vmem>>, %arg4: memref<2000x32xf32, #tpu.memory_space<vmem>>) attributes {dimension_semantics = [#tpu.dimension_semantics<arbitrary>], iteration_bounds = array<i64: 5>, scalar_prefetch = 0 : i64, scratch_operands = 0 : i64, tpu.core_type = #tpu.core_type<tc>, window_params = [{transform_indices = @transform_0, window_bounds = array<i64: 2000, 128>}, {pipeline_mode = #tpu.pipeline_mode<synchronous>, transform_indices = @transform_1, window_bounds = array<i64: 128, 32>}, {pipeline_mode = #tpu.pipeline_mode<synchronous>, transform_indices = @transform_2, window_bounds = array<i64: 1, 32>}, {transform_indices = @transform_3, window_bounds = array<i64: 2000, 32>}]} {
    %get3A = arith.constant 0 : index
    %get3A_0 = arith.constant 0 : index
    %get3A_1 = vector.load %arg1[%get3A, %get3A_0] : memref<2000x128xf32, #tpu.memory_space<vmem>>, vector<2000x128xf32>
    %get3A_2 = arith.constant 0 : index
    %get3A_3 = arith.constant 0 : index
    %get3A_4 = vector.load %arg2[%get3A_2, %get3A_3] : memref<128x32xf32, #tpu.memory_space<vmem>>, vector<128x32xf32>
    %dot_general3A = arith.constant dense<0.000000e+00> : vector<2000x32xf32>
    %dot_general3A_5 = tpu.matmul %get3A_1, %get3A_4, %dot_general3A {dimension_numbers = #tpu.dot_dimension_numbers<[1], [0], [0], [1], [0, 0, 1, 1], [], []>, transpose_lhs_hint = false} : vector<2000x128xf32>, vector<128x32xf32>, vector<2000x32xf32> -> vector<2000x32xf32>
    %get3A_6 = arith.constant 0 : index
    %get3A_7 = arith.constant 0 : index
    %get3A_8 = vector.load %arg3[%get3A_6, %get3A_7] : memref<1x32xf32, #tpu.memory_space<vmem>>, vector<1x32xf32>
    %add3A = vector.broadcast %get3A_8 : vector<1x32xf32> to vector<2000x32xf32>
    %add3A_9 = arith.addf %dot_general3A_5, %add3A : vector<2000x32xf32>
    %max3A = arith.constant 0.000000e+00 : f32
    %max3A_10 = vector.broadcast %max3A : f32 to vector<2000x32xf32>
    %max3A_11 = arith.maximumf %add3A_9, %max3A_10 : vector<2000x32xf32>
    %swap3A = arith.constant 0 : index
    %swap3A_12 = arith.constant 0 : index
    %swap3A_13 = vector.load %arg4[%swap3A, %swap3A_12] : memref<2000x32xf32, #tpu.memory_space<vmem>>, vector<2000x32xf32>
    tpu.vector_store %arg4[%swap3A, %swap3A_12], %max3A_11 {strides = array<i32>} : memref<2000x32xf32, #tpu.memory_space<vmem>>, vector<2000x32xf32>,
    return
  }
  func.func @transform_0(%arg0: i32) -> (i32, i32) {
    %c0_i32 = arith.constant 0 : i32
    %c0_i32_0 = arith.constant 0 : i32
    return %arg0, %c0_i32 : i32, i32
  }
  func.func @transform_1(%arg0: i32) -> (i32, i32) {
    %c0_i32 = arith.constant 0 : i32
    %c0_i32_0 = arith.constant 0 : i32
    %c0_i32_1 = arith.constant 0 : i32
    return %c0_i32, %c0_i32_0 : i32, i32
  }
  func.func @transform_2(%arg0: i32) -> (i32, i32) {
    %c0_i32 = arith.constant 0 : i32
    %c0_i32_0 = arith.constant 0 : i32
    %c0_i32_1 = arith.constant 0 : i32
    return %c0_i32, %c0_i32_0 : i32, i32
  }
  func.func @transform_3(%arg0: i32) -> (i32, i32) {
    %c0_i32 = arith.constant 0 : i32
    %c0_i32_0 = arith.constant 0 : i32
    return %arg0, %c0_i32 : i32, i32
  }
}

module attributes {stable_mosaic.version = 14 : i64} {
  func.func @_msg_body(%arg0: i32, %arg1: memref<2000x128xf32, #tpu.memory_space<vmem>>, %arg2: memref<2000x64xf32, #tpu.memory_space<vmem>>, %arg3: memref<64x128xf32, #tpu.memory_space<vmem>>, %arg4: memref<1x128xf32, #tpu.memory_space<vmem>>, %arg5: memref<128x32xf32, #tpu.memory_space<vmem>>, %arg6: memref<1x32xf32, #tpu.memory_space<vmem>>, %arg7: memref<128x1024xf32, #tpu.memory_space<vmem>>, %arg8: memref<128x128xf32, #tpu.memory_space<vmem>>, %arg9: memref<32x1024xf32, #tpu.memory_space<vmem>>, %arg10: memref<1024x128xf32, #tpu.memory_space<vmem>>, %arg11: memref<2000x128xf32, #tpu.memory_space<vmem>>) attributes {dimension_semantics = [#tpu.dimension_semantics<arbitrary>], iteration_bounds = array<i64: 20>, scalar_prefetch = 0 : i64, scratch_operands = 0 : i64, tpu.core_type = #tpu.core_type<tc>, window_params = [{transform_indices = @transform_0, window_bounds = array<i64: 2000, 128>}, {transform_indices = @transform_1, window_bounds = array<i64: 2000, 64>}, {pipeline_mode = #tpu.pipeline_mode<synchronous>, transform_indices = @transform_2, window_bounds = array<i64: 64, 128>}, {pipeline_mode = #tpu.pipeline_mode<synchronous>, transform_indices = @transform_3, window_bounds = array<i64: 1, 128>}, {pipeline_mode = #tpu.pipeline_mode<synchronous>, transform_indices = @transform_4, window_bounds = array<i64: 128, 32>}, {pipeline_mode = #tpu.pipeline_mode<synchronous>, transform_indices = @transform_5, window_bounds = array<i64: 1, 32>}, {pipeline_mode = #tpu.pipeline_mode<synchronous>, transform_indices = @transform_6, window_bounds = array<i64: 128, 1024>}, {pipeline_mode = #tpu.pipeline_mode<synchronous>, transform_indices = @transform_7, window_bounds = array<i64: 128, 128>}, {pipeline_mode = #tpu.pipeline_mode<synchronous>, transform_indices = @transform_8, window_bounds = array<i64: 32, 1024>}, {pipeline_mode = #tpu.pipeline_mode<synchronous>, transform_indices = @transform_9, window_bounds = array<i64: 1024, 128>}, {transform_indices = @transform_10, window_bounds = array<i64: 2000, 128>}]} {
    %get3A = arith.constant 0 : index
    %get3A_0 = arith.constant 0 : index
    %get3A_1 = vector.load %arg2[%get3A, %get3A_0] : memref<2000x64xf32, #tpu.memory_space<vmem>>, vector<2000x64xf32>
    %get3A_2 = arith.constant 0 : index
    %get3A_3 = arith.constant 0 : index
    %get3A_4 = vector.load %arg3[%get3A_2, %get3A_3] : memref<64x128xf32, #tpu.memory_space<vmem>>, vector<64x128xf32>
    %dot_general3A = arith.constant dense<0.000000e+00> : vector<2000x128xf32>
    %dot_general3A_5 = tpu.matmul %get3A_1, %get3A_4, %dot_general3A {dimension_numbers = #tpu.dot_dimension_numbers<[1], [0], [0], [1], [0, 0, 1, 1], [], []>, transpose_lhs_hint = false} : vector<2000x64xf32>, vector<64x128xf32>, vector<2000x128xf32> -> vector<2000x128xf32>
    %get3A_6 = arith.constant 0 : index
    %get3A_7 = arith.constant 0 : index
    %get3A_8 = vector.load %arg4[%get3A_6, %get3A_7] : memref<1x128xf32, #tpu.memory_space<vmem>>, vector<1x128xf32>
    %add3A = vector.broadcast %get3A_8 : vector<1x128xf32> to vector<2000x128xf32>
    %add3A_9 = arith.addf %dot_general3A_5, %add3A : vector<2000x128xf32>
    %max3A = arith.constant 0.000000e+00 : f32
    %max3A_10 = vector.broadcast %max3A : f32 to vector<2000x128xf32>
    %max3A_11 = arith.maximumf %add3A_9, %max3A_10 : vector<2000x128xf32>
    %get3A_12 = arith.constant 0 : index
    %get3A_13 = arith.constant 0 : index
    %get3A_14 = vector.load %arg5[%get3A_12, %get3A_13] : memref<128x32xf32, #tpu.memory_space<vmem>>, vector<128x32xf32>
    %dot_general3A_15 = arith.constant dense<0.000000e+00> : vector<2000x32xf32>
    %dot_general3A_16 = tpu.matmul %max3A_11, %get3A_14, %dot_general3A_15 {dimension_numbers = #tpu.dot_dimension_numbers<[1], [0], [0], [1], [0, 0, 1, 1], [], []>, transpose_lhs_hint = false} : vector<2000x128xf32>, vector<128x32xf32>, vector<2000x32xf32> -> vector<2000x32xf32>
    %get3A_17 = arith.constant 0 : index
    %get3A_18 = arith.constant 0 : index
    %get3A_19 = vector.load %arg6[%get3A_17, %get3A_18] : memref<1x32xf32, #tpu.memory_space<vmem>>, vector<1x32xf32>
    %add3A_20 = vector.broadcast %get3A_19 : vector<1x32xf32> to vector<2000x32xf32>
    %add3A_21 = arith.addf %dot_general3A_16, %add3A_20 : vector<2000x32xf32>
    %max3A_22 = arith.constant 0.000000e+00 : f32
    %max3A_23 = vector.broadcast %max3A_22 : f32 to vector<2000x32xf32>
    %max3A_24 = arith.maximumf %add3A_21, %max3A_23 : vector<2000x32xf32>
    %get3A_25 = arith.constant 0 : index
    %get3A_26 = arith.constant 0 : index
    %get3A_27 = vector.load %arg1[%get3A_25, %get3A_26] : memref<2000x128xf32, #tpu.memory_space<vmem>>, vector<2000x128xf32>
    %get3A_28 = arith.constant 0 : index
    %get3A_29 = arith.constant 0 : index
    %get3A_30 = vector.load %arg7[%get3A_28, %get3A_29] : memref<128x1024xf32, #tpu.memory_space<vmem>>, vector<128x1024xf32>
    %dot_general3A_31 = arith.constant dense<0.000000e+00> : vector<2000x1024xf32>
    %dot_general3A_32 = tpu.matmul %get3A_27, %get3A_30, %dot_general3A_31 {dimension_numbers = #tpu.dot_dimension_numbers<[1], [0], [0], [1], [0, 0, 1, 1], [], []>, transpose_lhs_hint = false} : vector<2000x128xf32>, vector<128x1024xf32>, vector<2000x1024xf32> -> vector<2000x1024xf32>
    %get3A_33 = arith.constant 0 : index
    %get3A_34 = arith.constant 0 : index
    %get3A_35 = vector.load %arg8[%get3A_33, %get3A_34] : memref<128x128xf32, #tpu.memory_space<vmem>>, vector<128x128xf32>
    %dot_general3A_36 = arith.constant dense<0.000000e+00> : vector<2000x128xf32>
    %dot_general3A_37 = tpu.matmul %get3A_27, %get3A_35, %dot_general3A_36 {dimension_numbers = #tpu.dot_dimension_numbers<[1], [0], [0], [1], [0, 0, 1, 1], [], []>, transpose_lhs_hint = false} : vector<2000x128xf32>, vector<128x128xf32>, vector<2000x128xf32> -> vector<2000x128xf32>
    %get3A_38 = arith.constant 0 : index
    %get3A_39 = arith.constant 0 : index
    %get3A_40 = vector.load %arg9[%get3A_38, %get3A_39] : memref<32x1024xf32, #tpu.memory_space<vmem>>, vector<32x1024xf32>
    %dot_general3A_41 = arith.constant dense<0.000000e+00> : vector<2000x1024xf32>
    %dot_general3A_42 = tpu.matmul %max3A_24, %get3A_40, %dot_general3A_41 {dimension_numbers = #tpu.dot_dimension_numbers<[1], [0], [0], [1], [0, 0, 1, 1], [], []>, transpose_lhs_hint = false} : vector<2000x32xf32>, vector<32x1024xf32>, vector<2000x1024xf32> -> vector<2000x1024xf32>
    %mul3A = arith.mulf %dot_general3A_42, %dot_general3A_32 : vector<2000x1024xf32>
    %get3A_43 = arith.constant 0 : index
    %get3A_44 = arith.constant 0 : index
    %get3A_45 = vector.load %arg10[%get3A_43, %get3A_44] : memref<1024x128xf32, #tpu.memory_space<vmem>>, vector<1024x128xf32>
    %dot_general3A_46 = arith.constant dense<0.000000e+00> : vector<2000x128xf32>
    %dot_general3A_47 = tpu.matmul %mul3A, %get3A_45, %dot_general3A_46 {dimension_numbers = #tpu.dot_dimension_numbers<[1], [0], [0], [1], [0, 0, 1, 1], [], []>, transpose_lhs_hint = false} : vector<2000x1024xf32>, vector<1024x128xf32>, vector<2000x128xf32> -> vector<2000x128xf32>
    %add3A_48 = arith.addf %dot_general3A_47, %dot_general3A_37 : vector<2000x128xf32>
    %swap3A = arith.constant 0 : index
    %swap3A_49 = arith.constant 0 : index
    %swap3A_50 = vector.load %arg11[%swap3A, %swap3A_49] : memref<2000x128xf32, #tpu.memory_space<vmem>>, vector<2000x128xf32>
    tpu.vector_store %arg11[%swap3A, %swap3A_49], %add3A_48 {strides = array<i32>} : memref<2000x128xf32, #tpu.memory_space<vmem>>, vector<2000x128xf32>,
    return
  }
  func.func @transform_0(%arg0: i32) -> (i32, i32) {
    %c0_i32 = arith.constant 0 : i32
    %c0_i32_0 = arith.constant 0 : i32
    return %arg0, %c0_i32 : i32, i32
  }
  func.func @transform_1(%arg0: i32) -> (i32, i32) {
    %c0_i32 = arith.constant 0 : i32
    %c0_i32_0 = arith.constant 0 : i32
    return %arg0, %c0_i32 : i32, i32
  }
  func.func @transform_2(%arg0: i32) -> (i32, i32) {
    %c0_i32 = arith.constant 0 : i32
    %c0_i32_0 = arith.constant 0 : i32
    %c0_i32_1 = arith.constant 0 : i32
    return %c0_i32, %c0_i32_0 : i32, i32
  }
  func.func @transform_3(%arg0: i32) -> (i32, i32) {
    %c0_i32 = arith.constant 0 : i32
    %c0_i32_0 = arith.constant 0 : i32
    %c0_i32_1 = arith.constant 0 : i32
    return %c0_i32, %c0_i32_0 : i32, i32
  }
  func.func @transform_4(%arg0: i32) -> (i32, i32) {
    %c0_i32 = arith.constant 0 : i32
    %c0_i32_0 = arith.constant 0 : i32
    %c0_i32_1 = arith.constant 0 : i32
    return %c0_i32, %c0_i32_0 : i32, i32
  }
  func.func @transform_5(%arg0: i32) -> (i32, i32) {
    %c0_i32 = arith.constant 0 : i32
    %c0_i32_0 = arith.constant 0 : i32
    %c0_i32_1 = arith.constant 0 : i32
    return %c0_i32, %c0_i32_0 : i32, i32
  }
  func.func @transform_6(%arg0: i32) -> (i32, i32) {
    %c0_i32 = arith.constant 0 : i32
    %c0_i32_0 = arith.constant 0 : i32
    %c0_i32_1 = arith.constant 0 : i32
    return %c0_i32, %c0_i32_0 : i32, i32
  }
  func.func @transform_7(%arg0: i32) -> (i32, i32) {
    %c0_i32 = arith.constant 0 : i32
    %c0_i32_0 = arith.constant 0 : i32
    %c0_i32_1 = arith.constant 0 : i32
    return %c0_i32, %c0_i32_0 : i32, i32
  }
  func.func @transform_8(%arg0: i32) -> (i32, i32) {
    %c0_i32 = arith.constant 0 : i32
    %c0_i32_0 = arith.constant 0 : i32
    %c0_i32_1 = arith.constant 0 : i32
    return %c0_i32, %c0_i32_0 : i32, i32
  }
  func.func @transform_9(%arg0: i32) -> (i32, i32) {
    %c0_i32 = arith.constant 0 : i32
    %c0_i32_0 = arith.constant 0 : i32
    %c0_i32_1 = arith.constant 0 : i32
    return %c0_i32, %c0_i32_0 : i32, i32
  }
  func.func @transform_10(%arg0: i32) -> (i32, i32) {
    %c0_i32 = arith.constant 0 : i32
    %c0_i32_0 = arith.constant 0 : i32
    return %arg0, %c0_i32 : i32, i32
  }
}

module attributes {stable_mosaic.version = 14 : i64} {
  func.func @_update_body(%arg0: i32, %arg1: memref<2x2000x32xf32, #tpu.memory_space<vmem>>, %arg2: memref<2x2000x16xf32, #tpu.memory_space<vmem>>, %arg3: memref<2000x32xf32, #tpu.memory_space<vmem>>, %arg4: memref<32x32xf32, #tpu.memory_space<vmem>>, %arg5: memref<1x32xf32, #tpu.memory_space<vmem>>, %arg6: memref<32x96xf32, #tpu.memory_space<vmem>>, %arg7: memref<1x96xf32, #tpu.memory_space<vmem>>, %arg8: memref<32x96xf32, #tpu.memory_space<vmem>>, %arg9: memref<1x96xf32, #tpu.memory_space<vmem>>, %arg10: memref<2000x32xf32, #tpu.memory_space<vmem>>) attributes {dimension_semantics = [#tpu.dimension_semantics<arbitrary>], iteration_bounds = array<i64: 5>, scalar_prefetch = 0 : i64, scratch_operands = 0 : i64, tpu.core_type = #tpu.core_type<tc>, window_params = [{transform_indices = @transform_0, window_bounds = array<i64: 2, 2000, 32>}, {transform_indices = @transform_1, window_bounds = array<i64: 2, 2000, 16>}, {transform_indices = @transform_2, window_bounds = array<i64: 2000, 32>}, {pipeline_mode = #tpu.pipeline_mode<synchronous>, transform_indices = @transform_3, window_bounds = array<i64: 32, 32>}, {pipeline_mode = #tpu.pipeline_mode<synchronous>, transform_indices = @transform_4, window_bounds = array<i64: 1, 32>}, {pipeline_mode = #tpu.pipeline_mode<synchronous>, transform_indices = @transform_5, window_bounds = array<i64: 32, 96>}, {pipeline_mode = #tpu.pipeline_mode<synchronous>, transform_indices = @transform_6, window_bounds = array<i64: 1, 96>}, {pipeline_mode = #tpu.pipeline_mode<synchronous>, transform_indices = @transform_7, window_bounds = array<i64: 32, 96>}, {pipeline_mode = #tpu.pipeline_mode<synchronous>, transform_indices = @transform_8, window_bounds = array<i64: 1, 96>}, {transform_indices = @transform_9, window_bounds = array<i64: 2000, 32>}]} {
    %get3A = arith.constant 0 : index
    %get3A_0 = arith.constant 0 : index
    %get3A_1 = arith.constant 0 : index
    %get3A_2 = vector.load %arg2[%get3A, %get3A_0, %get3A_1] : memref<2x2000x16xf32, #tpu.memory_space<vmem>>, vector<1x2000x1xf32>
    %get3A_3 = vector.shape_cast %get3A_2 : vector<1x2000x1xf32> to vector<2000x1xf32>
    %get3A_4 = arith.constant 1 : index
    %get3A_5 = arith.constant 0 : index
    %get3A_6 = arith.constant 0 : index
    %get3A_7 = vector.load %arg2[%get3A_4, %get3A_5, %get3A_6] : memref<2x2000x16xf32, #tpu.memory_space<vmem>>, vector<1x2000x1xf32>
    %get3A_8 = vector.shape_cast %get3A_7 : vector<1x2000x1xf32> to vector<2000x1xf32>
    %add3A = arith.addf %get3A_3, %get3A_8 : vector<2000x1xf32>
    %max3A = arith.constant 1.000000e+00 : f32
    %max3A_9 = vector.broadcast %max3A : f32 to vector<2000x1xf32>
    %max3A_10 = arith.maximumf %add3A, %max3A_9 : vector<2000x1xf32>
    %get3A_11 = arith.constant 0 : index
    %get3A_12 = arith.constant 0 : index
    %get3A_13 = arith.constant 0 : index
    %get3A_14 = vector.load %arg1[%get3A_11, %get3A_12, %get3A_13] : memref<2x2000x32xf32, #tpu.memory_space<vmem>>, vector<1x2000x32xf32>
    %get3A_15 = vector.shape_cast %get3A_14 : vector<1x2000x32xf32> to vector<2000x32xf32>
    %get3A_16 = arith.constant 1 : index
    %get3A_17 = arith.constant 0 : index
    %get3A_18 = arith.constant 0 : index
    %get3A_19 = vector.load %arg1[%get3A_16, %get3A_17, %get3A_18] : memref<2x2000x32xf32, #tpu.memory_space<vmem>>, vector<1x2000x32xf32>
    %get3A_20 = vector.shape_cast %get3A_19 : vector<1x2000x32xf32> to vector<2000x32xf32>
    %add3A_21 = arith.addf %get3A_15, %get3A_20 : vector<2000x32xf32>
    %div3A = vector.broadcast %max3A_10 : vector<2000x1xf32> to vector<2000x32xf32>
    %div3A_22 = arith.divf %add3A_21, %div3A : vector<2000x32xf32>
    %get3A_23 = arith.constant 0 : index
    %get3A_24 = arith.constant 0 : index
    %get3A_25 = vector.load %arg3[%get3A_23, %get3A_24] : memref<2000x32xf32, #tpu.memory_space<vmem>>, vector<2000x32xf32>
    %get3A_26 = arith.constant 0 : index
    %get3A_27 = arith.constant 0 : index
    %get3A_28 = vector.load %arg4[%get3A_26, %get3A_27] : memref<32x32xf32, #tpu.memory_space<vmem>>, vector<32x32xf32>
    %dot_general3A = arith.constant dense<0.000000e+00> : vector<2000x32xf32>
    %dot_general3A_29 = tpu.matmul %get3A_25, %get3A_28, %dot_general3A {dimension_numbers = #tpu.dot_dimension_numbers<[1], [0], [0], [1], [0, 0, 1, 1], [], []>, transpose_lhs_hint = false} : vector<2000x32xf32>, vector<32x32xf32>, vector<2000x32xf32> -> vector<2000x32xf32>
    %add3A_30 = arith.addf %div3A_22, %dot_general3A_29 : vector<2000x32xf32>
    %get3A_31 = arith.constant 0 : index
    %get3A_32 = arith.constant 0 : index
    %get3A_33 = vector.load %arg5[%get3A_31, %get3A_32] : memref<1x32xf32, #tpu.memory_space<vmem>>, vector<1x32xf32>
    %add3A_34 = vector.broadcast %get3A_33 : vector<1x32xf32> to vector<2000x32xf32>
    %add3A_35 = arith.addf %add3A_30, %add3A_34 : vector<2000x32xf32>
    %max3A_36 = arith.constant 0.000000e+00 : f32
    %max3A_37 = vector.broadcast %max3A_36 : f32 to vector<2000x32xf32>
    %max3A_38 = arith.maximumf %add3A_35, %max3A_37 : vector<2000x32xf32>
    %get3A_39 = arith.constant 0 : index
    %get3A_40 = arith.constant 0 : index
    %get3A_41 = vector.load %arg6[%get3A_39, %get3A_40] : memref<32x96xf32, #tpu.memory_space<vmem>>, vector<32x96xf32>
    %dot_general3A_42 = arith.constant dense<0.000000e+00> : vector<2000x96xf32>
    %dot_general3A_43 = tpu.matmul %max3A_38, %get3A_41, %dot_general3A_42 {dimension_numbers = #tpu.dot_dimension_numbers<[1], [0], [0], [1], [0, 0, 1, 1], [], []>, transpose_lhs_hint = false} : vector<2000x32xf32>, vector<32x96xf32>, vector<2000x96xf32> -> vector<2000x96xf32>
    %get3A_44 = arith.constant 0 : index
    %get3A_45 = arith.constant 0 : index
    %get3A_46 = vector.load %arg7[%get3A_44, %get3A_45] : memref<1x96xf32, #tpu.memory_space<vmem>>, vector<1x96xf32>
    %add3A_47 = vector.broadcast %get3A_46 : vector<1x96xf32> to vector<2000x96xf32>
    %add3A_48 = arith.addf %dot_general3A_43, %add3A_47 : vector<2000x96xf32>
    %get3A_49 = arith.constant 0 : index
    %get3A_50 = arith.constant 0 : index
    %get3A_51 = vector.load %arg8[%get3A_49, %get3A_50] : memref<32x96xf32, #tpu.memory_space<vmem>>, vector<32x96xf32>
    %dot_general3A_52 = arith.constant dense<0.000000e+00> : vector<2000x96xf32>
    %dot_general3A_53 = tpu.matmul %get3A_25, %get3A_51, %dot_general3A_52 {dimension_numbers = #tpu.dot_dimension_numbers<[1], [0], [0], [1], [0, 0, 1, 1], [], []>, transpose_lhs_hint = false} : vector<2000x32xf32>, vector<32x96xf32>, vector<2000x96xf32> -> vector<2000x96xf32>
    %get3A_54 = arith.constant 0 : index
    %get3A_55 = arith.constant 0 : index
    %get3A_56 = vector.load %arg9[%get3A_54, %get3A_55] : memref<1x96xf32, #tpu.memory_space<vmem>>, vector<1x96xf32>
    %add3A_57 = vector.broadcast %get3A_56 : vector<1x96xf32> to vector<2000x96xf32>
    %add3A_58 = arith.addf %dot_general3A_53, %add3A_57 : vector<2000x96xf32>
    %slice3A = vector.extract_strided_slice %add3A_48 {offsets = [0, 0], sizes = [2000, 32], strides = [1, 1]} : vector<2000x96xf32> to vector<2000x32xf32>
    %slice3A_59 = vector.extract_strided_slice %add3A_58 {offsets = [0, 0], sizes = [2000, 32], strides = [1, 1]} : vector<2000x96xf32> to vector<2000x32xf32>
    %add3A_60 = arith.addf %slice3A, %slice3A_59 : vector<2000x32xf32>
    %logistic3A = arith.negf %add3A_60 : vector<2000x32xf32>
    %logistic3A_61 = math.exp %logistic3A : vector<2000x32xf32>
    %logistic3A_62 = arith.constant 1.000000e+00 : f32
    %logistic3A_63 = vector.broadcast %logistic3A_62 : f32 to vector<2000x32xf32>
    %logistic3A_64 = arith.addf %logistic3A_63, %logistic3A_61 : vector<2000x32xf32>
    %logistic3A_65 = arith.divf %logistic3A_63, %logistic3A_64 : vector<2000x32xf32>
    %slice3A_66 = vector.extract_strided_slice %add3A_48 {offsets = [0, 32], sizes = [2000, 32], strides = [1, 1]} : vector<2000x96xf32> to vector<2000x32xf32>
    %slice3A_67 = vector.extract_strided_slice %add3A_58 {offsets = [0, 32], sizes = [2000, 32], strides = [1, 1]} : vector<2000x96xf32> to vector<2000x32xf32>
    %add3A_68 = arith.addf %slice3A_66, %slice3A_67 : vector<2000x32xf32>
    %logistic3A_69 = arith.negf %add3A_68 : vector<2000x32xf32>
    %logistic3A_70 = math.exp %logistic3A_69 : vector<2000x32xf32>
    %logistic3A_71 = arith.constant 1.000000e+00 : f32
    %logistic3A_72 = vector.broadcast %logistic3A_71 : f32 to vector<2000x32xf32>
    %logistic3A_73 = arith.addf %logistic3A_72, %logistic3A_70 : vector<2000x32xf32>
    %logistic3A_74 = arith.divf %logistic3A_72, %logistic3A_73 : vector<2000x32xf32>
    %slice3A_75 = vector.extract_strided_slice %add3A_48 {offsets = [0, 64], sizes = [2000, 32], strides = [1, 1]} : vector<2000x96xf32> to vector<2000x32xf32>
    %slice3A_76 = vector.extract_strided_slice %add3A_58 {offsets = [0, 64], sizes = [2000, 32], strides = [1, 1]} : vector<2000x96xf32> to vector<2000x32xf32>
    %mul3A = arith.mulf %logistic3A_65, %slice3A_76 : vector<2000x32xf32>
    %add3A_77 = arith.addf %slice3A_75, %mul3A : vector<2000x32xf32>
    %tanh3A = math.tanh %add3A_77 : vector<2000x32xf32>
    %sub3A = arith.constant 1.000000e+00 : f32
    %sub3A_78 = vector.broadcast %sub3A : f32 to vector<2000x32xf32>
    %sub3A_79 = arith.subf %sub3A_78, %logistic3A_74 : vector<2000x32xf32>
    %mul3A_80 = arith.mulf %sub3A_79, %tanh3A : vector<2000x32xf32>
    %mul3A_81 = arith.mulf %logistic3A_74, %get3A_25 : vector<2000x32xf32>
    %add3A_82 = arith.addf %mul3A_80, %mul3A_81 : vector<2000x32xf32>
    %swap3A = arith.constant 0 : index
    %swap3A_83 = arith.constant 0 : index
    %swap3A_84 = vector.load %arg10[%swap3A, %swap3A_83] : memref<2000x32xf32, #tpu.memory_space<vmem>>, vector<2000x32xf32>
    tpu.vector_store %arg10[%swap3A, %swap3A_83], %add3A_82 {strides = array<i32>} : memref<2000x32xf32, #tpu.memory_space<vmem>>, vector<2000x32xf32>,
    return
  }
  func.func @transform_0(%arg0: i32) -> (i32, i32, i32) {
    %c0_i32 = arith.constant 0 : i32
    %c0_i32_0 = arith.constant 0 : i32
    %c0_i32_1 = arith.constant 0 : i32
    return %c0_i32, %arg0, %c0_i32_0 : i32, i32, i32
  }
  func.func @transform_1(%arg0: i32) -> (i32, i32, i32) {
    %c0_i32 = arith.constant 0 : i32
    %c0_i32_0 = arith.constant 0 : i32
    %c0_i32_1 = arith.constant 0 : i32
    return %c0_i32, %arg0, %c0_i32_0 : i32, i32, i32
  }
  func.func @transform_2(%arg0: i32) -> (i32, i32) {
    %c0_i32 = arith.constant 0 : i32
    %c0_i32_0 = arith.constant 0 : i32
    return %arg0, %c0_i32 : i32, i32
  }
  func.func @transform_3(%arg0: i32) -> (i32, i32) {
    %c0_i32 = arith.constant 0 : i32
    %c0_i32_0 = arith.constant 0 : i32
    %c0_i32_1 = arith.constant 0 : i32
    return %c0_i32, %c0_i32_0 : i32, i32
  }
  func.func @transform_4(%arg0: i32) -> (i32, i32) {
    %c0_i32 = arith.constant 0 : i32
    %c0_i32_0 = arith.constant 0 : i32
    %c0_i32_1 = arith.constant 0 : i32
    return %c0_i32, %c0_i32_0 : i32, i32
  }
  func.func @transform_5(%arg0: i32) -> (i32, i32) {
    %c0_i32 = arith.constant 0 : i32
    %c0_i32_0 = arith.constant 0 : i32
    %c0_i32_1 = arith.constant 0 : i32
    return %c0_i32, %c0_i32_0 : i32, i32
  }
  func.func @transform_6(%arg0: i32) -> (i32, i32) {
    %c0_i32 = arith.constant 0 : i32
    %c0_i32_0 = arith.constant 0 : i32
    %c0_i32_1 = arith.constant 0 : i32
    return %c0_i32, %c0_i32_0 : i32, i32
  }
  func.func @transform_7(%arg0: i32) -> (i32, i32) {
    %c0_i32 = arith.constant 0 : i32
    %c0_i32_0 = arith.constant 0 : i32
    %c0_i32_1 = arith.constant 0 : i32
    return %c0_i32, %c0_i32_0 : i32, i32
  }
  func.func @transform_8(%arg0: i32) -> (i32, i32) {
    %c0_i32 = arith.constant 0 : i32
    %c0_i32_0 = arith.constant 0 : i32
    %c0_i32_1 = arith.constant 0 : i32
    return %c0_i32, %c0_i32_0 : i32, i32
  }
  func.func @transform_9(%arg0: i32) -> (i32, i32) {
    %c0_i32 = arith.constant 0 : i32
    %c0_i32_0 = arith.constant 0 : i32
    return %arg0, %c0_i32 : i32, i32
  }
}

</mosaic_0001>

<sc_bundles>
// kernel: kernel.11.cloned.1.call-start
scs
__scs_entry_jumppad:
0x0: {  	(pc) =	sbr.rel $0x88, $3  }
0x1: {  	(tag) =	ssettag $0x0;
	lr =	simm.s32 $0x1  }
0x2: {  	[smem:$0x3F90] =	sst lr;
	_ =	strace $0xD0000000  }
0x3: {  	_ = 	snop  }
0x4: {  	_ = 	snop  }
0x5: {  	_ = 	snop  }
0x6: {  	_ = 	snop  }
0x7: {  	_ = 	snop  }
__scs_overlays_trampoline_lowered:
0x8: {  	[smem:$0x3F9F] =	sst s0  }
0x9: {  	[smem:$0x3FA0] =	sst s1  }
0xa: {  	[smem:$0x3FA1] =	sst s2  }
0xb: {  	[smem:$0x3FA2] =	sst s3  }
0xc: {  	[smem:$0x3FA3] =	sst s4  }
0xd: {  	[smem:$0x3FA4] =	sst s5  }
0xe: {  	[smem:$0x3FA5] =	sst s6  }
0xf: {  	[smem:$0x3FA6] =	sst s7  }
0x10: {  	[smem:$0x3FA7] =	sst s8  }
0x11: {  	[smem:$0x3FA8] =	sst s9;
	s0 =	simm.s32 @!p0 $0x0  }
0x12: {  	s1 =	sld [smem:$0x3F8E];
	s0 =	simm.s32 @p0 $0x1  }
0x13: {  	[smem:$0x3FA9] =	sst s0;
	s0 =	simm.s32 @!p1 $0x0  }
0x14: {  	s2 =	sld [smem:$0x3F8D];
	s0 =	simm.s32 @p1 $0x1  }
0x15: {  	[smem:$0x3FAA] =	sst s0;
	s0 =	simm.s32 @!p2 $0x0  }
0x16: {  	s3 =	sld [smem:$0x3FDB];
	s0 =	simm.s32 @p2 $0x1  }
0x17: {  	s4 =	simm.s32 $0x1BF5;
	[smem:$0x3FAC] =	sst s0  }
0x18: {  	s0 =	sld [smem:$0x3F8F];
	_ =	swait.ge [sflag:s4], $0x0  }
0x19: {  	s7 =	sld [smem:$0x3F90]  }
0x1a: {  	s8 =	sadd.s32 $0xFFFFE003, lr  }
0x1b: {  	s9 =	sadd.s32 $0xFFFFFEF7, lr;
	s5 =	simm.s32 $0xFFFFFFFF;
	p2 =	slt.u32 s8, $0xFFFFF086  }
0x1c: {  	p1 =	slt.u32 s9, $0xF7A;
	s5 =	simm.s32 @!p2 $0x0  }
0x1d: {  	s5 =	simm.s32 @p1 $0x1;
	p0 =	seq.s32 s7, s2  }
0x1e: {  	s7 =	smul.u32 @!p0 $0xF7A, s2;
	p2 =	seq.s32 @!p0 s5, $0x0  }
0x1f: {  	s9 =	smul.u32 $0xF7A, s1;
	s8 =	simm.s32 @!p0 $0x1BF5;
	p2 =	por !p2, p0  }
0x20: {  	[sflag:s8] =	ssyncset.s32 @!p0 $0xFFFFF086;
	s6 =	sadd.s32 @!p0 s3, s7;
	s7 =	simm.s32 @!p0 $0x108  }
0x21: {  	s3 =	sadd.s32 s3, s9;
	s6 =	sadd.s32 @!p0 $0x88, s6;
	s7 =	simm.s32 @p2 $0x1082  }
0x22: {  	[simem:s7], [sflag:s8] =	dma.local @!p0 [hbm:s6], $0xF7A  }
0x23: {  	s9 =	sor.u32 $0xD0000000, s2;
	s6 =	simm.s32 $0x108;
	_ =	swait.ge @!p0 [sflag:s8], $0x0  }
0x24: {  	s3 =	sadd.s32 $0x88, s3;
	s6 =	simm.s32 @!p1 $0x1082;
	[sflag:s4] =	ssyncset.s32 $0xFFFFF086  }
0x25: {  	[simem:s6], [sflag:s4] =	dma.local [hbm:s3], $0xF7A  }
0x26: {  	[smem:$0x3F90] =	sst s1;
	(tag) =	ssettag s2;
	_ =	strace s9  }
0x27: {  	s1 =	sld [smem:$0x3FA0]  }
0x28: {  	s2 =	sld [smem:$0x3FA1]  }
0x29: {  	s4 =	sld [smem:$0x3FA3]  }
0x2a: {  	p0 =	seq.s32 s5, $0x0;
	s5 =	sld [smem:$0x3FA4]  }
0x2b: {  	s6 =	sld [smem:$0x3FA5]  }
0x2c: {  	s7 =	sld [smem:$0x3FA6]  }
0x2d: {  	s3 =	simm.s32 $0x108;
	s8 =	sld [smem:$0x3FA7]  }
0x2e: {  	s3 =	simm.s32 @!p0 $0x1082;
	s9 =	sld [smem:$0x3FA8]  }
0x2f: {  	lr =	sadd.s32 s0, s3;
	s0 =	sld [smem:$0x3F9F]  }
0x30: {  	s3 =	sld [smem:$0x3FA2]  }
0x31: {  	[smem:$0x3FAB] =	sst s10  }
0x32: {  	s10 =	sld [smem:$0x3FA9];
	_ =	sdelay $0x3  }
0x33: {  	p0 =	seq.s32 s10, $0x1;
	s10 =	sld [smem:$0x3FAB];
	_ =	sdelay $0x3  }
0x34: {  	[smem:$0x3FAB] =	sst s10  }
0x35: {  	s10 =	sld [smem:$0x3FAA];
	_ =	sdelay $0x3  }
0x36: {  	p1 =	seq.s32 s10, $0x1;
	s10 =	sld [smem:$0x3FAB];
	_ =	sdelay $0x3  }
0x37: {  	[smem:$0x3FAB] =	sst s10  }
0x38: {  	s10 =	sld [smem:$0x3FAC]  }
0x39: {  	_ = 	snop;
	(pc) =	sbr.ind lr, $3  }
0x3a: {  	_ = 	snop  }
0x3b: {  	_ = 	snop  }
0x3c: {  	p2 =	seq.s32 s10, $0x1;
	s10 =	sld [smem:$0x3FAB]  }
0x3d: {  	_ =	shalt  }
0x3e: {  	_ =	shalt  }
0x3f: {  	_ =	shalt  }
0x40: {  	_ =	shalt  }
0x41: {  	_ =	shalt  }
0x42: {  	_ =	shalt  }
0x43: {  	_ =	shalt  }
0x44: {  	_ =	shalt  }
0x45: {  	_ =	shalt  }
0x46: {  	_ =	shalt  }
0x47: {  	_ =	shalt  }
0x48: {  	_ =	shalt  }
0x49: {  	_ =	shalt  }
0x4a: {  	_ =	shalt  }
0x4b: {  	_ =	shalt  }
0x4c: {  	_ =	shalt  }
0x4d: {  	_ =	shalt  }
0x4e: {  	_ =	shalt  }
0x4f: {  	_ =	shalt  }
0x50: {  	_ =	shalt  }
0x51: {  	_ =	shalt  }
0x52: {  	_ =	shalt  }
0x53: {  	_ =	shalt  }
0x54: {  	_ =	shalt  }
0x55: {  	_ =	shalt  }
0x56: {  	_ =	shalt  }
0x57: {  	_ =	shalt  }
0x58: {  	_ =	shalt  }
0x59: {  	_ =	shalt  }
0x5a: {  	_ =	shalt  }
0x5b: {  	_ =	shalt  }
0x5c: {  	_ =	shalt  }
0x5d: {  	_ =	shalt  }
0x5e: {  	_ =	shalt  }
0x5f: {  	_ =	shalt  }
0x60: {  	_ =	shalt  }
0x61: {  	_ =	shalt  }
0x62: {  	_ =	shalt  }
0x63: {  	_ =	shalt  }
0x64: {  	_ =	shalt  }
0x65: {  	_ =	shalt  }
0x66: {  	_ =	shalt  }
0x67: {  	_ =	shalt  }
0x68: {  	_ =	shalt  }
0x69: {  	_ =	shalt  }
0x6a: {  	_ =	shalt  }
0x6b: {  	_ =	shalt  }
0x6c: {  	_ =	shalt  }
0x6d: {  	_ =	shalt  }
0x6e: {  	_ =	shalt  }
0x6f: {  	_ =	shalt  }
0x70: {  	_ =	shalt  }
0x71: {  	_ =	shalt  }
0x72: {  	_ =	shalt  }
0x73: {  	_ =	shalt  }
0x74: {  	_ =	shalt  }
0x75: {  	_ =	shalt  }
0x76: {  	_ =	shalt  }
0x77: {  	_ =	shalt  }
0x78: {  	_ =	shalt  }
0x79: {  	_ =	shalt  }
0x7a: {  	_ =	shalt  }
0x7b: {  	_ =	shalt  }
0x7c: {  	_ =	shalt  }
0x7d: {  	_ =	shalt  }
0x7e: {  	_ =	shalt  }
0x7f: {  	_ =	shalt  }
0x80: {  	_ =	shalt  }
0x81: {  	_ =	shalt  }
0x82: {  	_ =	shalt  }
0x83: {  	_ =	shalt  }
0x84: {  	_ =	shalt  }
0x85: {  	_ =	shalt  }
0x86: {  	_ =	shalt  }
0x87: {  	_ =	shalt  }
.Lfunc_end0:
.L_simem_size_0:
called_computation_lowered:
.L_overlay_start_0:
0x88: {  	s2 =	sld [smem:$0x3FD9]  }
0x89: {  	s3 =	sld [smem:$0x3FFE];
	_ =	sdelay $0x1  }
0x8a: {  	s1 =	srdreg.scid  }
0x8b: {  	s0 =	sand.u32 $0x1, s1  }
0x8c: {  	s17 =	sshll.u32 s0, $0xA;
	s2 =	sadd.s32 s3, s2  }
0x8d: {  	s2 =	sadd.s32 s2, s17  }
0x8e: {  	[smem:$0x3FB7] =	sst s2  }
0x8f: {  	_ = 	snop  }
0x90: {  	s2 =	sld [smem:$0x3FD0];
	(tm) =	ssettm $0x1  }
0x91: {  	s18 =	sld [smem:$0x3FFB];
	_ =	sdelay $0x3  }
0x92: {  	_ =	strace s18  }
0x93: {  	s3 =	sld [smem:$0x3FFC];
	_ =	sdelay $0x3  }
0x94: {  	_ =	strace s3  }
0x95: {  	s3 =	sld [smem:$0x3FFD];
	_ =	sdelay $0x3  }
0x96: {  	_ =	strace s3  }
0x97: {  	_ =	strace $0x8FFFFFFF  }
0x98: {  	s19 =	sld [smem:$0x3FDB];
	_ =	sdelay $0x1  }
0x99: {  	s4 =	simm.s32 $_scs_section_size  }
0x9a: {  	s5 =	simm.s32 $_size__tile_overlayer_lowered;
	s6 =	simm.s32 $_tile_overlayer_lowered  }
0x9b: {  	s22 =	simm.s32 $0x1BFF;
	s21 =	sshll.u32 s6, $0x1;
	s3 =	sadd.s32 s4, s19  }
0x9c: {  	s7 =	simm.s32 $0x0;
	s20 =	sshll.u32 s5, $0x1;
	s5 =	sadd.s32 s21, s3  }
0x9d: {  	[timem:s7], [sflag:s22] =	dma.local [hbm:s5], s20  }
0x9e: {  	_ =	swait.ge [sflag:s22], s20  }
0x9f: {  	s4 =	ssub.s32 $0x0, s20;
	[sflag:s22] =	ssyncset.done $0x0  }
0xa0: {  	[sflag:s22] =	ssyncadd.s32 s4;
	_ =	sdelay $0x1  }
0xa1: {  	s23 =	simm.s32 $0x1B8B  }
0xa2: {  	_ =	swait.ge [sflag:s23], $0x1  }
0xa3: {  	[sflag:s23] =	ssyncset.done $0x0  }
0xa4: {  	s25 =	simm.s32 $0x1B8E;
	s24 =	sld [smem:$0x3FFE];
	[sflag:s23] =	ssyncadd.s32 $0xFFFFFFFF  }
0xa5: {  	s26 =	simm.s32 $execute0_lowered;
	[smem:$0x3FD2] =	sst s25  }
0xa6: {  	s5 =	sshll.u32 s26, $0x1;
	_ =	strace $0x80000046;
	[dreg:$0x1] =	wrdreg $0xFFFFFFFF  }
0xa7: {  	s28 =	simm.s32 $_size_execute0_lowered;
	s3 =	sadd.s32 s3, s5;
	[dreg:$0x0] =	wrdreg $0x0  }
0xa8: {  	s5 =	sshll.u32 s28, $0x1;
	[dreg:$0x2] =	wrdreg s3  }
0xa9: {  	[dreg:$0x3] =	wrdreg s5  }
0xaa: {  	[dreg:$0x4] =	wrdreg $0xC0  }
0xab: {  	_ =	task [dreg:s7], $0x5FFFF  }
0xac: {  	[dreg:$0x1] =	wrdreg $0xFFFFFFFF  }
0xad: {  	[dreg:$0x0] =	wrdreg $0x60  }
0xae: {  	[dreg:$0x2] =	wrdreg s2  }
0xaf: {  	[dreg:$0x3] =	wrdreg s24  }
0xb0: {  	[dreg:$0x4] =	wrdreg $0x9  }
0xb1: {  	_ =	task.clear_ibuf [dreg:s7], $0x5FFFF;
	_ =	strace $0x90000046  }
0xb2: {  	s29 =	simm.s32 $0x9;
	_ =	strace $0x80000048  }
0xb3: {  	_ =	swait.ge [sflag:s29], $0x1  }
0xb4: {  	[sflag:s29] =	ssyncadd.s32 $0xFFFFFFFF  }
0xb5: {  	_ =	strace $0x90000048  }
0xb6: {  	_ =	sfence  }
0xb7: {  	s30 =	sld [smem:$0x0];
	_ =	sdelay $0x2  }
0xb8: {  	s31 =	sshll.u32 s1, $0xD;
	s1 =	sshrl.u32 s1, $0x2  }
0xb9: {  	s3 =	sand.u32 $0x4000, s31;
	s1 =	sadd.s32 s1, s30  }
0xba: {  	s0 =	sor.u32 s3, s0;
	s1 =	sshll.u32 s1, $0x11  }
0xbb: {  	s0 =	sor.u32 s1, s0  }
0xbc: {  	s0 =	sadd.s32 $0x8F2B, s0  }
0xbd: {  	[sflag:s0] =	ssyncadd.remote.s32 $0x1  }
0xbe: {  	_ =	sfence.sel $0xFFFF  }
0xbf: {  	[dreg:$0x0] =	wrdreg $0xFFFFFFFF;
	(pc) =	sbr.abs _section_cstart, $3  }
0xc0: {  	[dreg:$0x1] =	wrdreg $0xFFFFFFFF  }
0xc1: {  	_ =	task.clear_ibuf [dreg:s7], $0x2FFFF;
	_ =	strace $0x9FFFFFFF  }
0xc2: {  	(tm) =	ssettm $0x7FFFFFFF  }
0xc3: {  	_ =	shalt  }
tec
execute0_lowered:
.L_overlay_start_1:
0x0: {  	(tag) =	ssettag $0x1  }
0x1: {  	s1 =	srdreg.scid;
	s0 =	stileid.u32  }
0x2: {  	s22 =	sand.u32 $0x1, s1;
	s28 =	sshll.u32 s0, $0x1  }
0x3: {  	s2 =	rddreg [dreg:$0x0];
	s10 =	sor.u32 s22, s28  }
0x4: {  	s11 =	rddreg [dreg:$0x1];
	s18 =	smul.u32 $0x3E8, s10  }
0x5: {  	s3 =	simm.s32 $0x0;
	s1 =	rddreg [dreg:$0x2];
	s4 =	smul.u32 $0x7D, s10  }
0x6: {  	[smem:$0x7FF] =	sst s3;
	s19 =	sadd.s32 $0x3C00, s11;
	s15 =	sadd.s32 $0x7D00, s18  }
0x7: {  	_ =	strace $0x80000047;
	s4 =	sadd.s32 s19, s4;
	s5 =	sshrl.u32 s15, $0x3  }
0x8: {  	[tilespmem:s3], [sflag:$0x1] =	stream.linear.gather [hbm4b:s4+s3], $0x3E8, $0x38;
	[tilespmem:$0x101D0] =	vst v63  }
0x9: {  	s6 =	simm.s32 $0x3E8;
	s7 =	simm.s32 $0x1;
	s5 =	sadd.s32 s19, s5  }
0xa: {  	[tilespmem:s6], [sflag:$0x2] =	stream.linear.gather [hbm4b:s5+s3], $0x3E8, $0x38;
	[tilespmem:$0x101D0] =	vst v63  }
0xb: {  	_ =	swait.ge [sflag:s7], $0x3E8  }
0xc: {  	[sflag:s7] =	ssyncset.done $0x0  }
0xd: {  	s8 =	simm.s32 $0x7D0;
	s9 =	simm.s32 $0x3;
	[sflag:s7] =	ssyncadd.s32 $0xFFFFFC18  }
0xe: {  	[tilespmem:s8], [sflag:$0x3] =	stream.indirect.gather [hbm4b:s2+s6], $0x20, s3, s6, $0xb8;
	[tilespmem:$0x101D0] =	vst v63  }
0xf: {  	s10 =	smul.u32 $0xFA0, s10;
	_ =	swait.ge [sflag:s9], $0x7D00  }
0x10: {  	s23 =	sadd.s32 $0xDC00, s11;
	s20 =	sadd.s32 $0xFA00, s18;
	[sflag:s9] =	ssyncset.done $0x0  }
0x11: {  	s10 =	sadd.s32 s23, s10;
	s29 =	sshrl.u32 s20, $0x3;
	[sflag:s9] =	ssyncadd.s32 $0xFFFF8300  }
0x12: {  	[hbm4b:s10+s3] =	stream.linear.scatter [tilespmem:s8], [sflag:$0x5], $0x7D00, $0x38;
	[tilespmem:$0x101D0] =	vst v63  }
0x13: {  	s12 =	simm.s32 $0x2;
	s11 =	sadd.s32 s19, s29  }
0x14: {  	[tilespmem:s3], [sflag:$0x1] =	stream.linear.gather [hbm4b:s11+s3], $0x3E8, $0x38;
	[tilespmem:$0x101D0] =	vst v63  }
0x15: {  	_ =	swait.ge [sflag:s12], $0x3E8  }
0x16: {  	[sflag:s12] =	ssyncset.done $0x0  }
0x17: {  	s13 =	simm.s32 $0x84D0;
	s14 =	simm.s32 $0x4;
	[sflag:s12] =	ssyncadd.s32 $0xFFFFFC18  }
0x18: {  	[tilespmem:s13], [sflag:$0x4] =	stream.indirect.gather [hbm4b:s2+s6], $0x20, s6, s6, $0xb8;
	[tilespmem:$0x101D0] =	vst v63  }
0x19: {  	_ =	swait.ge [sflag:s14], $0x7D00  }
0x1a: {  	s21 =	sadd.s32 $0x17700, s18;
	s15 =	sshll.u32 s15, $0x2;
	[sflag:s14] =	ssyncset.done $0x0  }
0x1b: {  	s16 =	sshrl.u32 s21, $0x3;
	s15 =	sadd.s32 s23, s15;
	[sflag:s14] =	ssyncadd.s32 $0xFFFF8300  }
0x1c: {  	[hbm4b:s15+s3] =	stream.linear.scatter [tilespmem:s13], [sflag:$0x6], $0x7D00, $0x38;
	[tilespmem:$0x101D0] =	vst v63  }
0x1d: {  	s16 =	sadd.s32 s19, s16  }
0x1e: {  	[tilespmem:s6], [sflag:$0x2] =	stream.linear.gather [hbm4b:s16+s3], $0x3E8, $0x38;
	[tilespmem:$0x101D0] =	vst v63  }
0x1f: {  	_ =	swait.ge [sflag:s7], $0x3E8  }
0x20: {  	[sflag:s7] =	ssyncset.done $0x0  }
0x21: {  	s17 =	simm.s32 $0x5;
	[sflag:s7] =	ssyncadd.s32 $0xFFFFFC18  }
0x22: {  	_ =	swait.ge [sflag:s17], $0x7D00  }
0x23: {  	[sflag:s17] =	ssyncset.done $0x0  }
0x24: {  	[sflag:s17] =	ssyncadd.s32 $0xFFFF8300  }
0x25: {  	[tilespmem:s8], [sflag:$0x3] =	stream.indirect.gather [hbm4b:s2+s6], $0x20, s3, s6, $0xb8;
	[tilespmem:$0x101D0] =	vst v63  }
0x26: {  	_ =	swait.ge [sflag:s9], $0x7D00  }
0x27: {  	s24 =	sadd.s32 $0x1F400, s18;
	s20 =	sshll.u32 s20, $0x2;
	[sflag:s9] =	ssyncset.done $0x0  }
0x28: {  	s30 =	sshrl.u32 s24, $0x3;
	s18 =	sadd.s32 s23, s20;
	[sflag:s9] =	ssyncadd.s32 $0xFFFF8300  }
0x29: {  	[hbm4b:s18+s3] =	stream.linear.scatter [tilespmem:s8], [sflag:$0x5], $0x7D00, $0x38;
	[tilespmem:$0x101D0] =	vst v63  }
0x2a: {  	s19 =	sadd.s32 s19, s30  }
0x2b: {  	[tilespmem:s3], [sflag:$0x1] =	stream.linear.gather [hbm4b:s19+s3], $0x3E8, $0x38;
	[tilespmem:$0x101D0] =	vst v63  }
0x2c: {  	_ =	swait.ge [sflag:s12], $0x3E8  }
0x2d: {  	[sflag:s12] =	ssyncset.done $0x0  }
0x2e: {  	s20 =	simm.s32 $0x6;
	[sflag:s12] =	ssyncadd.s32 $0xFFFFFC18  }
0x2f: {  	_ =	swait.ge [sflag:s20], $0x7D00  }
0x30: {  	[sflag:s20] =	ssyncset.done $0x0  }
0x31: {  	[sflag:s20] =	ssyncadd.s32 $0xFFFF8300  }
0x32: {  	[tilespmem:s13], [sflag:$0x4] =	stream.indirect.gather [hbm4b:s2+s6], $0x20, s6, s6, $0xb8;
	[tilespmem:$0x101D0] =	vst v63  }
0x33: {  	_ =	swait.ge [sflag:s14], $0x7D00  }
0x34: {  	s21 =	sshll.u32 s21, $0x2;
	[sflag:s14] =	ssyncset.done $0x0  }
0x35: {  	s21 =	sadd.s32 s23, s21;
	[sflag:s14] =	ssyncadd.s32 $0xFFFF8300  }
0x36: {  	[hbm4b:s21+s3] =	stream.linear.scatter [tilespmem:s13], [sflag:$0x6], $0x7D00, $0x38;
	[tilespmem:$0x101D0] =	vst v63  }
0x37: {  	_ =	swait.ge [sflag:s7], $0x3E8  }
0x38: {  	[sflag:s7] =	ssyncset.done $0x0  }
0x39: {  	[sflag:s7] =	ssyncadd.s32 $0xFFFFFC18  }
0x3a: {  	_ =	swait.ge [sflag:s17], $0x7D00  }
0x3b: {  	s25 =	ssub.s32 $0x2, s22;
	[sflag:s17] =	ssyncset.done $0x0  }
0x3c: {  	s31 =	sshrl.u32 s25, $0x1;
	s24 =	sshll.u32 s24, $0x2;
	[sflag:s17] =	ssyncadd.s32 $0xFFFF8300  }
0x3d: {  	[tilespmem:s8], [sflag:$0x3] =	stream.indirect.gather [hbm4b:s2+s6], $0x20, s3, s6, $0xb8;
	[tilespmem:$0x101D0] =	vst v63  }
0x3e: {  	s22 =	sadd.s32 s23, s24;
	s23 =	ssub.s32 s25, s31;
	_ =	swait.ge [sflag:s9], $0x7D00  }
0x3f: {  	s23 =	smax.u32 s23, $0x1;
	[sflag:s9] =	ssyncset.done $0x0  }
0x40: {  	p0 =	sne.s32 s23, $0x1;
	[sflag:s9] =	ssyncadd.s32 $0xFFFF8300  }
0x41: {  	[hbm4b:s22+s3] =	stream.linear.scatter [tilespmem:s8], [sflag:$0x5], $0x7D00, $0x38;
	[tilespmem:$0x101D0] =	vst v63  }
.Ltmp0:
0x42: {  	_ =	swait.ge [sflag:s20], $0x7D00;
	(pc) =	sbr.rel @!p0 .LBB2_2-.Ltmp0, $4  }
0x43: {  	[sflag:s20] =	ssyncset.done $0x0  }
0x44: {  	[sflag:s20] =	ssyncadd.s32 $0xFFFF8300  }
0x45: {  	_ =	swait.ge [sflag:s17], $0x7D00  }
0x46: {  	s23 =	sadd.s32 $0xFFFFFFFF, s23;
	[sflag:s17] =	ssyncset.done $0x0  }
.LBB2_1:
0x47: {  	p0 =	sne.s32 s23, $0x1;
	s23 =	sadd.s32 $0xFFFFFFFF, s23;
	[sflag:s17] =	ssyncadd.s32 $0xFFFF8300  }
0x48: {  	[tilespmem:s3], [sflag:$0x1] =	stream.linear.gather [hbm4b:s4+s3], $0x3E8, $0x38;
	[tilespmem:$0x101D0] =	vst v63  }
0x49: {  	_ = 	snop  }
0x4a: {  	[tilespmem:s6], [sflag:$0x2] =	stream.linear.gather [hbm4b:s5+s3], $0x3E8, $0x38;
	[tilespmem:$0x101D0] =	vst v63  }
0x4b: {  	_ =	swait.ge [sflag:s7], $0x3E8  }
0x4c: {  	[sflag:s7] =	ssyncset.done $0x0  }
0x4d: {  	[sflag:s7] =	ssyncadd.s32 $0xFFFFFC18  }
0x4e: {  	[tilespmem:s8], [sflag:$0x3] =	stream.indirect.gather [hbm4b:s2+s6], $0x20, s3, s6, $0xb8;
	[tilespmem:$0x101D0] =	vst v63  }
0x4f: {  	_ =	swait.ge [sflag:s9], $0x7D00  }
0x50: {  	[sflag:s9] =	ssyncset.done $0x0  }
0x51: {  	[sflag:s9] =	ssyncadd.s32 $0xFFFF8300  }
0x52: {  	[hbm4b:s10+s3] =	stream.linear.scatter [tilespmem:s8], [sflag:$0x5], $0x7D00, $0x38;
	[tilespmem:$0x101D0] =	vst v63  }
0x53: {  	_ = 	snop  }
0x54: {  	[tilespmem:s3], [sflag:$0x1] =	stream.linear.gather [hbm4b:s11+s3], $0x3E8, $0x38;
	[tilespmem:$0x101D0] =	vst v63  }
0x55: {  	_ =	swait.ge [sflag:s12], $0x3E8  }
0x56: {  	[sflag:s12] =	ssyncset.done $0x0  }
0x57: {  	[sflag:s12] =	ssyncadd.s32 $0xFFFFFC18  }
0x58: {  	[tilespmem:s13], [sflag:$0x4] =	stream.indirect.gather [hbm4b:s2+s6], $0x20, s6, s6, $0xb8;
	[tilespmem:$0x101D0] =	vst v63  }
0x59: {  	_ =	swait.ge [sflag:s14], $0x7D00  }
0x5a: {  	[sflag:s14] =	ssyncset.done $0x0  }
0x5b: {  	[sflag:s14] =	ssyncadd.s32 $0xFFFF8300  }
0x5c: {  	[hbm4b:s15+s3] =	stream.linear.scatter [tilespmem:s13], [sflag:$0x6], $0x7D00, $0x38;
	[tilespmem:$0x101D0] =	vst v63  }
0x5d: {  	_ = 	snop  }
0x5e: {  	[tilespmem:s6], [sflag:$0x2] =	stream.linear.gather [hbm4b:s16+s3], $0x3E8, $0x38;
	[tilespmem:$0x101D0] =	vst v63  }
0x5f: {  	_ =	swait.ge [sflag:s7], $0x3E8  }
0x60: {  	[sflag:s7] =	ssyncset.done $0x0  }
0x61: {  	[sflag:s7] =	ssyncadd.s32 $0xFFFFFC18  }
0x62: {  	_ =	swait.ge [sflag:s17], $0x7D00  }
0x63: {  	[sflag:s17] =	ssyncset.done $0x0  }
0x64: {  	[sflag:s17] =	ssyncadd.s32 $0xFFFF8300  }
0x65: {  	[tilespmem:s8], [sflag:$0x3] =	stream.indirect.gather [hbm4b:s2+s6], $0x20, s3, s6, $0xb8;
	[tilespmem:$0x101D0] =	vst v63  }
0x66: {  	_ =	swait.ge [sflag:s9], $0x7D00  }
0x67: {  	[sflag:s9] =	ssyncset.done $0x0  }
0x68: {  	[sflag:s9] =	ssyncadd.s32 $0xFFFF8300  }
0x69: {  	[hbm4b:s18+s3] =	stream.linear.scatter [tilespmem:s8], [sflag:$0x5], $0x7D00, $0x38;
	[tilespmem:$0x101D0] =	vst v63  }
0x6a: {  	_ = 	snop  }
0x6b: {  	[tilespmem:s3], [sflag:$0x1] =	stream.linear.gather [hbm4b:s19+s3], $0x3E8, $0x38;
	[tilespmem:$0x101D0] =	vst v63  }
0x6c: {  	_ =	swait.ge [sflag:s12], $0x3E8  }
0x6d: {  	[sflag:s12] =	ssyncset.done $0x0  }
0x6e: {  	[sflag:s12] =	ssyncadd.s32 $0xFFFFFC18  }
0x6f: {  	_ =	swait.ge [sflag:s20], $0x7D00  }
0x70: {  	[sflag:s20] =	ssyncset.done $0x0  }
0x71: {  	[sflag:s20] =	ssyncadd.s32 $0xFFFF8300  }
0x72: {  	[tilespmem:s13], [sflag:$0x4] =	stream.indirect.gather [hbm4b:s2+s6], $0x20, s6, s6, $0xb8;
	[tilespmem:$0x101D0] =	vst v63  }
0x73: {  	_ =	swait.ge [sflag:s14], $0x7D00  }
0x74: {  	[sflag:s14] =	ssyncset.done $0x0  }
0x75: {  	[sflag:s14] =	ssyncadd.s32 $0xFFFF8300  }
0x76: {  	[hbm4b:s21+s3] =	stream.linear.scatter [tilespmem:s13], [sflag:$0x6], $0x7D00, $0x38;
	[tilespmem:$0x101D0] =	vst v63  }
0x77: {  	_ =	swait.ge [sflag:s7], $0x3E8  }
0x78: {  	[sflag:s7] =	ssyncset.done $0x0  }
0x79: {  	[sflag:s7] =	ssyncadd.s32 $0xFFFFFC18  }
0x7a: {  	_ =	swait.ge [sflag:s17], $0x7D00  }
0x7b: {  	[sflag:s17] =	ssyncset.done $0x0  }
0x7c: {  	[sflag:s17] =	ssyncadd.s32 $0xFFFF8300  }
0x7d: {  	[tilespmem:s8], [sflag:$0x3] =	stream.indirect.gather [hbm4b:s2+s6], $0x20, s3, s6, $0xb8;
	[tilespmem:$0x101D0] =	vst v63  }
0x7e: {  	_ =	swait.ge [sflag:s9], $0x7D00  }
0x7f: {  	[sflag:s9] =	ssyncset.done $0x0  }
0x80: {  	[sflag:s9] =	ssyncadd.s32 $0xFFFF8300  }
0x81: {  	[hbm4b:s22+s3] =	stream.linear.scatter [tilespmem:s8], [sflag:$0x5], $0x7D00, $0x38;
	[tilespmem:$0x101D0] =	vst v63  }
.Ltmp1:
0x82: {  	_ =	swait.ge [sflag:s20], $0x7D00;
	(pc) =	sbr.rel @p0 .LBB2_1-.Ltmp1, $4  }
0x83: {  	[sflag:s20] =	ssyncset.done $0x0  }
0x84: {  	[sflag:s20] =	ssyncadd.s32 $0xFFFF8300  }
0x85: {  	_ =	swait.ge [sflag:s17], $0x7D00  }
0x86: {  	[sflag:s17] =	ssyncset.done $0x0  }
.LBB2_2:
0x87: {  	[sflag:s17] =	ssyncadd.s32 $0xFFFF8300  }
0x88: {  	_ =	sfence.sel $0x180000  }
0x89: {  	[bflag:$0x0] =	sbarrier.arrive $0xFFFF  }
0x8a: {  	p0 =	sne.s32 s0, $0x0;
	_ =	strace $0x90000047  }
0x8b: {  	s0 =	sadd.s32 @!p0 $0x100000, s1;
	[bflag:$0x2] =	sbarrier.arrive $0xFFFF  }
0x8c: {  	[sflag:s0] =	ssyncadd.tile.s32 @!p0 $0x1;
	_ =	shalt  }
.Lfunc_end2:
_tile_overlayer_lowered:
.L_overlay_start_2:
0x8d: {  	(tag) =	ssettag $0x2  }
0x8e: {  	s0 =	rddreg [dreg:$0x0];
	s2 =	stileid.u32  }
0x8f: {  	s1 =	rddreg [dreg:$0x1];
	p0 =	sne.s32 s2, $0x0  }
0x90: {  	s3 =	rddreg [dreg:$0x2];
	[bflag:$0x3] =	sbarrier.arrive $0xFFFF;
	s2 =	simm.s32 @!p0 $0x1C07  }
0x91: {  	[timem:s3], [sflag:s2] =	dma.local @!p0 [hbm:s0], s1  }
0x92: {  	s0 =	simm.s32 @!p0 $0x7  }
0x93: {  	_ =	swait.ge @!p0 [sflag:s0], s1  }
0x94: {  	s1 =	ssub.s32 @!p0 $0x0, s1;
	[sflag:s0] =	ssyncset.done @!p0 $0x0  }
0x95: {  	[sflag:s0] =	ssyncadd.s32 @!p0 s1  }
0x96: {  	[bflag:$0x3] =	sbarrier.arrive $0xFFFF  }
0x97: {  	_ =	shalt  }

// kernel: kernel.14.cloned.1.call-start
scs
__scs_entry_jumppad:
0x0: {  	(pc) =	sbr.rel $0x88, $3  }
0x1: {  	(tag) =	ssettag $0x0;
	lr =	simm.s32 $0x1  }
0x2: {  	[smem:$0x3F90] =	sst lr;
	_ =	strace $0xD0000000  }
0x3: {  	_ = 	snop  }
0x4: {  	_ = 	snop  }
0x5: {  	_ = 	snop  }
0x6: {  	_ = 	snop  }
0x7: {  	_ = 	snop  }
__scs_overlays_trampoline_lowered:
0x8: {  	[smem:$0x3F9F] =	sst s0  }
0x9: {  	[smem:$0x3FA0] =	sst s1  }
0xa: {  	[smem:$0x3FA1] =	sst s2  }
0xb: {  	[smem:$0x3FA2] =	sst s3  }
0xc: {  	[smem:$0x3FA3] =	sst s4  }
0xd: {  	[smem:$0x3FA4] =	sst s5  }
0xe: {  	[smem:$0x3FA5] =	sst s6  }
0xf: {  	[smem:$0x3FA6] =	sst s7  }
0x10: {  	[smem:$0x3FA7] =	sst s8  }
0x11: {  	[smem:$0x3FA8] =	sst s9;
	s0 =	simm.s32 @!p0 $0x0  }
0x12: {  	s1 =	sld [smem:$0x3F8E];
	s0 =	simm.s32 @p0 $0x1  }
0x13: {  	[smem:$0x3FA9] =	sst s0;
	s0 =	simm.s32 @!p1 $0x0  }
0x14: {  	s2 =	sld [smem:$0x3F8D];
	s0 =	simm.s32 @p1 $0x1  }
0x15: {  	[smem:$0x3FAA] =	sst s0;
	s0 =	simm.s32 @!p2 $0x0  }
0x16: {  	s3 =	sld [smem:$0x3FDB];
	s0 =	simm.s32 @p2 $0x1  }
0x17: {  	s4 =	simm.s32 $0x1BF5;
	[smem:$0x3FAC] =	sst s0  }
0x18: {  	s0 =	sld [smem:$0x3F8F];
	_ =	swait.ge [sflag:s4], $0x0  }
0x19: {  	s7 =	sld [smem:$0x3F90]  }
0x1a: {  	s8 =	sadd.s32 $0xFFFFE003, lr  }
0x1b: {  	s9 =	sadd.s32 $0xFFFFFEF7, lr;
	s5 =	simm.s32 $0xFFFFFFFF;
	p2 =	slt.u32 s8, $0xFFFFF086  }
0x1c: {  	p1 =	slt.u32 s9, $0xF7A;
	s5 =	simm.s32 @!p2 $0x0  }
0x1d: {  	s5 =	simm.s32 @p1 $0x1;
	p0 =	seq.s32 s7, s2  }
0x1e: {  	s7 =	smul.u32 @!p0 $0xF7A, s2;
	p2 =	seq.s32 @!p0 s5, $0x0  }
0x1f: {  	s9 =	smul.u32 $0xF7A, s1;
	s8 =	simm.s32 @!p0 $0x1BF5;
	p2 =	por !p2, p0  }
0x20: {  	[sflag:s8] =	ssyncset.s32 @!p0 $0xFFFFF086;
	s6 =	sadd.s32 @!p0 s3, s7;
	s7 =	simm.s32 @!p0 $0x108  }
0x21: {  	s3 =	sadd.s32 s3, s9;
	s6 =	sadd.s32 @!p0 $0x88, s6;
	s7 =	simm.s32 @p2 $0x1082  }
0x22: {  	[simem:s7], [sflag:s8] =	dma.local @!p0 [hbm:s6], $0xF7A  }
0x23: {  	s9 =	sor.u32 $0xD0000000, s2;
	s6 =	simm.s32 $0x108;
	_ =	swait.ge @!p0 [sflag:s8], $0x0  }
0x24: {  	s3 =	sadd.s32 $0x88, s3;
	s6 =	simm.s32 @!p1 $0x1082;
	[sflag:s4] =	ssyncset.s32 $0xFFFFF086  }
0x25: {  	[simem:s6], [sflag:s4] =	dma.local [hbm:s3], $0xF7A  }
0x26: {  	[smem:$0x3F90] =	sst s1;
	(tag) =	ssettag s2;
	_ =	strace s9  }
0x27: {  	s1 =	sld [smem:$0x3FA0]  }
0x28: {  	s2 =	sld [smem:$0x3FA1]  }
0x29: {  	s4 =	sld [smem:$0x3FA3]  }
0x2a: {  	p0 =	seq.s32 s5, $0x0;
	s5 =	sld [smem:$0x3FA4]  }
0x2b: {  	s6 =	sld [smem:$0x3FA5]  }
0x2c: {  	s7 =	sld [smem:$0x3FA6]  }
0x2d: {  	s3 =	simm.s32 $0x108;
	s8 =	sld [smem:$0x3FA7]  }
0x2e: {  	s3 =	simm.s32 @!p0 $0x1082;
	s9 =	sld [smem:$0x3FA8]  }
0x2f: {  	lr =	sadd.s32 s0, s3;
	s0 =	sld [smem:$0x3F9F]  }
0x30: {  	s3 =	sld [smem:$0x3FA2]  }
0x31: {  	[smem:$0x3FAB] =	sst s10  }
0x32: {  	s10 =	sld [smem:$0x3FA9];
	_ =	sdelay $0x3  }
0x33: {  	p0 =	seq.s32 s10, $0x1;
	s10 =	sld [smem:$0x3FAB];
	_ =	sdelay $0x3  }
0x34: {  	[smem:$0x3FAB] =	sst s10  }
0x35: {  	s10 =	sld [smem:$0x3FAA];
	_ =	sdelay $0x3  }
0x36: {  	p1 =	seq.s32 s10, $0x1;
	s10 =	sld [smem:$0x3FAB];
	_ =	sdelay $0x3  }
0x37: {  	[smem:$0x3FAB] =	sst s10  }
0x38: {  	s10 =	sld [smem:$0x3FAC]  }
0x39: {  	_ = 	snop;
	(pc) =	sbr.ind lr, $3  }
0x3a: {  	_ = 	snop  }
0x3b: {  	_ = 	snop  }
0x3c: {  	p2 =	seq.s32 s10, $0x1;
	s10 =	sld [smem:$0x3FAB]  }
0x3d: {  	_ =	shalt  }
0x3e: {  	_ =	shalt  }
0x3f: {  	_ =	shalt  }
0x40: {  	_ =	shalt  }
0x41: {  	_ =	shalt  }
0x42: {  	_ =	shalt  }
0x43: {  	_ =	shalt  }
0x44: {  	_ =	shalt  }
0x45: {  	_ =	shalt  }
0x46: {  	_ =	shalt  }
0x47: {  	_ =	shalt  }
0x48: {  	_ =	shalt  }
0x49: {  	_ =	shalt  }
0x4a: {  	_ =	shalt  }
0x4b: {  	_ =	shalt  }
0x4c: {  	_ =	shalt  }
0x4d: {  	_ =	shalt  }
0x4e: {  	_ =	shalt  }
0x4f: {  	_ =	shalt  }
0x50: {  	_ =	shalt  }
0x51: {  	_ =	shalt  }
0x52: {  	_ =	shalt  }
0x53: {  	_ =	shalt  }
0x54: {  	_ =	shalt  }
0x55: {  	_ =	shalt  }
0x56: {  	_ =	shalt  }
0x57: {  	_ =	shalt  }
0x58: {  	_ =	shalt  }
0x59: {  	_ =	shalt  }
0x5a: {  	_ =	shalt  }
0x5b: {  	_ =	shalt  }
0x5c: {  	_ =	shalt  }
0x5d: {  	_ =	shalt  }
0x5e: {  	_ =	shalt  }
0x5f: {  	_ =	shalt  }
0x60: {  	_ =	shalt  }
0x61: {  	_ =	shalt  }
0x62: {  	_ =	shalt  }
0x63: {  	_ =	shalt  }
0x64: {  	_ =	shalt  }
0x65: {  	_ =	shalt  }
0x66: {  	_ =	shalt  }
0x67: {  	_ =	shalt  }
0x68: {  	_ =	shalt  }
0x69: {  	_ =	shalt  }
0x6a: {  	_ =	shalt  }
0x6b: {  	_ =	shalt  }
0x6c: {  	_ =	shalt  }
0x6d: {  	_ =	shalt  }
0x6e: {  	_ =	shalt  }
0x6f: {  	_ =	shalt  }
0x70: {  	_ =	shalt  }
0x71: {  	_ =	shalt  }
0x72: {  	_ =	shalt  }
0x73: {  	_ =	shalt  }
0x74: {  	_ =	shalt  }
0x75: {  	_ =	shalt  }
0x76: {  	_ =	shalt  }
0x77: {  	_ =	shalt  }
0x78: {  	_ =	shalt  }
0x79: {  	_ =	shalt  }
0x7a: {  	_ =	shalt  }
0x7b: {  	_ =	shalt  }
0x7c: {  	_ =	shalt  }
0x7d: {  	_ =	shalt  }
0x7e: {  	_ =	shalt  }
0x7f: {  	_ =	shalt  }
0x80: {  	_ =	shalt  }
0x81: {  	_ =	shalt  }
0x82: {  	_ =	shalt  }
0x83: {  	_ =	shalt  }
0x84: {  	_ =	shalt  }
0x85: {  	_ =	shalt  }
0x86: {  	_ =	shalt  }
0x87: {  	_ =	shalt  }
.Lfunc_end0:
.L_simem_size_0:
called_computation.1_lowered:
.L_overlay_start_0:
0x88: {  	s2 =	sld [smem:$0x3FD9]  }
0x89: {  	s3 =	sld [smem:$0x3FFE];
	_ =	sdelay $0x1  }
0x8a: {  	s1 =	srdreg.scid  }
0x8b: {  	s0 =	sand.u32 $0x1, s1  }
0x8c: {  	s17 =	sshll.u32 s0, $0xA;
	s2 =	sadd.s32 s3, s2  }
0x8d: {  	s2 =	sadd.s32 s2, s17  }
0x8e: {  	[smem:$0x3FB7] =	sst s2  }
0x8f: {  	_ = 	snop  }
0x90: {  	s2 =	sld [smem:$0x3FD0];
	(tm) =	ssettm $0x1  }
0x91: {  	s18 =	sld [smem:$0x3FFB];
	_ =	sdelay $0x3  }
0x92: {  	_ =	strace s18  }
0x93: {  	s3 =	sld [smem:$0x3FFC];
	_ =	sdelay $0x3  }
0x94: {  	_ =	strace s3  }
0x95: {  	s3 =	sld [smem:$0x3FFD];
	_ =	sdelay $0x3  }
0x96: {  	_ =	strace s3  }
0x97: {  	_ =	strace $0x8FFFFFFF  }
0x98: {  	s19 =	sld [smem:$0x3FDB];
	_ =	sdelay $0x1  }
0x99: {  	s4 =	simm.s32 $_scs_section_size  }
0x9a: {  	s5 =	simm.s32 $_size__tile_overlayer_lowered;
	s6 =	simm.s32 $_tile_overlayer_lowered  }
0x9b: {  	s22 =	simm.s32 $0x1BFF;
	s21 =	sshll.u32 s6, $0x1;
	s3 =	sadd.s32 s4, s19  }
0x9c: {  	s7 =	simm.s32 $0x0;
	s20 =	sshll.u32 s5, $0x1;
	s5 =	sadd.s32 s21, s3  }
0x9d: {  	[timem:s7], [sflag:s22] =	dma.local [hbm:s5], s20  }
0x9e: {  	_ =	swait.ge [sflag:s22], s20  }
0x9f: {  	s4 =	ssub.s32 $0x0, s20;
	[sflag:s22] =	ssyncset.done $0x0  }
0xa0: {  	[sflag:s22] =	ssyncadd.s32 s4;
	_ =	sdelay $0x1  }
0xa1: {  	s23 =	simm.s32 $0x1B8B  }
0xa2: {  	_ =	swait.ge [sflag:s23], $0x1  }
0xa3: {  	[sflag:s23] =	ssyncset.done $0x0  }
0xa4: {  	s25 =	simm.s32 $0x1B8E;
	s24 =	sld [smem:$0x3FFE];
	[sflag:s23] =	ssyncadd.s32 $0xFFFFFFFF  }
0xa5: {  	s26 =	simm.s32 $execute0_lowered;
	[smem:$0x3FD2] =	sst s25  }
0xa6: {  	s5 =	sshll.u32 s26, $0x1;
	_ =	strace $0x80000049;
	[dreg:$0x1] =	wrdreg $0xFFFFFFFF  }
0xa7: {  	s28 =	simm.s32 $_size_execute0_lowered;
	s3 =	sadd.s32 s3, s5;
	[dreg:$0x0] =	wrdreg $0x0  }
0xa8: {  	s5 =	sshll.u32 s28, $0x1;
	[dreg:$0x2] =	wrdreg s3  }
0xa9: {  	[dreg:$0x3] =	wrdreg s5  }
0xaa: {  	[dreg:$0x4] =	wrdreg $0xC0  }
0xab: {  	_ =	task [dreg:s7], $0x5FFFF  }
0xac: {  	[dreg:$0x1] =	wrdreg $0xFFFFFFFF  }
0xad: {  	[dreg:$0x0] =	wrdreg $0x60  }
0xae: {  	[dreg:$0x2] =	wrdreg s24  }
0xaf: {  	[dreg:$0x3] =	wrdreg s2  }
0xb0: {  	[dreg:$0x4] =	wrdreg $0x101D00  }
0xb1: {  	[dreg:$0x5] =	wrdreg $0x18E700  }
0xb2: {  	[dreg:$0x6] =	wrdreg $0x9  }
0xb3: {  	_ =	task.clear_ibuf [dreg:s7], $0x7FFFF;
	_ =	strace $0x90000049  }
0xb4: {  	s29 =	simm.s32 $0x9;
	_ =	strace $0x8000004B  }
0xb5: {  	_ =	swait.ge [sflag:s29], $0x1  }
0xb6: {  	[sflag:s29] =	ssyncadd.s32 $0xFFFFFFFF  }
0xb7: {  	_ =	strace $0x9000004B  }
0xb8: {  	_ =	sfence  }
0xb9: {  	s30 =	sld [smem:$0x0];
	_ =	sdelay $0x2  }
0xba: {  	s31 =	sshll.u32 s1, $0xD;
	s1 =	sshrl.u32 s1, $0x2  }
0xbb: {  	s3 =	sand.u32 $0x4000, s31;
	s1 =	sadd.s32 s1, s30  }
0xbc: {  	s0 =	sor.u32 s3, s0;
	s1 =	sshll.u32 s1, $0x11  }
0xbd: {  	s0 =	sor.u32 s1, s0  }
0xbe: {  	s0 =	sadd.s32 $0x8F2B, s0  }
0xbf: {  	[sflag:s0] =	ssyncadd.remote.s32 $0x1  }
0xc0: {  	_ =	sfence.sel $0xFFFF  }
0xc1: {  	[dreg:$0x0] =	wrdreg $0xFFFFFFFF;
	(pc) =	sbr.abs _section_cstart, $3  }
0xc2: {  	[dreg:$0x1] =	wrdreg $0xFFFFFFFF  }
0xc3: {  	_ =	task.clear_ibuf [dreg:s7], $0x2FFFF;
	_ =	strace $0x9FFFFFFF  }
0xc4: {  	(tm) =	ssettm $0x7FFFFFFF  }
0xc5: {  	_ =	shalt  }
tec
execute0_lowered:
.L_overlay_start_1:
0x0: {  	(tag) =	ssettag $0x1  }
0x1: {  	s30 =	rddreg [dreg:$0x0]  }
0x2: {  	s1 =	rddreg [dreg:$0x2]  }
0x3: {  	s3 =	rddreg [dreg:$0x3];
	s4 =	simm.s32 $0x0;
	s11 =	stileid.u32  }
0x4: {  	[smem:$0x7FF] =	sst s4;
	s0 =	sadd.s32 $0xAA000, s30;
	s5 =	smul.u32 $0x4E20, s11  }
0x5: {  	_ =	strace $0x8000004A;
	[dreg:$0x5] =	wrdreg s0  }
0x6: {  	s25 =	sshll.u32 s11, $0x6;
	s9 =	smul.u32 $0x2710, s11;
	[dreg:$0x7] =	wrdreg s5  }
0x7: {  	s2 =	rddreg [dreg:$0x5];
	s6 =	sadd.s32 s5, s1;
	s5 =	sor.u32 $0x1C05, s25  }
0x8: {  	[dreg:$0x6] =	wrdreg s9;
	s7 =	sshrl.u32 s6, $0x3;
	s6 =	simm.s32 $0x5  }
0x9: {  	[spmem:s7], [sflag:s5] =	dma.local [hbm:s2], $0x9C4  }
0xa: {  	s26 =	srdreg.scid;
	_ =	swait.ge [sflag:s6], $0x9C4  }
0xb: {  	s8 =	sadd.s32 $0xAAA00, s30;
	s9 =	sadd.s32 s9, s3;
	[sflag:s6] =	ssyncset.done $0x0  }
0xc: {  	s9 =	sshrl.u32 s9, $0x3;
	s2 =	sand.u32 $0x1, s26;
	[sflag:s6] =	ssyncadd.s32 $0xFFFFF63C  }
0xd: {  	[spmem:s9], [sflag:s5] =	dma.local [hbm:s8], $0x4E2  }
0xe: {  	s0 =	smul.u32 $0x50, s2;
	_ =	swait.ge [sflag:s6], $0x4E2  }
0xf: {  	s10 =	sadd.s32 $0xAB000, s30;
	[sflag:s6] =	ssyncset.done $0x0  }
0x10: {  	s13 =	sor.u32 s11, s0;
	s11 =	simm.s32 $0x14FF0;
	[sflag:s6] =	ssyncadd.s32 $0xFFFFFB1E  }
0x11: {  	[tilespmem:s11], [sflag:$0x5] =	stream.linear.gather [hbm4b:s10+s4], $0x3E80, $0x38;
	[tilespmem:$0x1B580] =	vst v63  }
0x12: {  	s12 =	smul.u32 $0x7D, s13;
	_ =	swait.ge [sflag:s6], $0x3E80  }
0x13: {  	s28 =	sadd.s32 $0x8C00, s30;
	s0 =	smul.u32 $0x3E8, s13;
	[sflag:s6] =	ssyncset.done $0x0  }
0x14: {  	s29 =	sadd.s32 $0xDC00, s30;
	s13 =	smul.u32 $0xFA0, s13;
	[sflag:s6] =	ssyncadd.s32 $0xFFFFC180  }
0x15: {  	s12 =	sadd.s32 s28, s12;
	s16 =	sadd.s32 $0x3E80, s0;
	[bflag:$0x0] =	sbarrier.arrive $0xFFFF  }
0x16: {  	[tilespmem:s4], [sflag:$0x1] =	stream.linear.gather [hbm4b:s12+s4], $0x3E8, $0x38;
	[tilespmem:$0x1B580] =	vst v63  }
0x17: {  	s14 =	simm.s32 $0x7D0;
	s13 =	sadd.s32 s29, s13;
	s15 =	sshrl.u32 s16, $0x3  }
0x18: {  	[tilespmem:s14], [sflag:$0x3] =	stream.linear.gather [hbm4b:s13+s4], $0x7D00, $0x38;
	[tilespmem:$0x1B580] =	vst v63  }
0x19: {  	s17 =	sshll.u32 s16, $0x2;
	s16 =	simm.s32 $0x3E8;
	s15 =	sadd.s32 s28, s15  }
0x1a: {  	[tilespmem:s16], [sflag:$0x2] =	stream.linear.gather [hbm4b:s15+s4], $0x3E8, $0x38;
	[tilespmem:$0x1B580] =	vst v63  }
0x1b: {  	s18 =	simm.s32 $0x84D0;
	s19 =	simm.s32 $0x1;
	s17 =	sadd.s32 s29, s17  }
0x1c: {  	[tilespmem:s18], [sflag:$0x4] =	stream.linear.gather [hbm4b:s17+s4], $0x7D00, $0x38;
	[tilespmem:$0x1B580] =	vst v63  }
0x1d: {  	_ =	swait.ge [sflag:s19], $0x3E8  }
0x1e: {  	[sflag:s19] =	ssyncset.done $0x0  }
0x1f: {  	s20 =	simm.s32 $0x3;
	[sflag:s19] =	ssyncadd.s32 $0xFFFFFC18  }
0x20: {  	_ =	swait.ge [sflag:s20], $0x7D00  }
0x21: {  	[sflag:s20] =	ssyncset.done $0x0  }
0x22: {  	[sflag:s20] =	ssyncadd.s32 $0xFFFF8300  }
0x23: {  	[spmem:s1] =	stream.indirect.scatter.add.f32 [tilespmem:s14], [sflag:$0x5], $0x20, s4, s16, $0xb8;
	[tilespmem:$0x1B580] =	vst v63  }
0x24: {  	_ =	swait.ge [sflag:s6], $0x7D00  }
0x25: {  	[sflag:s6] =	ssyncset.done $0x0  }
0x26: {  	[sflag:s6] =	ssyncadd.s32 $0xFFFF8300  }
0x27: {  	[spmem:s3] =	stream.indirect.scatter.add.f32 [tilespmem:s11], [sflag:$0x5], $0x10, s4, s16, $0xb8;
	[tilespmem:$0x1B580] =	vst v63  }
0x28: {  	s22 =	sadd.s32 $0x7D00, s0;
	_ =	swait.ge [sflag:s6], $0x3E80  }
0x29: {  	s21 =	sshrl.u32 s22, $0x3;
	[sflag:s6] =	ssyncset.done $0x0  }
0x2a: {  	s22 =	sshll.u32 s22, $0x2;
	s21 =	sadd.s32 s28, s21;
	[sflag:s6] =	ssyncadd.s32 $0xFFFFC180  }
0x2b: {  	[tilespmem:s4], [sflag:$0x1] =	stream.linear.gather [hbm4b:s21+s4], $0x3E8, $0x38;
	[tilespmem:$0x1B580] =	vst v63  }
0x2c: {  	s23 =	simm.s32 $0x2;
	s22 =	sadd.s32 s29, s22  }
0x2d: {  	[tilespmem:s14], [sflag:$0x3] =	stream.linear.gather [hbm4b:s22+s4], $0x7D00, $0x38;
	[tilespmem:$0x1B580] =	vst v63  }
0x2e: {  	_ =	swait.ge [sflag:s23], $0x3E8  }
0x2f: {  	[sflag:s23] =	ssyncset.done $0x0  }
0x30: {  	s24 =	simm.s32 $0x4;
	[sflag:s23] =	ssyncadd.s32 $0xFFFFFC18  }
0x31: {  	_ =	swait.ge [sflag:s24], $0x7D00  }
0x32: {  	[sflag:s24] =	ssyncset.done $0x0  }
0x33: {  	[sflag:s24] =	ssyncadd.s32 $0xFFFF8300  }
0x34: {  	[spmem:s1] =	stream.indirect.scatter.add.f32 [tilespmem:s18], [sflag:$0x5], $0x20, s16, s16, $0xb8;
	[tilespmem:$0x1B580] =	vst v63  }
0x35: {  	_ =	swait.ge [sflag:s6], $0x7D00  }
0x36: {  	[sflag:s6] =	ssyncset.done $0x0  }
0x37: {  	[sflag:s6] =	ssyncadd.s32 $0xFFFF8300  }
0x38: {  	[spmem:s3] =	stream.indirect.scatter.add.f32 [tilespmem:s11], [sflag:$0x5], $0x10, s16, s16, $0xb8;
	[tilespmem:$0x1B580] =	vst v63  }
0x39: {  	s26 =	sadd.s32 $0xBB80, s0;
	_ =	swait.ge [sflag:s6], $0x3E80  }
0x3a: {  	s25 =	sshrl.u32 s26, $0x3;
	[sflag:s6] =	ssyncset.done $0x0  }
0x3b: {  	s26 =	sshll.u32 s26, $0x2;
	s25 =	sadd.s32 s28, s25;
	[sflag:s6] =	ssyncadd.s32 $0xFFFFC180  }
0x3c: {  	[tilespmem:s16], [sflag:$0x2] =	stream.linear.gather [hbm4b:s25+s4], $0x3E8, $0x38;
	[tilespmem:$0x1B580] =	vst v63  }
0x3d: {  	s26 =	sadd.s32 s29, s26  }
0x3e: {  	[tilespmem:s18], [sflag:$0x4] =	stream.linear.gather [hbm4b:s26+s4], $0x7D00, $0x38;
	[tilespmem:$0x1B580] =	vst v63  }
0x3f: {  	_ =	swait.ge [sflag:s19], $0x3E8  }
0x40: {  	[sflag:s19] =	ssyncset.done $0x0  }
0x41: {  	[sflag:s19] =	ssyncadd.s32 $0xFFFFFC18  }
0x42: {  	_ =	swait.ge [sflag:s20], $0x7D00  }
0x43: {  	[sflag:s20] =	ssyncset.done $0x0  }
0x44: {  	[sflag:s20] =	ssyncadd.s32 $0xFFFF8300  }
0x45: {  	[spmem:s1] =	stream.indirect.scatter.add.f32 [tilespmem:s14], [sflag:$0x5], $0x20, s4, s16, $0xb8;
	[tilespmem:$0x1B580] =	vst v63  }
0x46: {  	_ =	swait.ge [sflag:s6], $0x7D00  }
0x47: {  	[sflag:s6] =	ssyncset.done $0x0  }
0x48: {  	[sflag:s6] =	ssyncadd.s32 $0xFFFF8300  }
0x49: {  	[spmem:s3] =	stream.indirect.scatter.add.f32 [tilespmem:s11], [sflag:$0x5], $0x10, s4, s16, $0xb8;
	[tilespmem:$0x1B580] =	vst v63  }
0x4a: {  	s0 =	sadd.s32 $0xFA00, s0;
	_ =	swait.ge [sflag:s6], $0x3E80  }
0x4b: {  	s31 =	sshrl.u32 s0, $0x3;
	[sflag:s6] =	ssyncset.done $0x0  }
0x4c: {  	s0 =	sshll.u32 s0, $0x2;
	s28 =	sadd.s32 s28, s31;
	[sflag:s6] =	ssyncadd.s32 $0xFFFFC180  }
0x4d: {  	[tilespmem:s4], [sflag:$0x1] =	stream.linear.gather [hbm4b:s28+s4], $0x3E8, $0x38;
	[tilespmem:$0x1B580] =	vst v63  }
0x4e: {  	s29 =	sadd.s32 s29, s0  }
0x4f: {  	[tilespmem:s14], [sflag:$0x3] =	stream.linear.gather [hbm4b:s29+s4], $0x7D00, $0x38;
	[tilespmem:$0x1B580] =	vst v63  }
0x50: {  	_ =	swait.ge [sflag:s23], $0x3E8  }
0x51: {  	[sflag:s23] =	ssyncset.done $0x0  }
0x52: {  	[sflag:s23] =	ssyncadd.s32 $0xFFFFFC18  }
0x53: {  	_ =	swait.ge [sflag:s24], $0x7D00  }
0x54: {  	[sflag:s24] =	ssyncset.done $0x0  }
0x55: {  	[sflag:s24] =	ssyncadd.s32 $0xFFFF8300  }
0x56: {  	[spmem:s1] =	stream.indirect.scatter.add.f32 [tilespmem:s18], [sflag:$0x5], $0x20, s16, s16, $0xb8;
	[tilespmem:$0x1B580] =	vst v63  }
0x57: {  	_ =	swait.ge [sflag:s6], $0x7D00  }
0x58: {  	[sflag:s6] =	ssyncset.done $0x0  }
0x59: {  	[sflag:s6] =	ssyncadd.s32 $0xFFFF8300  }
0x5a: {  	[spmem:s3] =	stream.indirect.scatter.add.f32 [tilespmem:s11], [sflag:$0x5], $0x10, s16, s16, $0xb8;
	[tilespmem:$0x1B580] =	vst v63  }
0x5b: {  	_ =	swait.ge [sflag:s6], $0x3E80  }
0x5c: {  	[sflag:s6] =	ssyncset.done $0x0  }
0x5d: {  	[sflag:s6] =	ssyncadd.s32 $0xFFFFC180  }
0x5e: {  	_ =	swait.ge [sflag:s19], $0x3E8  }
0x5f: {  	[sflag:s19] =	ssyncset.done $0x0  }
0x60: {  	[sflag:s19] =	ssyncadd.s32 $0xFFFFFC18  }
0x61: {  	_ =	swait.ge [sflag:s20], $0x7D00  }
0x62: {  	[sflag:s20] =	ssyncset.done $0x0  }
0x63: {  	[sflag:s20] =	ssyncadd.s32 $0xFFFF8300  }
0x64: {  	[spmem:s1] =	stream.indirect.scatter.add.f32 [tilespmem:s14], [sflag:$0x5], $0x20, s4, s16, $0xb8;
	[tilespmem:$0x1B580] =	vst v63  }
0x65: {  	s0 =	smul.u32 $0x4E200, s2;
	_ =	swait.ge [sflag:s6], $0x7D00  }
0x66: {  	[sflag:s6] =	ssyncset.done $0x0;
	s31 =	rddreg [dreg:$0x7]  }
0x67: {  	s0 =	sadd.s32 s31, s0;
	[sflag:s6] =	ssyncadd.s32 $0xFFFF8300  }
0x68: {  	[spmem:s3] =	stream.indirect.scatter.add.f32 [tilespmem:s11], [sflag:$0x5], $0x10, s4, s16, $0xb8;
	[tilespmem:$0x1B580] =	vst v63  }
0x69: {  	s0 =	sshrl.u32 s0, $0x3;
	_ =	swait.ge [sflag:s6], $0x3E80  }
0x6a: {  	s0 =	sadd.s32 s0, s30;
	[sflag:s6] =	ssyncset.done $0x0  }
0x6b: {  	s30 =	sadd.s32 $0xAB800, s0;
	[sflag:s6] =	ssyncadd.s32 $0xFFFFC180  }
0x6c: {  	s0 =	ssub.s32 $0x2, s2;
	s2 =	smul.u32 $0x27100, s2;
	[bflag:$0x0] =	sbarrier.arrive $0xFFFF  }
0x6d: {  	[hbm:s30], [sflag:s5] =	dma.local [spmem:s7], $0x9C4  }
0x6e: {  	s31 =	rddreg [dreg:$0x6]  }
0x6f: {  	s2 =	sadd.s32 s31, s2;
	s31 =	sshrl.u32 s0, $0x1  }
0x70: {  	s0 =	ssub.s32 s0, s31  }
0x71: {  	s0 =	smax.u32 s0, $0x1  }
0x72: {  	_ =	swait.ge [sflag:s6], $0x9C4;
	p0 =	sne.s32 s0, $0x1  }
.Ltmp0:
0x73: {  	[sflag:s6] =	ssyncset.done $0x0;
	(pc) =	sbr.rel @!p0 .LBB2_2-.Ltmp0, $4  }
0x74: {  	s2 =	sshrl.u32 s2, $0x3;
	s31 =	rddreg [dreg:$0x1]  }
0x75: {  	[sflag:s6] =	ssyncadd.s32 $0xFFFFF63C;
	s31 =	sadd.s32 s31, s2  }
0x76: {  	[hbm:s31], [sflag:s5] =	dma.local [spmem:s9], $0x4E2  }
0x77: {  	s0 =	sadd.s32 $0xFFFFFFFF, s0;
	_ =	swait.ge [sflag:s6], $0x4E2  }
.LBB2_1:
0x78: {  	[sflag:s6] =	ssyncset.done $0x0  }
0x79: {  	s2 =	rddreg [dreg:$0x5];
	[sflag:s6] =	ssyncadd.s32 $0xFFFFFB1E  }
0x7a: {  	[spmem:s7], [sflag:s5] =	dma.local [hbm:s2], $0x9C4  }
0x7b: {  	_ =	swait.ge [sflag:s6], $0x9C4  }
0x7c: {  	[sflag:s6] =	ssyncset.done $0x0  }
0x7d: {  	[sflag:s6] =	ssyncadd.s32 $0xFFFFF63C  }
0x7e: {  	[spmem:s9], [sflag:s5] =	dma.local [hbm:s8], $0x4E2  }
0x7f: {  	_ =	swait.ge [sflag:s6], $0x4E2  }
0x80: {  	[sflag:s6] =	ssyncset.done $0x0  }
0x81: {  	[sflag:s6] =	ssyncadd.s32 $0xFFFFFB1E  }
0x82: {  	[tilespmem:s11], [sflag:$0x5] =	stream.linear.gather [hbm4b:s10+s4], $0x3E80, $0x38;
	[tilespmem:$0x1B580] =	vst v63  }
0x83: {  	_ =	swait.ge [sflag:s6], $0x3E80  }
0x84: {  	[sflag:s6] =	ssyncset.done $0x0  }
0x85: {  	[sflag:s6] =	ssyncadd.s32 $0xFFFFC180  }
0x86: {  	[bflag:$0x0] =	sbarrier.arrive $0xFFFF  }
0x87: {  	[tilespmem:s4], [sflag:$0x1] =	stream.linear.gather [hbm4b:s12+s4], $0x3E8, $0x38;
	[tilespmem:$0x1B580] =	vst v63  }
0x88: {  	_ = 	snop  }
0x89: {  	[tilespmem:s14], [sflag:$0x3] =	stream.linear.gather [hbm4b:s13+s4], $0x7D00, $0x38;
	[tilespmem:$0x1B580] =	vst v63  }
0x8a: {  	_ = 	snop  }
0x8b: {  	[tilespmem:s16], [sflag:$0x2] =	stream.linear.gather [hbm4b:s15+s4], $0x3E8, $0x38;
	[tilespmem:$0x1B580] =	vst v63  }
0x8c: {  	_ = 	snop  }
0x8d: {  	[tilespmem:s18], [sflag:$0x4] =	stream.linear.gather [hbm4b:s17+s4], $0x7D00, $0x38;
	[tilespmem:$0x1B580] =	vst v63  }
0x8e: {  	_ =	swait.ge [sflag:s19], $0x3E8  }
0x8f: {  	[sflag:s19] =	ssyncset.done $0x0  }
0x90: {  	[sflag:s19] =	ssyncadd.s32 $0xFFFFFC18  }
0x91: {  	_ =	swait.ge [sflag:s20], $0x7D00  }
0x92: {  	[sflag:s20] =	ssyncset.done $0x0  }
0x93: {  	[sflag:s20] =	ssyncadd.s32 $0xFFFF8300  }
0x94: {  	[spmem:s1] =	stream.indirect.scatter.add.f32 [tilespmem:s14], [sflag:$0x5], $0x20, s4, s16, $0xb8;
	[tilespmem:$0x1B580] =	vst v63  }
0x95: {  	_ =	swait.ge [sflag:s6], $0x7D00  }
0x96: {  	[sflag:s6] =	ssyncset.done $0x0  }
0x97: {  	[sflag:s6] =	ssyncadd.s32 $0xFFFF8300  }
0x98: {  	[spmem:s3] =	stream.indirect.scatter.add.f32 [tilespmem:s11], [sflag:$0x5], $0x10, s4, s16, $0xb8;
	[tilespmem:$0x1B580] =	vst v63  }
0x99: {  	_ =	swait.ge [sflag:s6], $0x3E80  }
0x9a: {  	[sflag:s6] =	ssyncset.done $0x0  }
0x9b: {  	[sflag:s6] =	ssyncadd.s32 $0xFFFFC180  }
0x9c: {  	[tilespmem:s4], [sflag:$0x1] =	stream.linear.gather [hbm4b:s21+s4], $0x3E8, $0x38;
	[tilespmem:$0x1B580] =	vst v63  }
0x9d: {  	_ = 	snop  }
0x9e: {  	[tilespmem:s14], [sflag:$0x3] =	stream.linear.gather [hbm4b:s22+s4], $0x7D00, $0x38;
	[tilespmem:$0x1B580] =	vst v63  }
0x9f: {  	_ =	swait.ge [sflag:s23], $0x3E8  }
0xa0: {  	[sflag:s23] =	ssyncset.done $0x0  }
0xa1: {  	[sflag:s23] =	ssyncadd.s32 $0xFFFFFC18  }
0xa2: {  	_ =	swait.ge [sflag:s24], $0x7D00  }
0xa3: {  	[sflag:s24] =	ssyncset.done $0x0  }
0xa4: {  	[sflag:s24] =	ssyncadd.s32 $0xFFFF8300  }
0xa5: {  	[spmem:s1] =	stream.indirect.scatter.add.f32 [tilespmem:s18], [sflag:$0x5], $0x20, s16, s16, $0xb8;
	[tilespmem:$0x1B580] =	vst v63  }
0xa6: {  	_ =	swait.ge [sflag:s6], $0x7D00  }
0xa7: {  	[sflag:s6] =	ssyncset.done $0x0  }
0xa8: {  	[sflag:s6] =	ssyncadd.s32 $0xFFFF8300  }
0xa9: {  	[spmem:s3] =	stream.indirect.scatter.add.f32 [tilespmem:s11], [sflag:$0x5], $0x10, s16, s16, $0xb8;
	[tilespmem:$0x1B580] =	vst v63  }
0xaa: {  	_ =	swait.ge [sflag:s6], $0x3E80  }
0xab: {  	[sflag:s6] =	ssyncset.done $0x0  }
0xac: {  	[sflag:s6] =	ssyncadd.s32 $0xFFFFC180  }
0xad: {  	[tilespmem:s16], [sflag:$0x2] =	stream.linear.gather [hbm4b:s25+s4], $0x3E8, $0x38;
	[tilespmem:$0x1B580] =	vst v63  }
0xae: {  	_ = 	snop  }
0xaf: {  	[tilespmem:s18], [sflag:$0x4] =	stream.linear.gather [hbm4b:s26+s4], $0x7D00, $0x38;
	[tilespmem:$0x1B580] =	vst v63  }
0xb0: {  	_ =	swait.ge [sflag:s19], $0x3E8  }
0xb1: {  	[sflag:s19] =	ssyncset.done $0x0  }
0xb2: {  	[sflag:s19] =	ssyncadd.s32 $0xFFFFFC18  }
0xb3: {  	_ =	swait.ge [sflag:s20], $0x7D00  }
0xb4: {  	[sflag:s20] =	ssyncset.done $0x0  }
0xb5: {  	[sflag:s20] =	ssyncadd.s32 $0xFFFF8300  }
0xb6: {  	[spmem:s1] =	stream.indirect.scatter.add.f32 [tilespmem:s14], [sflag:$0x5], $0x20, s4, s16, $0xb8;
	[tilespmem:$0x1B580] =	vst v63  }
0xb7: {  	_ =	swait.ge [sflag:s6], $0x7D00  }
0xb8: {  	[sflag:s6] =	ssyncset.done $0x0  }
0xb9: {  	[sflag:s6] =	ssyncadd.s32 $0xFFFF8300  }
0xba: {  	[spmem:s3] =	stream.indirect.scatter.add.f32 [tilespmem:s11], [sflag:$0x5], $0x10, s4, s16, $0xb8;
	[tilespmem:$0x1B580] =	vst v63  }
0xbb: {  	_ =	swait.ge [sflag:s6], $0x3E80  }
0xbc: {  	[sflag:s6] =	ssyncset.done $0x0  }
0xbd: {  	[sflag:s6] =	ssyncadd.s32 $0xFFFFC180  }
0xbe: {  	[tilespmem:s4], [sflag:$0x1] =	stream.linear.gather [hbm4b:s28+s4], $0x3E8, $0x38;
	[tilespmem:$0x1B580] =	vst v63  }
0xbf: {  	_ = 	snop  }
0xc0: {  	[tilespmem:s14], [sflag:$0x3] =	stream.linear.gather [hbm4b:s29+s4], $0x7D00, $0x38;
	[tilespmem:$0x1B580] =	vst v63  }
0xc1: {  	_ =	swait.ge [sflag:s23], $0x3E8  }
0xc2: {  	[sflag:s23] =	ssyncset.done $0x0  }
0xc3: {  	[sflag:s23] =	ssyncadd.s32 $0xFFFFFC18  }
0xc4: {  	_ =	swait.ge [sflag:s24], $0x7D00  }
0xc5: {  	[sflag:s24] =	ssyncset.done $0x0  }
0xc6: {  	[sflag:s24] =	ssyncadd.s32 $0xFFFF8300  }
0xc7: {  	[spmem:s1] =	stream.indirect.scatter.add.f32 [tilespmem:s18], [sflag:$0x5], $0x20, s16, s16, $0xb8;
	[tilespmem:$0x1B580] =	vst v63  }
0xc8: {  	_ =	swait.ge [sflag:s6], $0x7D00  }
0xc9: {  	[sflag:s6] =	ssyncset.done $0x0  }
0xca: {  	[sflag:s6] =	ssyncadd.s32 $0xFFFF8300  }
0xcb: {  	[spmem:s3] =	stream.indirect.scatter.add.f32 [tilespmem:s11], [sflag:$0x5], $0x10, s16, s16, $0xb8;
	[tilespmem:$0x1B580] =	vst v63  }
0xcc: {  	_ =	swait.ge [sflag:s6], $0x3E80  }
0xcd: {  	[sflag:s6] =	ssyncset.done $0x0  }
0xce: {  	[sflag:s6] =	ssyncadd.s32 $0xFFFFC180  }
0xcf: {  	_ =	swait.ge [sflag:s19], $0x3E8  }
0xd0: {  	[sflag:s19] =	ssyncset.done $0x0  }
0xd1: {  	[sflag:s19] =	ssyncadd.s32 $0xFFFFFC18  }
0xd2: {  	_ =	swait.ge [sflag:s20], $0x7D00  }
0xd3: {  	[sflag:s20] =	ssyncset.done $0x0  }
0xd4: {  	[sflag:s20] =	ssyncadd.s32 $0xFFFF8300  }
0xd5: {  	[spmem:s1] =	stream.indirect.scatter.add.f32 [tilespmem:s14], [sflag:$0x5], $0x20, s4, s16, $0xb8;
	[tilespmem:$0x1B580] =	vst v63  }
0xd6: {  	_ =	swait.ge [sflag:s6], $0x7D00  }
0xd7: {  	[sflag:s6] =	ssyncset.done $0x0  }
0xd8: {  	[sflag:s6] =	ssyncadd.s32 $0xFFFF8300  }
0xd9: {  	[spmem:s3] =	stream.indirect.scatter.add.f32 [tilespmem:s11], [sflag:$0x5], $0x10, s4, s16, $0xb8;
	[tilespmem:$0x1B580] =	vst v63  }
0xda: {  	_ =	swait.ge [sflag:s6], $0x3E80  }
0xdb: {  	[sflag:s6] =	ssyncset.done $0x0  }
0xdc: {  	[sflag:s6] =	ssyncadd.s32 $0xFFFFC180  }
0xdd: {  	p0 =	sne.s32 s0, $0x1;
	[bflag:$0x0] =	sbarrier.arrive $0xFFFF  }
0xde: {  	[hbm:s30], [sflag:s5] =	dma.local [spmem:s7], $0x9C4  }
.Ltmp1:
0xdf: {  	_ =	swait.ge [sflag:s6], $0x9C4;
	(pc) =	sbr.rel @p0 .LBB2_1-.Ltmp1, $4  }
0xe0: {  	[sflag:s6] =	ssyncset.done $0x0  }
0xe1: {  	[sflag:s6] =	ssyncadd.s32 $0xFFFFF63C  }
0xe2: {  	[hbm:s31], [sflag:s5] =	dma.local [spmem:s9], $0x4E2  }
0xe3: {  	s0 =	sadd.s32 $0xFFFFFFFF, s0;
	_ =	swait.ge [sflag:s6], $0x4E2  }
.LBB2_2:
0xe4: {  	[sflag:s6] =	ssyncset.done $0x0  }
0xe5: {  	[sflag:s6] =	ssyncadd.s32 $0xFFFFFB1E  }
0xe6: {  	_ =	sfence.sel $0x180000  }
0xe7: {  	[bflag:$0x0] =	sbarrier.arrive $0xFFFF  }
0xe8: {  	_ =	strace $0x9000004A  }
0xe9: {  	s0 =	stileid.u32;
	[bflag:$0x2] =	sbarrier.arrive $0xFFFF  }
0xea: {  	p0 =	sne.s32 s0, $0x0;
	s0 =	rddreg [dreg:$0x4]  }
0xeb: {  	s0 =	sadd.s32 @!p0 $0x100000, s0  }
0xec: {  	[sflag:s0] =	ssyncadd.tile.s32 @!p0 $0x1;
	_ =	shalt  }
.Lfunc_end2:
_tile_overlayer_lowered:
.L_overlay_start_2:
0xed: {  	(tag) =	ssettag $0x2  }
0xee: {  	s0 =	rddreg [dreg:$0x0];
	s2 =	stileid.u32  }
0xef: {  	s1 =	rddreg [dreg:$0x1];
	p0 =	sne.s32 s2, $0x0  }
0xf0: {  	s3 =	rddreg [dreg:$0x2];
	[bflag:$0x3] =	sbarrier.arrive $0xFFFF;
	s2 =	simm.s32 @!p0 $0x1C05  }
0xf1: {  	[timem:s3], [sflag:s2] =	dma.local @!p0 [hbm:s0], s1  }
0xf2: {  	s0 =	simm.s32 @!p0 $0x5  }
0xf3: {  	_ =	swait.ge @!p0 [sflag:s0], s1  }
0xf4: {  	s1 =	ssub.s32 @!p0 $0x0, s1;
	[sflag:s0] =	ssyncset.done @!p0 $0x0  }
0xf5: {  	[sflag:s0] =	ssyncadd.s32 @!p0 s1  }
0xf6: {  	[bflag:$0x3] =	sbarrier.arrive $0xFFFF  }
0xf7: {  	_ =	shalt  }

// kernel: kernel.17.cloned.1.call-start
scs
__scs_entry_jumppad:
0x0: {  	(pc) =	sbr.rel $0x88, $3  }
0x1: {  	(tag) =	ssettag $0x0;
	lr =	simm.s32 $0x1  }
0x2: {  	[smem:$0x3F90] =	sst lr;
	_ =	strace $0xD0000000  }
0x3: {  	_ = 	snop  }
0x4: {  	_ = 	snop  }
0x5: {  	_ = 	snop  }
0x6: {  	_ = 	snop  }
0x7: {  	_ = 	snop  }
__scs_overlays_trampoline_lowered:
0x8: {  	[smem:$0x3F9F] =	sst s0  }
0x9: {  	[smem:$0x3FA0] =	sst s1  }
0xa: {  	[smem:$0x3FA1] =	sst s2  }
0xb: {  	[smem:$0x3FA2] =	sst s3  }
0xc: {  	[smem:$0x3FA3] =	sst s4  }
0xd: {  	[smem:$0x3FA4] =	sst s5  }
0xe: {  	[smem:$0x3FA5] =	sst s6  }
0xf: {  	[smem:$0x3FA6] =	sst s7  }
0x10: {  	[smem:$0x3FA7] =	sst s8  }
0x11: {  	[smem:$0x3FA8] =	sst s9;
	s0 =	simm.s32 @!p0 $0x0  }
0x12: {  	s1 =	sld [smem:$0x3F8E];
	s0 =	simm.s32 @p0 $0x1  }
0x13: {  	[smem:$0x3FA9] =	sst s0;
	s0 =	simm.s32 @!p1 $0x0  }
0x14: {  	s2 =	sld [smem:$0x3F8D];
	s0 =	simm.s32 @p1 $0x1  }
0x15: {  	[smem:$0x3FAA] =	sst s0;
	s0 =	simm.s32 @!p2 $0x0  }
0x16: {  	s3 =	sld [smem:$0x3FDB];
	s0 =	simm.s32 @p2 $0x1  }
0x17: {  	s4 =	simm.s32 $0x1BF5;
	[smem:$0x3FAC] =	sst s0  }
0x18: {  	s0 =	sld [smem:$0x3F8F];
	_ =	swait.ge [sflag:s4], $0x0  }
0x19: {  	s7 =	sld [smem:$0x3F90]  }
0x1a: {  	s8 =	sadd.s32 $0xFFFFE003, lr  }
0x1b: {  	s9 =	sadd.s32 $0xFFFFFEF7, lr;
	s5 =	simm.s32 $0xFFFFFFFF;
	p2 =	slt.u32 s8, $0xFFFFF086  }
0x1c: {  	p1 =	slt.u32 s9, $0xF7A;
	s5 =	simm.s32 @!p2 $0x0  }
0x1d: {  	s5 =	simm.s32 @p1 $0x1;
	p0 =	seq.s32 s7, s2  }
0x1e: {  	s7 =	smul.u32 @!p0 $0xF7A, s2;
	p2 =	seq.s32 @!p0 s5, $0x0  }
0x1f: {  	s9 =	smul.u32 $0xF7A, s1;
	s8 =	simm.s32 @!p0 $0x1BF5;
	p2 =	por !p2, p0  }
0x20: {  	[sflag:s8] =	ssyncset.s32 @!p0 $0xFFFFF086;
	s6 =	sadd.s32 @!p0 s3, s7;
	s7 =	simm.s32 @!p0 $0x108  }
0x21: {  	s3 =	sadd.s32 s3, s9;
	s6 =	sadd.s32 @!p0 $0x88, s6;
	s7 =	simm.s32 @p2 $0x1082  }
0x22: {  	[simem:s7], [sflag:s8] =	dma.local @!p0 [hbm:s6], $0xF7A  }
0x23: {  	s9 =	sor.u32 $0xD0000000, s2;
	s6 =	simm.s32 $0x108;
	_ =	swait.ge @!p0 [sflag:s8], $0x0  }
0x24: {  	s3 =	sadd.s32 $0x88, s3;
	s6 =	simm.s32 @!p1 $0x1082;
	[sflag:s4] =	ssyncset.s32 $0xFFFFF086  }
0x25: {  	[simem:s6], [sflag:s4] =	dma.local [hbm:s3], $0xF7A  }
0x26: {  	[smem:$0x3F90] =	sst s1;
	(tag) =	ssettag s2;
	_ =	strace s9  }
0x27: {  	s1 =	sld [smem:$0x3FA0]  }
0x28: {  	s2 =	sld [smem:$0x3FA1]  }
0x29: {  	s4 =	sld [smem:$0x3FA3]  }
0x2a: {  	p0 =	seq.s32 s5, $0x0;
	s5 =	sld [smem:$0x3FA4]  }
0x2b: {  	s6 =	sld [smem:$0x3FA5]  }
0x2c: {  	s7 =	sld [smem:$0x3FA6]  }
0x2d: {  	s3 =	simm.s32 $0x108;
	s8 =	sld [smem:$0x3FA7]  }
0x2e: {  	s3 =	simm.s32 @!p0 $0x1082;
	s9 =	sld [smem:$0x3FA8]  }
0x2f: {  	lr =	sadd.s32 s0, s3;
	s0 =	sld [smem:$0x3F9F]  }
0x30: {  	s3 =	sld [smem:$0x3FA2]  }
0x31: {  	[smem:$0x3FAB] =	sst s10  }
0x32: {  	s10 =	sld [smem:$0x3FA9];
	_ =	sdelay $0x3  }
0x33: {  	p0 =	seq.s32 s10, $0x1;
	s10 =	sld [smem:$0x3FAB];
	_ =	sdelay $0x3  }
0x34: {  	[smem:$0x3FAB] =	sst s10  }
0x35: {  	s10 =	sld [smem:$0x3FAA];
	_ =	sdelay $0x3  }
0x36: {  	p1 =	seq.s32 s10, $0x1;
	s10 =	sld [smem:$0x3FAB];
	_ =	sdelay $0x3  }
0x37: {  	[smem:$0x3FAB] =	sst s10  }
0x38: {  	s10 =	sld [smem:$0x3FAC]  }
0x39: {  	_ = 	snop;
	(pc) =	sbr.ind lr, $3  }
0x3a: {  	_ = 	snop  }
0x3b: {  	_ = 	snop  }
0x3c: {  	p2 =	seq.s32 s10, $0x1;
	s10 =	sld [smem:$0x3FAB]  }
0x3d: {  	_ =	shalt  }
0x3e: {  	_ =	shalt  }
0x3f: {  	_ =	shalt  }
0x40: {  	_ =	shalt  }
0x41: {  	_ =	shalt  }
0x42: {  	_ =	shalt  }
0x43: {  	_ =	shalt  }
0x44: {  	_ =	shalt  }
0x45: {  	_ =	shalt  }
0x46: {  	_ =	shalt  }
0x47: {  	_ =	shalt  }
0x48: {  	_ =	shalt  }
0x49: {  	_ =	shalt  }
0x4a: {  	_ =	shalt  }
0x4b: {  	_ =	shalt  }
0x4c: {  	_ =	shalt  }
0x4d: {  	_ =	shalt  }
0x4e: {  	_ =	shalt  }
0x4f: {  	_ =	shalt  }
0x50: {  	_ =	shalt  }
0x51: {  	_ =	shalt  }
0x52: {  	_ =	shalt  }
0x53: {  	_ =	shalt  }
0x54: {  	_ =	shalt  }
0x55: {  	_ =	shalt  }
0x56: {  	_ =	shalt  }
0x57: {  	_ =	shalt  }
0x58: {  	_ =	shalt  }
0x59: {  	_ =	shalt  }
0x5a: {  	_ =	shalt  }
0x5b: {  	_ =	shalt  }
0x5c: {  	_ =	shalt  }
0x5d: {  	_ =	shalt  }
0x5e: {  	_ =	shalt  }
0x5f: {  	_ =	shalt  }
0x60: {  	_ =	shalt  }
0x61: {  	_ =	shalt  }
0x62: {  	_ =	shalt  }
0x63: {  	_ =	shalt  }
0x64: {  	_ =	shalt  }
0x65: {  	_ =	shalt  }
0x66: {  	_ =	shalt  }
0x67: {  	_ =	shalt  }
0x68: {  	_ =	shalt  }
0x69: {  	_ =	shalt  }
0x6a: {  	_ =	shalt  }
0x6b: {  	_ =	shalt  }
0x6c: {  	_ =	shalt  }
0x6d: {  	_ =	shalt  }
0x6e: {  	_ =	shalt  }
0x6f: {  	_ =	shalt  }
0x70: {  	_ =	shalt  }
0x71: {  	_ =	shalt  }
0x72: {  	_ =	shalt  }
0x73: {  	_ =	shalt  }
0x74: {  	_ =	shalt  }
0x75: {  	_ =	shalt  }
0x76: {  	_ =	shalt  }
0x77: {  	_ =	shalt  }
0x78: {  	_ =	shalt  }
0x79: {  	_ =	shalt  }
0x7a: {  	_ =	shalt  }
0x7b: {  	_ =	shalt  }
0x7c: {  	_ =	shalt  }
0x7d: {  	_ =	shalt  }
0x7e: {  	_ =	shalt  }
0x7f: {  	_ =	shalt  }
0x80: {  	_ =	shalt  }
0x81: {  	_ =	shalt  }
0x82: {  	_ =	shalt  }
0x83: {  	_ =	shalt  }
0x84: {  	_ =	shalt  }
0x85: {  	_ =	shalt  }
0x86: {  	_ =	shalt  }
0x87: {  	_ =	shalt  }
.Lfunc_end0:
.L_simem_size_0:
called_computation.2_lowered:
.L_overlay_start_0:
0x88: {  	s2 =	sld [smem:$0x3FD9]  }
0x89: {  	s3 =	sld [smem:$0x3FFE];
	_ =	sdelay $0x1  }
0x8a: {  	s1 =	srdreg.scid  }
0x8b: {  	s0 =	sand.u32 $0x1, s1  }
0x8c: {  	s17 =	sshll.u32 s0, $0xA;
	s2 =	sadd.s32 s3, s2  }
0x8d: {  	s2 =	sadd.s32 s2, s17  }
0x8e: {  	[smem:$0x3FB7] =	sst s2  }
0x8f: {  	_ = 	snop  }
0x90: {  	s2 =	sld [smem:$0x3FD0];
	(tm) =	ssettm $0x1  }
0x91: {  	s18 =	sld [smem:$0x3FFB];
	_ =	sdelay $0x3  }
0x92: {  	_ =	strace s18  }
0x93: {  	s3 =	sld [smem:$0x3FFC];
	_ =	sdelay $0x3  }
0x94: {  	_ =	strace s3  }
0x95: {  	s3 =	sld [smem:$0x3FFD];
	_ =	sdelay $0x3  }
0x96: {  	_ =	strace s3  }
0x97: {  	_ =	strace $0x8FFFFFFF  }
0x98: {  	s19 =	sld [smem:$0x3FDB];
	_ =	sdelay $0x1  }
0x99: {  	s4 =	simm.s32 $_scs_section_size  }
0x9a: {  	s5 =	simm.s32 $_size__tile_overlayer_lowered;
	s6 =	simm.s32 $_tile_overlayer_lowered  }
0x9b: {  	s22 =	simm.s32 $0x1BFF;
	s21 =	sshll.u32 s6, $0x1;
	s3 =	sadd.s32 s4, s19  }
0x9c: {  	s7 =	simm.s32 $0x0;
	s20 =	sshll.u32 s5, $0x1;
	s5 =	sadd.s32 s21, s3  }
0x9d: {  	[timem:s7], [sflag:s22] =	dma.local [hbm:s5], s20  }
0x9e: {  	_ =	swait.ge [sflag:s22], s20  }
0x9f: {  	s4 =	ssub.s32 $0x0, s20;
	[sflag:s22] =	ssyncset.done $0x0  }
0xa0: {  	[sflag:s22] =	ssyncadd.s32 s4;
	_ =	sdelay $0x1  }
0xa1: {  	s23 =	simm.s32 $0x1B8B  }
0xa2: {  	_ =	swait.ge [sflag:s23], $0x1  }
0xa3: {  	[sflag:s23] =	ssyncset.done $0x0  }
0xa4: {  	s25 =	simm.s32 $0x1B8E;
	s24 =	sld [smem:$0x3FFE];
	[sflag:s23] =	ssyncadd.s32 $0xFFFFFFFF  }
0xa5: {  	s26 =	simm.s32 $execute0_lowered;
	[smem:$0x3FD2] =	sst s25  }
0xa6: {  	s5 =	sshll.u32 s26, $0x1;
	_ =	strace $0x8000004C;
	[dreg:$0x1] =	wrdreg $0xFFFFFFFF  }
0xa7: {  	s28 =	simm.s32 $_size_execute0_lowered;
	s3 =	sadd.s32 s3, s5;
	[dreg:$0x0] =	wrdreg $0x0  }
0xa8: {  	s5 =	sshll.u32 s28, $0x1;
	[dreg:$0x2] =	wrdreg s3  }
0xa9: {  	[dreg:$0x3] =	wrdreg s5  }
0xaa: {  	[dreg:$0x4] =	wrdreg $0xC0  }
0xab: {  	_ =	task [dreg:s7], $0x5FFFF  }
0xac: {  	[dreg:$0x1] =	wrdreg $0xFFFFFFFF  }
0xad: {  	[dreg:$0x0] =	wrdreg $0x60  }
0xae: {  	[dreg:$0x2] =	wrdreg s2  }
0xaf: {  	[dreg:$0x3] =	wrdreg s24  }
0xb0: {  	[dreg:$0x4] =	wrdreg $0x9  }
0xb1: {  	_ =	task.clear_ibuf [dreg:s7], $0x5FFFF;
	_ =	strace $0x9000004C  }
0xb2: {  	s29 =	simm.s32 $0x9;
	_ =	strace $0x8000004E  }
0xb3: {  	_ =	swait.ge [sflag:s29], $0x1  }
0xb4: {  	[sflag:s29] =	ssyncadd.s32 $0xFFFFFFFF  }
0xb5: {  	_ =	strace $0x9000004E  }
0xb6: {  	_ =	sfence  }
0xb7: {  	s30 =	sld [smem:$0x0];
	_ =	sdelay $0x2  }
0xb8: {  	s31 =	sshll.u32 s1, $0xD;
	s1 =	sshrl.u32 s1, $0x2  }
0xb9: {  	s3 =	sand.u32 $0x4000, s31;
	s1 =	sadd.s32 s1, s30  }
0xba: {  	s0 =	sor.u32 s3, s0;
	s1 =	sshll.u32 s1, $0x11  }
0xbb: {  	s0 =	sor.u32 s1, s0  }
0xbc: {  	s0 =	sadd.s32 $0x8F2B, s0  }
0xbd: {  	[sflag:s0] =	ssyncadd.remote.s32 $0x1  }
0xbe: {  	_ =	sfence.sel $0xFFFF  }
0xbf: {  	[dreg:$0x0] =	wrdreg $0xFFFFFFFF;
	(pc) =	sbr.abs _section_cstart, $3  }
0xc0: {  	[dreg:$0x1] =	wrdreg $0xFFFFFFFF  }
0xc1: {  	_ =	task.clear_ibuf [dreg:s7], $0x2FFFF;
	_ =	strace $0x9FFFFFFF  }
0xc2: {  	(tm) =	ssettm $0x7FFFFFFF  }
0xc3: {  	_ =	shalt  }
tec
execute0_lowered:
.L_overlay_start_1:
0x0: {  	(tag) =	ssettag $0x1  }
0x1: {  	s1 =	srdreg.scid;
	s0 =	stileid.u32  }
0x2: {  	s22 =	sand.u32 $0x1, s1;
	s28 =	sshll.u32 s0, $0x1  }
0x3: {  	s2 =	rddreg [dreg:$0x0];
	s10 =	sor.u32 s22, s28  }
0x4: {  	s11 =	rddreg [dreg:$0x1];
	s18 =	smul.u32 $0x3E8, s10  }
0x5: {  	s3 =	simm.s32 $0x0;
	s1 =	rddreg [dreg:$0x2];
	s4 =	smul.u32 $0x7D, s10  }
0x6: {  	[smem:$0x7FF] =	sst s3;
	s19 =	sadd.s32 $0x3C00, s11;
	s15 =	sadd.s32 $0x7D00, s18  }
0x7: {  	_ =	strace $0x8000004D;
	s4 =	sadd.s32 s19, s4;
	s5 =	sshrl.u32 s15, $0x3  }
0x8: {  	[tilespmem:s3], [sflag:$0x1] =	stream.linear.gather [hbm4b:s4+s3], $0x3E8, $0x38;
	[tilespmem:$0x101D0] =	vst v63  }
0x9: {  	s6 =	simm.s32 $0x3E8;
	s7 =	simm.s32 $0x1;
	s5 =	sadd.s32 s19, s5  }
0xa: {  	[tilespmem:s6], [sflag:$0x2] =	stream.linear.gather [hbm4b:s5+s3], $0x3E8, $0x38;
	[tilespmem:$0x101D0] =	vst v63  }
0xb: {  	_ =	swait.ge [sflag:s7], $0x3E8  }
0xc: {  	[sflag:s7] =	ssyncset.done $0x0  }
0xd: {  	s8 =	simm.s32 $0x7D0;
	s9 =	simm.s32 $0x3;
	[sflag:s7] =	ssyncadd.s32 $0xFFFFFC18  }
0xe: {  	[tilespmem:s8], [sflag:$0x3] =	stream.indirect.gather [hbm4b:s2+s6], $0x20, s3, s6, $0xb8;
	[tilespmem:$0x101D0] =	vst v63  }
0xf: {  	s10 =	smul.u32 $0xFA0, s10;
	_ =	swait.ge [sflag:s9], $0x7D00  }
0x10: {  	s23 =	sadd.s32 $0xAB800, s11;
	s20 =	sadd.s32 $0xFA00, s18;
	[sflag:s9] =	ssyncset.done $0x0  }
0x11: {  	s10 =	sadd.s32 s23, s10;
	s29 =	sshrl.u32 s20, $0x3;
	[sflag:s9] =	ssyncadd.s32 $0xFFFF8300  }
0x12: {  	[hbm4b:s10+s3] =	stream.linear.scatter [tilespmem:s8], [sflag:$0x5], $0x7D00, $0x38;
	[tilespmem:$0x101D0] =	vst v63  }
0x13: {  	s12 =	simm.s32 $0x2;
	s11 =	sadd.s32 s19, s29  }
0x14: {  	[tilespmem:s3], [sflag:$0x1] =	stream.linear.gather [hbm4b:s11+s3], $0x3E8, $0x38;
	[tilespmem:$0x101D0] =	vst v63  }
0x15: {  	_ =	swait.ge [sflag:s12], $0x3E8  }
0x16: {  	[sflag:s12] =	ssyncset.done $0x0  }
0x17: {  	s13 =	simm.s32 $0x84D0;
	s14 =	simm.s32 $0x4;
	[sflag:s12] =	ssyncadd.s32 $0xFFFFFC18  }
0x18: {  	[tilespmem:s13], [sflag:$0x4] =	stream.indirect.gather [hbm4b:s2+s6], $0x20, s6, s6, $0xb8;
	[tilespmem:$0x101D0] =	vst v63  }
0x19: {  	_ =	swait.ge [sflag:s14], $0x7D00  }
0x1a: {  	s21 =	sadd.s32 $0x17700, s18;
	s15 =	sshll.u32 s15, $0x2;
	[sflag:s14] =	ssyncset.done $0x0  }
0x1b: {  	s16 =	sshrl.u32 s21, $0x3;
	s15 =	sadd.s32 s23, s15;
	[sflag:s14] =	ssyncadd.s32 $0xFFFF8300  }
0x1c: {  	[hbm4b:s15+s3] =	stream.linear.scatter [tilespmem:s13], [sflag:$0x6], $0x7D00, $0x38;
	[tilespmem:$0x101D0] =	vst v63  }
0x1d: {  	s16 =	sadd.s32 s19, s16  }
0x1e: {  	[tilespmem:s6], [sflag:$0x2] =	stream.linear.gather [hbm4b:s16+s3], $0x3E8, $0x38;
	[tilespmem:$0x101D0] =	vst v63  }
0x1f: {  	_ =	swait.ge [sflag:s7], $0x3E8  }
0x20: {  	[sflag:s7] =	ssyncset.done $0x0  }
0x21: {  	s17 =	simm.s32 $0x5;
	[sflag:s7] =	ssyncadd.s32 $0xFFFFFC18  }
0x22: {  	_ =	swait.ge [sflag:s17], $0x7D00  }
0x23: {  	[sflag:s17] =	ssyncset.done $0x0  }
0x24: {  	[sflag:s17] =	ssyncadd.s32 $0xFFFF8300  }
0x25: {  	[tilespmem:s8], [sflag:$0x3] =	stream.indirect.gather [hbm4b:s2+s6], $0x20, s3, s6, $0xb8;
	[tilespmem:$0x101D0] =	vst v63  }
0x26: {  	_ =	swait.ge [sflag:s9], $0x7D00  }
0x27: {  	s24 =	sadd.s32 $0x1F400, s18;
	s20 =	sshll.u32 s20, $0x2;
	[sflag:s9] =	ssyncset.done $0x0  }
0x28: {  	s30 =	sshrl.u32 s24, $0x3;
	s18 =	sadd.s32 s23, s20;
	[sflag:s9] =	ssyncadd.s32 $0xFFFF8300  }
0x29: {  	[hbm4b:s18+s3] =	stream.linear.scatter [tilespmem:s8], [sflag:$0x5], $0x7D00, $0x38;
	[tilespmem:$0x101D0] =	vst v63  }
0x2a: {  	s19 =	sadd.s32 s19, s30  }
0x2b: {  	[tilespmem:s3], [sflag:$0x1] =	stream.linear.gather [hbm4b:s19+s3], $0x3E8, $0x38;
	[tilespmem:$0x101D0] =	vst v63  }
0x2c: {  	_ =	swait.ge [sflag:s12], $0x3E8  }
0x2d: {  	[sflag:s12] =	ssyncset.done $0x0  }
0x2e: {  	s20 =	simm.s32 $0x6;
	[sflag:s12] =	ssyncadd.s32 $0xFFFFFC18  }
0x2f: {  	_ =	swait.ge [sflag:s20], $0x7D00  }
0x30: {  	[sflag:s20] =	ssyncset.done $0x0  }
0x31: {  	[sflag:s20] =	ssyncadd.s32 $0xFFFF8300  }
0x32: {  	[tilespmem:s13], [sflag:$0x4] =	stream.indirect.gather [hbm4b:s2+s6], $0x20, s6, s6, $0xb8;
	[tilespmem:$0x101D0] =	vst v63  }
0x33: {  	_ =	swait.ge [sflag:s14], $0x7D00  }
0x34: {  	s21 =	sshll.u32 s21, $0x2;
	[sflag:s14] =	ssyncset.done $0x0  }
0x35: {  	s21 =	sadd.s32 s23, s21;
	[sflag:s14] =	ssyncadd.s32 $0xFFFF8300  }
0x36: {  	[hbm4b:s21+s3] =	stream.linear.scatter [tilespmem:s13], [sflag:$0x6], $0x7D00, $0x38;
	[tilespmem:$0x101D0] =	vst v63  }
0x37: {  	_ =	swait.ge [sflag:s7], $0x3E8  }
0x38: {  	[sflag:s7] =	ssyncset.done $0x0  }
0x39: {  	[sflag:s7] =	ssyncadd.s32 $0xFFFFFC18  }
0x3a: {  	_ =	swait.ge [sflag:s17], $0x7D00  }
0x3b: {  	s25 =	ssub.s32 $0x2, s22;
	[sflag:s17] =	ssyncset.done $0x0  }
0x3c: {  	s31 =	sshrl.u32 s25, $0x1;
	s24 =	sshll.u32 s24, $0x2;
	[sflag:s17] =	ssyncadd.s32 $0xFFFF8300  }
0x3d: {  	[tilespmem:s8], [sflag:$0x3] =	stream.indirect.gather [hbm4b:s2+s6], $0x20, s3, s6, $0xb8;
	[tilespmem:$0x101D0] =	vst v63  }
0x3e: {  	s22 =	sadd.s32 s23, s24;
	s23 =	ssub.s32 s25, s31;
	_ =	swait.ge [sflag:s9], $0x7D00  }
0x3f: {  	s23 =	smax.u32 s23, $0x1;
	[sflag:s9] =	ssyncset.done $0x0  }
0x40: {  	p0 =	sne.s32 s23, $0x1;
	[sflag:s9] =	ssyncadd.s32 $0xFFFF8300  }
0x41: {  	[hbm4b:s22+s3] =	stream.linear.scatter [tilespmem:s8], [sflag:$0x5], $0x7D00, $0x38;
	[tilespmem:$0x101D0] =	vst v63  }
.Ltmp0:
0x42: {  	_ =	swait.ge [sflag:s20], $0x7D00;
	(pc) =	sbr.rel @!p0 .LBB2_2-.Ltmp0, $4  }
0x43: {  	[sflag:s20] =	ssyncset.done $0x0  }
0x44: {  	[sflag:s20] =	ssyncadd.s32 $0xFFFF8300  }
0x45: {  	_ =	swait.ge [sflag:s17], $0x7D00  }
0x46: {  	s23 =	sadd.s32 $0xFFFFFFFF, s23;
	[sflag:s17] =	ssyncset.done $0x0  }
.LBB2_1:
0x47: {  	p0 =	sne.s32 s23, $0x1;
	s23 =	sadd.s32 $0xFFFFFFFF, s23;
	[sflag:s17] =	ssyncadd.s32 $0xFFFF8300  }
0x48: {  	[tilespmem:s3], [sflag:$0x1] =	stream.linear.gather [hbm4b:s4+s3], $0x3E8, $0x38;
	[tilespmem:$0x101D0] =	vst v63  }
0x49: {  	_ = 	snop  }
0x4a: {  	[tilespmem:s6], [sflag:$0x2] =	stream.linear.gather [hbm4b:s5+s3], $0x3E8, $0x38;
	[tilespmem:$0x101D0] =	vst v63  }
0x4b: {  	_ =	swait.ge [sflag:s7], $0x3E8  }
0x4c: {  	[sflag:s7] =	ssyncset.done $0x0  }
0x4d: {  	[sflag:s7] =	ssyncadd.s32 $0xFFFFFC18  }
0x4e: {  	[tilespmem:s8], [sflag:$0x3] =	stream.indirect.gather [hbm4b:s2+s6], $0x20, s3, s6, $0xb8;
	[tilespmem:$0x101D0] =	vst v63  }
0x4f: {  	_ =	swait.ge [sflag:s9], $0x7D00  }
0x50: {  	[sflag:s9] =	ssyncset.done $0x0  }
0x51: {  	[sflag:s9] =	ssyncadd.s32 $0xFFFF8300  }
0x52: {  	[hbm4b:s10+s3] =	stream.linear.scatter [tilespmem:s8], [sflag:$0x5], $0x7D00, $0x38;
	[tilespmem:$0x101D0] =	vst v63  }
0x53: {  	_ = 	snop  }
0x54: {  	[tilespmem:s3], [sflag:$0x1] =	stream.linear.gather [hbm4b:s11+s3], $0x3E8, $0x38;
	[tilespmem:$0x101D0] =	vst v63  }
0x55: {  	_ =	swait.ge [sflag:s12], $0x3E8  }
0x56: {  	[sflag:s12] =	ssyncset.done $0x0  }
0x57: {  	[sflag:s12] =	ssyncadd.s32 $0xFFFFFC18  }
0x58: {  	[tilespmem:s13], [sflag:$0x4] =	stream.indirect.gather [hbm4b:s2+s6], $0x20, s6, s6, $0xb8;
	[tilespmem:$0x101D0] =	vst v63  }
0x59: {  	_ =	swait.ge [sflag:s14], $0x7D00  }
0x5a: {  	[sflag:s14] =	ssyncset.done $0x0  }
0x5b: {  	[sflag:s14] =	ssyncadd.s32 $0xFFFF8300  }
0x5c: {  	[hbm4b:s15+s3] =	stream.linear.scatter [tilespmem:s13], [sflag:$0x6], $0x7D00, $0x38;
	[tilespmem:$0x101D0] =	vst v63  }
0x5d: {  	_ = 	snop  }
0x5e: {  	[tilespmem:s6], [sflag:$0x2] =	stream.linear.gather [hbm4b:s16+s3], $0x3E8, $0x38;
	[tilespmem:$0x101D0] =	vst v63  }
0x5f: {  	_ =	swait.ge [sflag:s7], $0x3E8  }
0x60: {  	[sflag:s7] =	ssyncset.done $0x0  }
0x61: {  	[sflag:s7] =	ssyncadd.s32 $0xFFFFFC18  }
0x62: {  	_ =	swait.ge [sflag:s17], $0x7D00  }
0x63: {  	[sflag:s17] =	ssyncset.done $0x0  }
0x64: {  	[sflag:s17] =	ssyncadd.s32 $0xFFFF8300  }
0x65: {  	[tilespmem:s8], [sflag:$0x3] =	stream.indirect.gather [hbm4b:s2+s6], $0x20, s3, s6, $0xb8;
	[tilespmem:$0x101D0] =	vst v63  }
0x66: {  	_ =	swait.ge [sflag:s9], $0x7D00  }
0x67: {  	[sflag:s9] =	ssyncset.done $0x0  }
0x68: {  	[sflag:s9] =	ssyncadd.s32 $0xFFFF8300  }
0x69: {  	[hbm4b:s18+s3] =	stream.linear.scatter [tilespmem:s8], [sflag:$0x5], $0x7D00, $0x38;
	[tilespmem:$0x101D0] =	vst v63  }
0x6a: {  	_ = 	snop  }
0x6b: {  	[tilespmem:s3], [sflag:$0x1] =	stream.linear.gather [hbm4b:s19+s3], $0x3E8, $0x38;
	[tilespmem:$0x101D0] =	vst v63  }
0x6c: {  	_ =	swait.ge [sflag:s12], $0x3E8  }
0x6d: {  	[sflag:s12] =	ssyncset.done $0x0  }
0x6e: {  	[sflag:s12] =	ssyncadd.s32 $0xFFFFFC18  }
0x6f: {  	_ =	swait.ge [sflag:s20], $0x7D00  }
0x70: {  	[sflag:s20] =	ssyncset.done $0x0  }
0x71: {  	[sflag:s20] =	ssyncadd.s32 $0xFFFF8300  }
0x72: {  	[tilespmem:s13], [sflag:$0x4] =	stream.indirect.gather [hbm4b:s2+s6], $0x20, s6, s6, $0xb8;
	[tilespmem:$0x101D0] =	vst v63  }
0x73: {  	_ =	swait.ge [sflag:s14], $0x7D00  }
0x74: {  	[sflag:s14] =	ssyncset.done $0x0  }
0x75: {  	[sflag:s14] =	ssyncadd.s32 $0xFFFF8300  }
0x76: {  	[hbm4b:s21+s3] =	stream.linear.scatter [tilespmem:s13], [sflag:$0x6], $0x7D00, $0x38;
	[tilespmem:$0x101D0] =	vst v63  }
0x77: {  	_ =	swait.ge [sflag:s7], $0x3E8  }
0x78: {  	[sflag:s7] =	ssyncset.done $0x0  }
0x79: {  	[sflag:s7] =	ssyncadd.s32 $0xFFFFFC18  }
0x7a: {  	_ =	swait.ge [sflag:s17], $0x7D00  }
0x7b: {  	[sflag:s17] =	ssyncset.done $0x0  }
0x7c: {  	[sflag:s17] =	ssyncadd.s32 $0xFFFF8300  }
0x7d: {  	[tilespmem:s8], [sflag:$0x3] =	stream.indirect.gather [hbm4b:s2+s6], $0x20, s3, s6, $0xb8;
	[tilespmem:$0x101D0] =	vst v63  }
0x7e: {  	_ =	swait.ge [sflag:s9], $0x7D00  }
0x7f: {  	[sflag:s9] =	ssyncset.done $0x0  }
0x80: {  	[sflag:s9] =	ssyncadd.s32 $0xFFFF8300  }
0x81: {  	[hbm4b:s22+s3] =	stream.linear.scatter [tilespmem:s8], [sflag:$0x5], $0x7D00, $0x38;
	[tilespmem:$0x101D0] =	vst v63  }
.Ltmp1:
0x82: {  	_ =	swait.ge [sflag:s20], $0x7D00;
	(pc) =	sbr.rel @p0 .LBB2_1-.Ltmp1, $4  }
0x83: {  	[sflag:s20] =	ssyncset.done $0x0  }
0x84: {  	[sflag:s20] =	ssyncadd.s32 $0xFFFF8300  }
0x85: {  	_ =	swait.ge [sflag:s17], $0x7D00  }
0x86: {  	[sflag:s17] =	ssyncset.done $0x0  }
.LBB2_2:
0x87: {  	[sflag:s17] =	ssyncadd.s32 $0xFFFF8300  }
0x88: {  	_ =	sfence.sel $0x180000  }
0x89: {  	[bflag:$0x0] =	sbarrier.arrive $0xFFFF  }
0x8a: {  	p0 =	sne.s32 s0, $0x0;
	_ =	strace $0x9000004D  }
0x8b: {  	s0 =	sadd.s32 @!p0 $0x100000, s1;
	[bflag:$0x2] =	sbarrier.arrive $0xFFFF  }
0x8c: {  	[sflag:s0] =	ssyncadd.tile.s32 @!p0 $0x1;
	_ =	shalt  }
.Lfunc_end2:
_tile_overlayer_lowered:
.L_overlay_start_2:
0x8d: {  	(tag) =	ssettag $0x2  }
0x8e: {  	s0 =	rddreg [dreg:$0x0];
	s2 =	stileid.u32  }
0x8f: {  	s1 =	rddreg [dreg:$0x1];
	p0 =	sne.s32 s2, $0x0  }
0x90: {  	s3 =	rddreg [dreg:$0x2];
	[bflag:$0x3] =	sbarrier.arrive $0xFFFF;
	s2 =	simm.s32 @!p0 $0x1C07  }
0x91: {  	[timem:s3], [sflag:s2] =	dma.local @!p0 [hbm:s0], s1  }
0x92: {  	s0 =	simm.s32 @!p0 $0x7  }
0x93: {  	_ =	swait.ge @!p0 [sflag:s0], s1  }
0x94: {  	s1 =	ssub.s32 @!p0 $0x0, s1;
	[sflag:s0] =	ssyncset.done @!p0 $0x0  }
0x95: {  	[sflag:s0] =	ssyncadd.s32 @!p0 s1  }
0x96: {  	[bflag:$0x3] =	sbarrier.arrive $0xFFFF  }
0x97: {  	_ =	shalt  }

// kernel: kernel.20.cloned.1.call-start
scs
__scs_entry_jumppad:
0x0: {  	(pc) =	sbr.rel $0x88, $3  }
0x1: {  	(tag) =	ssettag $0x0;
	lr =	simm.s32 $0x1  }
0x2: {  	[smem:$0x3F90] =	sst lr;
	_ =	strace $0xD0000000  }
0x3: {  	_ = 	snop  }
0x4: {  	_ = 	snop  }
0x5: {  	_ = 	snop  }
0x6: {  	_ = 	snop  }
0x7: {  	_ = 	snop  }
__scs_overlays_trampoline_lowered:
0x8: {  	[smem:$0x3F9F] =	sst s0  }
0x9: {  	[smem:$0x3FA0] =	sst s1  }
0xa: {  	[smem:$0x3FA1] =	sst s2  }
0xb: {  	[smem:$0x3FA2] =	sst s3  }
0xc: {  	[smem:$0x3FA3] =	sst s4  }
0xd: {  	[smem:$0x3FA4] =	sst s5  }
0xe: {  	[smem:$0x3FA5] =	sst s6  }
0xf: {  	[smem:$0x3FA6] =	sst s7  }
0x10: {  	[smem:$0x3FA7] =	sst s8  }
0x11: {  	[smem:$0x3FA8] =	sst s9;
	s0 =	simm.s32 @!p0 $0x0  }
0x12: {  	s1 =	sld [smem:$0x3F8E];
	s0 =	simm.s32 @p0 $0x1  }
0x13: {  	[smem:$0x3FA9] =	sst s0;
	s0 =	simm.s32 @!p1 $0x0  }
0x14: {  	s2 =	sld [smem:$0x3F8D];
	s0 =	simm.s32 @p1 $0x1  }
0x15: {  	[smem:$0x3FAA] =	sst s0;
	s0 =	simm.s32 @!p2 $0x0  }
0x16: {  	s3 =	sld [smem:$0x3FDB];
	s0 =	simm.s32 @p2 $0x1  }
0x17: {  	s4 =	simm.s32 $0x1BF5;
	[smem:$0x3FAC] =	sst s0  }
0x18: {  	s0 =	sld [smem:$0x3F8F];
	_ =	swait.ge [sflag:s4], $0x0  }
0x19: {  	s7 =	sld [smem:$0x3F90]  }
0x1a: {  	s8 =	sadd.s32 $0xFFFFE003, lr  }
0x1b: {  	s9 =	sadd.s32 $0xFFFFFEF7, lr;
	s5 =	simm.s32 $0xFFFFFFFF;
	p2 =	slt.u32 s8, $0xFFFFF086  }
0x1c: {  	p1 =	slt.u32 s9, $0xF7A;
	s5 =	simm.s32 @!p2 $0x0  }
0x1d: {  	s5 =	simm.s32 @p1 $0x1;
	p0 =	seq.s32 s7, s2  }
0x1e: {  	s7 =	smul.u32 @!p0 $0xF7A, s2;
	p2 =	seq.s32 @!p0 s5, $0x0  }
0x1f: {  	s9 =	smul.u32 $0xF7A, s1;
	s8 =	simm.s32 @!p0 $0x1BF5;
	p2 =	por !p2, p0  }
0x20: {  	[sflag:s8] =	ssyncset.s32 @!p0 $0xFFFFF086;
	s6 =	sadd.s32 @!p0 s3, s7;
	s7 =	simm.s32 @!p0 $0x108  }
0x21: {  	s3 =	sadd.s32 s3, s9;
	s6 =	sadd.s32 @!p0 $0x88, s6;
	s7 =	simm.s32 @p2 $0x1082  }
0x22: {  	[simem:s7], [sflag:s8] =	dma.local @!p0 [hbm:s6], $0xF7A  }
0x23: {  	s9 =	sor.u32 $0xD0000000, s2;
	s6 =	simm.s32 $0x108;
	_ =	swait.ge @!p0 [sflag:s8], $0x0  }
0x24: {  	s3 =	sadd.s32 $0x88, s3;
	s6 =	simm.s32 @!p1 $0x1082;
	[sflag:s4] =	ssyncset.s32 $0xFFFFF086  }
0x25: {  	[simem:s6], [sflag:s4] =	dma.local [hbm:s3], $0xF7A  }
0x26: {  	[smem:$0x3F90] =	sst s1;
	(tag) =	ssettag s2;
	_ =	strace s9  }
0x27: {  	s1 =	sld [smem:$0x3FA0]  }
0x28: {  	s2 =	sld [smem:$0x3FA1]  }
0x29: {  	s4 =	sld [smem:$0x3FA3]  }
0x2a: {  	p0 =	seq.s32 s5, $0x0;
	s5 =	sld [smem:$0x3FA4]  }
0x2b: {  	s6 =	sld [smem:$0x3FA5]  }
0x2c: {  	s7 =	sld [smem:$0x3FA6]  }
0x2d: {  	s3 =	simm.s32 $0x108;
	s8 =	sld [smem:$0x3FA7]  }
0x2e: {  	s3 =	simm.s32 @!p0 $0x1082;
	s9 =	sld [smem:$0x3FA8]  }
0x2f: {  	lr =	sadd.s32 s0, s3;
	s0 =	sld [smem:$0x3F9F]  }
0x30: {  	s3 =	sld [smem:$0x3FA2]  }
0x31: {  	[smem:$0x3FAB] =	sst s10  }
0x32: {  	s10 =	sld [smem:$0x3FA9];
	_ =	sdelay $0x3  }
0x33: {  	p0 =	seq.s32 s10, $0x1;
	s10 =	sld [smem:$0x3FAB];
	_ =	sdelay $0x3  }
0x34: {  	[smem:$0x3FAB] =	sst s10  }
0x35: {  	s10 =	sld [smem:$0x3FAA];
	_ =	sdelay $0x3  }
0x36: {  	p1 =	seq.s32 s10, $0x1;
	s10 =	sld [smem:$0x3FAB];
	_ =	sdelay $0x3  }
0x37: {  	[smem:$0x3FAB] =	sst s10  }
0x38: {  	s10 =	sld [smem:$0x3FAC]  }
0x39: {  	_ = 	snop;
	(pc) =	sbr.ind lr, $3  }
0x3a: {  	_ = 	snop  }
0x3b: {  	_ = 	snop  }
0x3c: {  	p2 =	seq.s32 s10, $0x1;
	s10 =	sld [smem:$0x3FAB]  }
0x3d: {  	_ =	shalt  }
0x3e: {  	_ =	shalt  }
0x3f: {  	_ =	shalt  }
0x40: {  	_ =	shalt  }
0x41: {  	_ =	shalt  }
0x42: {  	_ =	shalt  }
0x43: {  	_ =	shalt  }
0x44: {  	_ =	shalt  }
0x45: {  	_ =	shalt  }
0x46: {  	_ =	shalt  }
0x47: {  	_ =	shalt  }
0x48: {  	_ =	shalt  }
0x49: {  	_ =	shalt  }
0x4a: {  	_ =	shalt  }
0x4b: {  	_ =	shalt  }
0x4c: {  	_ =	shalt  }
0x4d: {  	_ =	shalt  }
0x4e: {  	_ =	shalt  }
0x4f: {  	_ =	shalt  }
0x50: {  	_ =	shalt  }
0x51: {  	_ =	shalt  }
0x52: {  	_ =	shalt  }
0x53: {  	_ =	shalt  }
0x54: {  	_ =	shalt  }
0x55: {  	_ =	shalt  }
0x56: {  	_ =	shalt  }
0x57: {  	_ =	shalt  }
0x58: {  	_ =	shalt  }
0x59: {  	_ =	shalt  }
0x5a: {  	_ =	shalt  }
0x5b: {  	_ =	shalt  }
0x5c: {  	_ =	shalt  }
0x5d: {  	_ =	shalt  }
0x5e: {  	_ =	shalt  }
0x5f: {  	_ =	shalt  }
0x60: {  	_ =	shalt  }
0x61: {  	_ =	shalt  }
0x62: {  	_ =	shalt  }
0x63: {  	_ =	shalt  }
0x64: {  	_ =	shalt  }
0x65: {  	_ =	shalt  }
0x66: {  	_ =	shalt  }
0x67: {  	_ =	shalt  }
0x68: {  	_ =	shalt  }
0x69: {  	_ =	shalt  }
0x6a: {  	_ =	shalt  }
0x6b: {  	_ =	shalt  }
0x6c: {  	_ =	shalt  }
0x6d: {  	_ =	shalt  }
0x6e: {  	_ =	shalt  }
0x6f: {  	_ =	shalt  }
0x70: {  	_ =	shalt  }
0x71: {  	_ =	shalt  }
0x72: {  	_ =	shalt  }
0x73: {  	_ =	shalt  }
0x74: {  	_ =	shalt  }
0x75: {  	_ =	shalt  }
0x76: {  	_ =	shalt  }
0x77: {  	_ =	shalt  }
0x78: {  	_ =	shalt  }
0x79: {  	_ =	shalt  }
0x7a: {  	_ =	shalt  }
0x7b: {  	_ =	shalt  }
0x7c: {  	_ =	shalt  }
0x7d: {  	_ =	shalt  }
0x7e: {  	_ =	shalt  }
0x7f: {  	_ =	shalt  }
0x80: {  	_ =	shalt  }
0x81: {  	_ =	shalt  }
0x82: {  	_ =	shalt  }
0x83: {  	_ =	shalt  }
0x84: {  	_ =	shalt  }
0x85: {  	_ =	shalt  }
0x86: {  	_ =	shalt  }
0x87: {  	_ =	shalt  }
.Lfunc_end0:
.L_simem_size_0:
called_computation.3_lowered:
.L_overlay_start_0:
0x88: {  	s2 =	sld [smem:$0x3FD9]  }
0x89: {  	s3 =	sld [smem:$0x3FFE];
	_ =	sdelay $0x1  }
0x8a: {  	s1 =	srdreg.scid  }
0x8b: {  	s0 =	sand.u32 $0x1, s1  }
0x8c: {  	s16 =	sshll.u32 s0, $0xA;
	s2 =	sadd.s32 s3, s2  }
0x8d: {  	s2 =	sadd.s32 s2, s16  }
0x8e: {  	[smem:$0x3FB7] =	sst s2  }
0x8f: {  	_ = 	snop  }
0x90: {  	(tm) =	ssettm $0x1  }
0x91: {  	s17 =	sld [smem:$0x3FFB];
	_ =	sdelay $0x3  }
0x92: {  	_ =	strace s17  }
0x93: {  	s2 =	sld [smem:$0x3FFC];
	_ =	sdelay $0x3  }
0x94: {  	_ =	strace s2  }
0x95: {  	s2 =	sld [smem:$0x3FFD];
	_ =	sdelay $0x3  }
0x96: {  	_ =	strace s2  }
0x97: {  	_ =	strace $0x8FFFFFFF  }
0x98: {  	s18 =	sld [smem:$0x3FDB];
	_ =	sdelay $0x1  }
0x99: {  	s19 =	simm.s32 $_scs_section_size  }
0x9a: {  	s4 =	simm.s32 $_size__tile_overlayer_lowered;
	s5 =	simm.s32 $_tile_overlayer_lowered  }
0x9b: {  	s22 =	simm.s32 $0x1BFF;
	s21 =	sshll.u32 s5, $0x1;
	s2 =	sadd.s32 s19, s18  }
0x9c: {  	s6 =	simm.s32 $0x0;
	s20 =	sshll.u32 s4, $0x1;
	s4 =	sadd.s32 s21, s2  }
0x9d: {  	[timem:s6], [sflag:s22] =	dma.local [hbm:s4], s20  }
0x9e: {  	_ =	swait.ge [sflag:s22], s20  }
0x9f: {  	s3 =	ssub.s32 $0x0, s20;
	[sflag:s22] =	ssyncset.done $0x0  }
0xa0: {  	[sflag:s22] =	ssyncadd.s32 s3;
	_ =	sdelay $0x1  }
0xa1: {  	s23 =	simm.s32 $0x1B8B  }
0xa2: {  	_ =	swait.ge [sflag:s23], $0x1  }
0xa3: {  	[sflag:s23] =	ssyncset.done $0x0  }
0xa4: {  	s25 =	simm.s32 $0x1B8E;
	s24 =	sld [smem:$0x3FFE];
	[sflag:s23] =	ssyncadd.s32 $0xFFFFFFFF  }
0xa5: {  	s26 =	simm.s32 $execute0_lowered;
	[smem:$0x3FD2] =	sst s25  }
0xa6: {  	s4 =	sshll.u32 s26, $0x1;
	_ =	strace $0x8000004F;
	[dreg:$0x1] =	wrdreg $0xFFFFFFFF  }
0xa7: {  	s28 =	simm.s32 $_size_execute0_lowered;
	s2 =	sadd.s32 s2, s4;
	[dreg:$0x0] =	wrdreg $0x0  }
0xa8: {  	s4 =	sshll.u32 s28, $0x1;
	[dreg:$0x2] =	wrdreg s2  }
0xa9: {  	[dreg:$0x3] =	wrdreg s4  }
0xaa: {  	[dreg:$0x4] =	wrdreg $0xC0  }
0xab: {  	_ =	task [dreg:s6], $0x5FFFF  }
0xac: {  	[dreg:$0x1] =	wrdreg $0xFFFFFFFF  }
0xad: {  	[dreg:$0x0] =	wrdreg $0x60  }
0xae: {  	[dreg:$0x2] =	wrdreg s24  }
0xaf: {  	[dreg:$0x3] =	wrdreg $0x101D00  }
0xb0: {  	[dreg:$0x4] =	wrdreg $0x9  }
0xb1: {  	_ =	task.clear_ibuf [dreg:s6], $0x5FFFF;
	_ =	strace $0x9000004F  }
0xb2: {  	s29 =	simm.s32 $0x9;
	_ =	strace $0x80000051  }
0xb3: {  	_ =	swait.ge [sflag:s29], $0x1  }
0xb4: {  	[sflag:s29] =	ssyncadd.s32 $0xFFFFFFFF  }
0xb5: {  	_ =	strace $0x90000051  }
0xb6: {  	_ =	sfence  }
0xb7: {  	s30 =	sld [smem:$0x0];
	_ =	sdelay $0x2  }
0xb8: {  	s31 =	sshll.u32 s1, $0xD;
	s1 =	sshrl.u32 s1, $0x2  }
0xb9: {  	s3 =	sand.u32 $0x4000, s31;
	s1 =	sadd.s32 s1, s30  }
0xba: {  	s0 =	sor.u32 s3, s0;
	s1 =	sshll.u32 s1, $0x11  }
0xbb: {  	s0 =	sor.u32 s1, s0  }
0xbc: {  	s0 =	sadd.s32 $0x8F2B, s0  }
0xbd: {  	[sflag:s0] =	ssyncadd.remote.s32 $0x1  }
0xbe: {  	_ =	sfence.sel $0xFFFF  }
0xbf: {  	[dreg:$0x0] =	wrdreg $0xFFFFFFFF;
	(pc) =	sbr.abs _section_cstart, $3  }
0xc0: {  	[dreg:$0x1] =	wrdreg $0xFFFFFFFF  }
0xc1: {  	_ =	task.clear_ibuf [dreg:s6], $0x2FFFF;
	_ =	strace $0x9FFFFFFF  }
0xc2: {  	(tm) =	ssettm $0x7FFFFFFF  }
0xc3: {  	_ =	shalt  }
tec
execute0_lowered:
.L_overlay_start_1:
0x0: {  	(tag) =	ssettag $0x1  }
0x1: {  	s25 =	rddreg [dreg:$0x0]  }
0x2: {  	s2 =	rddreg [dreg:$0x1]  }
0x3: {  	s0 =	rddreg [dreg:$0x2]  }
0x4: {  	s3 =	simm.s32 $0x0;
	s4 =	srdreg.scid;
	s1 =	stileid.u32  }
0x5: {  	[smem:$0x7FF] =	sst s3;
	s26 =	sand.u32 $0x1, s4;
	s28 =	smul.u32 $0x4E20, s1  }
0x6: {  	s5 =	sshll.u32 s1, $0x6;
	s4 =	sadd.s32 $0xAA000, s25;
	s6 =	smul.u32 $0x50, s26  }
0x7: {  	_ =	strace $0x80000050;
	s5 =	sor.u32 $0x1C05, s5;
	s7 =	sadd.s32 s28, s2  }
0x8: {  	s9 =	sor.u32 s1, s6;
	s7 =	sshrl.u32 s7, $0x3;
	s6 =	simm.s32 $0x5  }
0x9: {  	[spmem:s7], [sflag:s5] =	dma.local [hbm:s4], $0x9C4  }
0xa: {  	s8 =	smul.u32 $0x7D, s9;
	_ =	swait.ge [sflag:s6], $0x9C4  }
0xb: {  	s23 =	sadd.s32 $0x8C00, s25;
	s29 =	smul.u32 $0x3E8, s9;
	[sflag:s6] =	ssyncset.done $0x0  }
0xc: {  	s24 =	sadd.s32 $0xAB800, s25;
	s9 =	smul.u32 $0xFA0, s9;
	[sflag:s6] =	ssyncadd.s32 $0xFFFFF63C  }
0xd: {  	s8 =	sadd.s32 s23, s8;
	s12 =	sadd.s32 $0x3E80, s29;
	[bflag:$0x0] =	sbarrier.arrive $0xFFFF  }
0xe: {  	[tilespmem:s3], [sflag:$0x1] =	stream.linear.gather [hbm4b:s8+s3], $0x3E8, $0x38;
	[tilespmem:$0x14FF0] =	vst v63  }
0xf: {  	s10 =	simm.s32 $0x7D0;
	s9 =	sadd.s32 s24, s9;
	s11 =	sshrl.u32 s12, $0x3  }
0x10: {  	[tilespmem:s10], [sflag:$0x3] =	stream.linear.gather [hbm4b:s9+s3], $0x7D00, $0x38;
	[tilespmem:$0x14FF0] =	vst v63  }
0x11: {  	s13 =	sshll.u32 s12, $0x2;
	s12 =	simm.s32 $0x3E8;
	s11 =	sadd.s32 s23, s11  }
0x12: {  	[tilespmem:s12], [sflag:$0x2] =	stream.linear.gather [hbm4b:s11+s3], $0x3E8, $0x38;
	[tilespmem:$0x14FF0] =	vst v63  }
0x13: {  	s14 =	simm.s32 $0x84D0;
	s15 =	simm.s32 $0x1;
	s13 =	sadd.s32 s24, s13  }
0x14: {  	[tilespmem:s14], [sflag:$0x4] =	stream.linear.gather [hbm4b:s13+s3], $0x7D00, $0x38;
	[tilespmem:$0x14FF0] =	vst v63  }
0x15: {  	_ =	swait.ge [sflag:s15], $0x3E8  }
0x16: {  	[sflag:s15] =	ssyncset.done $0x0  }
0x17: {  	s16 =	simm.s32 $0x3;
	[sflag:s15] =	ssyncadd.s32 $0xFFFFFC18  }
0x18: {  	_ =	swait.ge [sflag:s16], $0x7D00  }
0x19: {  	[sflag:s16] =	ssyncset.done $0x0  }
0x1a: {  	[sflag:s16] =	ssyncadd.s32 $0xFFFF8300  }
0x1b: {  	[spmem:s2] =	stream.indirect.scatter.add.f32 [tilespmem:s10], [sflag:$0x5], $0x20, s3, s12, $0xb8;
	[tilespmem:$0x14FF0] =	vst v63  }
0x1c: {  	s18 =	sadd.s32 $0x7D00, s29;
	_ =	swait.ge [sflag:s6], $0x7D00  }
0x1d: {  	s17 =	sshrl.u32 s18, $0x3;
	[sflag:s6] =	ssyncset.done $0x0  }
0x1e: {  	s18 =	sshll.u32 s18, $0x2;
	s17 =	sadd.s32 s23, s17;
	[sflag:s6] =	ssyncadd.s32 $0xFFFF8300  }
0x1f: {  	[tilespmem:s3], [sflag:$0x1] =	stream.linear.gather [hbm4b:s17+s3], $0x3E8, $0x38;
	[tilespmem:$0x14FF0] =	vst v63  }
0x20: {  	s19 =	simm.s32 $0x2;
	s18 =	sadd.s32 s24, s18  }
0x21: {  	[tilespmem:s10], [sflag:$0x3] =	stream.linear.gather [hbm4b:s18+s3], $0x7D00, $0x38;
	[tilespmem:$0x14FF0] =	vst v63  }
0x22: {  	_ =	swait.ge [sflag:s19], $0x3E8  }
0x23: {  	[sflag:s19] =	ssyncset.done $0x0  }
0x24: {  	s20 =	simm.s32 $0x4;
	[sflag:s19] =	ssyncadd.s32 $0xFFFFFC18  }
0x25: {  	_ =	swait.ge [sflag:s20], $0x7D00  }
0x26: {  	[sflag:s20] =	ssyncset.done $0x0  }
0x27: {  	[sflag:s20] =	ssyncadd.s32 $0xFFFF8300  }
0x28: {  	[spmem:s2] =	stream.indirect.scatter.add.f32 [tilespmem:s14], [sflag:$0x5], $0x20, s12, s12, $0xb8;
	[tilespmem:$0x14FF0] =	vst v63  }
0x29: {  	s22 =	sadd.s32 $0xBB80, s29;
	_ =	swait.ge [sflag:s6], $0x7D00  }
0x2a: {  	s21 =	sshrl.u32 s22, $0x3;
	[sflag:s6] =	ssyncset.done $0x0  }
0x2b: {  	s22 =	sshll.u32 s22, $0x2;
	s21 =	sadd.s32 s23, s21;
	[sflag:s6] =	ssyncadd.s32 $0xFFFF8300  }
0x2c: {  	[tilespmem:s12], [sflag:$0x2] =	stream.linear.gather [hbm4b:s21+s3], $0x3E8, $0x38;
	[tilespmem:$0x14FF0] =	vst v63  }
0x2d: {  	s22 =	sadd.s32 s24, s22  }
0x2e: {  	[tilespmem:s14], [sflag:$0x4] =	stream.linear.gather [hbm4b:s22+s3], $0x7D00, $0x38;
	[tilespmem:$0x14FF0] =	vst v63  }
0x2f: {  	_ =	swait.ge [sflag:s15], $0x3E8  }
0x30: {  	[sflag:s15] =	ssyncset.done $0x0  }
0x31: {  	[sflag:s15] =	ssyncadd.s32 $0xFFFFFC18  }
0x32: {  	_ =	swait.ge [sflag:s16], $0x7D00  }
0x33: {  	[sflag:s16] =	ssyncset.done $0x0  }
0x34: {  	[sflag:s16] =	ssyncadd.s32 $0xFFFF8300  }
0x35: {  	[spmem:s2] =	stream.indirect.scatter.add.f32 [tilespmem:s10], [sflag:$0x5], $0x20, s3, s12, $0xb8;
	[tilespmem:$0x14FF0] =	vst v63  }
0x36: {  	s29 =	sadd.s32 $0xFA00, s29;
	_ =	swait.ge [sflag:s6], $0x7D00  }
0x37: {  	s30 =	sshrl.u32 s29, $0x3;
	[sflag:s6] =	ssyncset.done $0x0  }
0x38: {  	s29 =	sshll.u32 s29, $0x2;
	s23 =	sadd.s32 s23, s30;
	[sflag:s6] =	ssyncadd.s32 $0xFFFF8300  }
0x39: {  	[tilespmem:s3], [sflag:$0x1] =	stream.linear.gather [hbm4b:s23+s3], $0x3E8, $0x38;
	[tilespmem:$0x14FF0] =	vst v63  }
0x3a: {  	s24 =	sadd.s32 s24, s29  }
0x3b: {  	[tilespmem:s10], [sflag:$0x3] =	stream.linear.gather [hbm4b:s24+s3], $0x7D00, $0x38;
	[tilespmem:$0x14FF0] =	vst v63  }
0x3c: {  	_ =	swait.ge [sflag:s19], $0x3E8  }
0x3d: {  	[sflag:s19] =	ssyncset.done $0x0  }
0x3e: {  	[sflag:s19] =	ssyncadd.s32 $0xFFFFFC18  }
0x3f: {  	_ =	swait.ge [sflag:s20], $0x7D00  }
0x40: {  	[sflag:s20] =	ssyncset.done $0x0  }
0x41: {  	[sflag:s20] =	ssyncadd.s32 $0xFFFF8300  }
0x42: {  	[spmem:s2] =	stream.indirect.scatter.add.f32 [tilespmem:s14], [sflag:$0x5], $0x20, s12, s12, $0xb8;
	[tilespmem:$0x14FF0] =	vst v63  }
0x43: {  	_ =	swait.ge [sflag:s6], $0x7D00  }
0x44: {  	[sflag:s6] =	ssyncset.done $0x0  }
0x45: {  	[sflag:s6] =	ssyncadd.s32 $0xFFFF8300  }
0x46: {  	_ =	swait.ge [sflag:s15], $0x3E8  }
0x47: {  	[sflag:s15] =	ssyncset.done $0x0  }
0x48: {  	[sflag:s15] =	ssyncadd.s32 $0xFFFFFC18  }
0x49: {  	s30 =	smul.u32 $0x4E200, s26;
	s26 =	ssub.s32 $0x2, s26;
	_ =	swait.ge [sflag:s16], $0x7D00  }
0x4a: {  	s31 =	sshrl.u32 s26, $0x1;
	[sflag:s16] =	ssyncset.done $0x0  }
0x4b: {  	s26 =	ssub.s32 s26, s31;
	[sflag:s16] =	ssyncadd.s32 $0xFFFF8300  }
0x4c: {  	[spmem:s2] =	stream.indirect.scatter.add.f32 [tilespmem:s10], [sflag:$0x5], $0x20, s3, s12, $0xb8;
	[tilespmem:$0x14FF0] =	vst v63  }
0x4d: {  	s28 =	sadd.s32 s28, s30;
	s26 =	smax.u32 s26, $0x1;
	_ =	swait.ge [sflag:s6], $0x7D00  }
0x4e: {  	s28 =	sshrl.u32 s28, $0x3;
	p0 =	sne.s32 s26, $0x1;
	[sflag:s6] =	ssyncset.done $0x0  }
.Ltmp0:
0x4f: {  	s25 =	sadd.s32 s28, s25;
	[sflag:s6] =	ssyncadd.s32 $0xFFFF8300;
	(pc) =	sbr.rel @!p0 .LBB2_2-.Ltmp0, $4  }
0x50: {  	s25 =	sadd.s32 $0x5BE00, s25;
	[bflag:$0x0] =	sbarrier.arrive $0xFFFF  }
0x51: {  	[hbm:s25], [sflag:s5] =	dma.local [spmem:s7], $0x9C4  }
0x52: {  	_ =	swait.ge [sflag:s6], $0x9C4  }
0x53: {  	s26 =	sadd.s32 $0xFFFFFFFF, s26;
	[sflag:s6] =	ssyncset.done $0x0  }
.LBB2_1:
0x54: {  	p0 =	sne.s32 s26, $0x1;
	s26 =	sadd.s32 $0xFFFFFFFF, s26;
	[sflag:s6] =	ssyncadd.s32 $0xFFFFF63C  }
0x55: {  	[spmem:s7], [sflag:s5] =	dma.local [hbm:s4], $0x9C4  }
0x56: {  	_ =	swait.ge [sflag:s6], $0x9C4  }
0x57: {  	[sflag:s6] =	ssyncset.done $0x0  }
0x58: {  	[sflag:s6] =	ssyncadd.s32 $0xFFFFF63C  }
0x59: {  	[bflag:$0x0] =	sbarrier.arrive $0xFFFF  }
0x5a: {  	[tilespmem:s3], [sflag:$0x1] =	stream.linear.gather [hbm4b:s8+s3], $0x3E8, $0x38;
	[tilespmem:$0x14FF0] =	vst v63  }
0x5b: {  	_ = 	snop  }
0x5c: {  	[tilespmem:s10], [sflag:$0x3] =	stream.linear.gather [hbm4b:s9+s3], $0x7D00, $0x38;
	[tilespmem:$0x14FF0] =	vst v63  }
0x5d: {  	_ = 	snop  }
0x5e: {  	[tilespmem:s12], [sflag:$0x2] =	stream.linear.gather [hbm4b:s11+s3], $0x3E8, $0x38;
	[tilespmem:$0x14FF0] =	vst v63  }
0x5f: {  	_ = 	snop  }
0x60: {  	[tilespmem:s14], [sflag:$0x4] =	stream.linear.gather [hbm4b:s13+s3], $0x7D00, $0x38;
	[tilespmem:$0x14FF0] =	vst v63  }
0x61: {  	_ =	swait.ge [sflag:s15], $0x3E8  }
0x62: {  	[sflag:s15] =	ssyncset.done $0x0  }
0x63: {  	[sflag:s15] =	ssyncadd.s32 $0xFFFFFC18  }
0x64: {  	_ =	swait.ge [sflag:s16], $0x7D00  }
0x65: {  	[sflag:s16] =	ssyncset.done $0x0  }
0x66: {  	[sflag:s16] =	ssyncadd.s32 $0xFFFF8300  }
0x67: {  	[spmem:s2] =	stream.indirect.scatter.add.f32 [tilespmem:s10], [sflag:$0x5], $0x20, s3, s12, $0xb8;
	[tilespmem:$0x14FF0] =	vst v63  }
0x68: {  	_ =	swait.ge [sflag:s6], $0x7D00  }
0x69: {  	[sflag:s6] =	ssyncset.done $0x0  }
0x6a: {  	[sflag:s6] =	ssyncadd.s32 $0xFFFF8300  }
0x6b: {  	[tilespmem:s3], [sflag:$0x1] =	stream.linear.gather [hbm4b:s17+s3], $0x3E8, $0x38;
	[tilespmem:$0x14FF0] =	vst v63  }
0x6c: {  	_ = 	snop  }
0x6d: {  	[tilespmem:s10], [sflag:$0x3] =	stream.linear.gather [hbm4b:s18+s3], $0x7D00, $0x38;
	[tilespmem:$0x14FF0] =	vst v63  }
0x6e: {  	_ =	swait.ge [sflag:s19], $0x3E8  }
0x6f: {  	[sflag:s19] =	ssyncset.done $0x0  }
0x70: {  	[sflag:s19] =	ssyncadd.s32 $0xFFFFFC18  }
0x71: {  	_ =	swait.ge [sflag:s20], $0x7D00  }
0x72: {  	[sflag:s20] =	ssyncset.done $0x0  }
0x73: {  	[sflag:s20] =	ssyncadd.s32 $0xFFFF8300  }
0x74: {  	[spmem:s2] =	stream.indirect.scatter.add.f32 [tilespmem:s14], [sflag:$0x5], $0x20, s12, s12, $0xb8;
	[tilespmem:$0x14FF0] =	vst v63  }
0x75: {  	_ =	swait.ge [sflag:s6], $0x7D00  }
0x76: {  	[sflag:s6] =	ssyncset.done $0x0  }
0x77: {  	[sflag:s6] =	ssyncadd.s32 $0xFFFF8300  }
0x78: {  	[tilespmem:s12], [sflag:$0x2] =	stream.linear.gather [hbm4b:s21+s3], $0x3E8, $0x38;
	[tilespmem:$0x14FF0] =	vst v63  }
0x79: {  	_ = 	snop  }
0x7a: {  	[tilespmem:s14], [sflag:$0x4] =	stream.linear.gather [hbm4b:s22+s3], $0x7D00, $0x38;
	[tilespmem:$0x14FF0] =	vst v63  }
0x7b: {  	_ =	swait.ge [sflag:s15], $0x3E8  }
0x7c: {  	[sflag:s15] =	ssyncset.done $0x0  }
0x7d: {  	[sflag:s15] =	ssyncadd.s32 $0xFFFFFC18  }
0x7e: {  	_ =	swait.ge [sflag:s16], $0x7D00  }
0x7f: {  	[sflag:s16] =	ssyncset.done $0x0  }
0x80: {  	[sflag:s16] =	ssyncadd.s32 $0xFFFF8300  }
0x81: {  	[spmem:s2] =	stream.indirect.scatter.add.f32 [tilespmem:s10], [sflag:$0x5], $0x20, s3, s12, $0xb8;
	[tilespmem:$0x14FF0] =	vst v63  }
0x82: {  	_ =	swait.ge [sflag:s6], $0x7D00  }
0x83: {  	[sflag:s6] =	ssyncset.done $0x0  }
0x84: {  	[sflag:s6] =	ssyncadd.s32 $0xFFFF8300  }
0x85: {  	[tilespmem:s3], [sflag:$0x1] =	stream.linear.gather [hbm4b:s23+s3], $0x3E8, $0x38;
	[tilespmem:$0x14FF0] =	vst v63  }
0x86: {  	_ = 	snop  }
0x87: {  	[tilespmem:s10], [sflag:$0x3] =	stream.linear.gather [hbm4b:s24+s3], $0x7D00, $0x38;
	[tilespmem:$0x14FF0] =	vst v63  }
0x88: {  	_ =	swait.ge [sflag:s19], $0x3E8  }
0x89: {  	[sflag:s19] =	ssyncset.done $0x0  }
0x8a: {  	[sflag:s19] =	ssyncadd.s32 $0xFFFFFC18  }
0x8b: {  	_ =	swait.ge [sflag:s20], $0x7D00  }
0x8c: {  	[sflag:s20] =	ssyncset.done $0x0  }
0x8d: {  	[sflag:s20] =	ssyncadd.s32 $0xFFFF8300  }
0x8e: {  	[spmem:s2] =	stream.indirect.scatter.add.f32 [tilespmem:s14], [sflag:$0x5], $0x20, s12, s12, $0xb8;
	[tilespmem:$0x14FF0] =	vst v63  }
0x8f: {  	_ =	swait.ge [sflag:s6], $0x7D00  }
0x90: {  	[sflag:s6] =	ssyncset.done $0x0  }
0x91: {  	[sflag:s6] =	ssyncadd.s32 $0xFFFF8300  }
0x92: {  	_ =	swait.ge [sflag:s15], $0x3E8  }
0x93: {  	[sflag:s15] =	ssyncset.done $0x0  }
0x94: {  	[sflag:s15] =	ssyncadd.s32 $0xFFFFFC18  }
0x95: {  	_ =	swait.ge [sflag:s16], $0x7D00  }
0x96: {  	[sflag:s16] =	ssyncset.done $0x0  }
0x97: {  	[sflag:s16] =	ssyncadd.s32 $0xFFFF8300  }
0x98: {  	[spmem:s2] =	stream.indirect.scatter.add.f32 [tilespmem:s10], [sflag:$0x5], $0x20, s3, s12, $0xb8;
	[tilespmem:$0x14FF0] =	vst v63  }
0x99: {  	_ =	swait.ge [sflag:s6], $0x7D00  }
0x9a: {  	[sflag:s6] =	ssyncset.done $0x0  }
.Ltmp1:
0x9b: {  	[sflag:s6] =	ssyncadd.s32 $0xFFFF8300;
	(pc) =	sbr.rel @p0 .LBB2_1-.Ltmp1, $4  }
0x9c: {  	[bflag:$0x0] =	sbarrier.arrive $0xFFFF  }
0x9d: {  	[hbm:s25], [sflag:s5] =	dma.local [spmem:s7], $0x9C4  }
0x9e: {  	_ =	swait.ge [sflag:s6], $0x9C4  }
0x9f: {  	[sflag:s6] =	ssyncset.done $0x0  }
.LBB2_2:
0xa0: {  	[sflag:s6] =	ssyncadd.s32 $0xFFFFF63C  }
0xa1: {  	_ =	sfence.sel $0x180000  }
0xa2: {  	[bflag:$0x0] =	sbarrier.arrive $0xFFFF  }
0xa3: {  	p0 =	sne.s32 s1, $0x0;
	_ =	strace $0x90000050  }
0xa4: {  	s0 =	sadd.s32 @!p0 $0x100000, s0;
	[bflag:$0x2] =	sbarrier.arrive $0xFFFF  }
0xa5: {  	[sflag:s0] =	ssyncadd.tile.s32 @!p0 $0x1;
	_ =	shalt  }
.Lfunc_end2:
_tile_overlayer_lowered:
.L_overlay_start_2:
0xa6: {  	(tag) =	ssettag $0x2  }
0xa7: {  	s0 =	rddreg [dreg:$0x0];
	s2 =	stileid.u32  }
0xa8: {  	s1 =	rddreg [dreg:$0x1];
	p0 =	sne.s32 s2, $0x0  }
0xa9: {  	s3 =	rddreg [dreg:$0x2];
	[bflag:$0x3] =	sbarrier.arrive $0xFFFF;
	s2 =	simm.s32 @!p0 $0x1C05  }
0xaa: {  	[timem:s3], [sflag:s2] =	dma.local @!p0 [hbm:s0], s1  }
0xab: {  	s0 =	simm.s32 @!p0 $0x5  }
0xac: {  	_ =	swait.ge @!p0 [sflag:s0], s1  }
0xad: {  	s1 =	ssub.s32 @!p0 $0x0, s1;
	[sflag:s0] =	ssyncset.done @!p0 $0x0  }
0xae: {  	[sflag:s0] =	ssyncadd.s32 @!p0 s1  }
0xaf: {  	[bflag:$0x3] =	sbarrier.arrive $0xFFFF  }
0xb0: {  	_ =	shalt  }

</sc_bundles>
